<compile_context>
chip_gen: v7x
topology: tpu7x:2x2x1
jax: 0.10.2.dev20260603
libtpu: 0.0.44.dev20260713+nightly
codegen_flags: <defaults>
</compile_context>

<pallas_src>
import jax
import jax.numpy as jnp
from jax import lax
from jax.experimental import pallas as pl
from jax.experimental.pallas import tpu as pltpu
from jax.experimental.pallas import tpu_sc as plsc

N = 10000
E = 320000
D = 128
DH = 256
DHALF = D // 2

NC = 2
NS = 16
L = 16

NPAD = 10240
ROWS_PER_TILE = NPAD // NS
CB = 128
NCHUNK = 160
EW = NCHUNK * CB
EPAD = NS * EW
BR = 256


def _sc_mesh():
    return plsc.VectorSubcoreMesh(
        core_axis_name="c", subcore_axis_name="s", num_cores=NC, num_subcores=NS
    )


def _deg_body(dst_hbm, out_hbm, dst_v, ones_v, zbuf, acc_sh):
    c = lax.axis_index("c")
    s = lax.axis_index("s")
    row0 = s * ROWS_PER_TILE

    ones = jnp.ones((L,), jnp.float32)
    zero = jnp.zeros((L,), jnp.float32)

    def fill(r, _):
        ones_v[r, :] = ones
        zbuf[r, :] = zero
        return ()

    lax.fori_loop(0, CB, fill, ())

    for k in range(ROWS_PER_TILE // CB):
        pltpu.sync_copy(zbuf, acc_sh.at[pl.ds(row0 + k * CB, CB)])
    pltpu.sync_copy(dst_hbm.at[s, pl.ds(c * (NCHUNK // 2), NCHUNK // 2)], dst_v)
    plsc.subcore_barrier()

    def body(j, _):
        pltpu.sync_copy(ones_v, acc_sh.at[dst_v.at[j]], add=True)
        return ()

    lax.fori_loop(0, NCHUNK // 2, body, ())
    plsc.subcore_barrier()
    pltpu.sync_copy(
        acc_sh.at[pl.ds(row0, ROWS_PER_TILE)],
        out_hbm.at[c, pl.ds(row0, ROWS_PER_TILE)],
    )


def _deg_counts(dst3d):
    k = pl.kernel(
        _deg_body,
        out_type=jax.ShapeDtypeStruct((NC, NPAD, L), jnp.float32),
        mesh=_sc_mesh(),
        scratch_types=[
            pltpu.VMEM((NCHUNK // 2, CB), jnp.int32),
            pltpu.VMEM((CB, L), jnp.float32),
            pltpu.VMEM((CB, L), jnp.float32),
            pltpu.VMEM_SHARED((NPAD, L), jnp.float32),
        ],
        compiler_params=pltpu.CompilerParams(use_tc_tiling_on_sc=False),
    )
    return k(dst3d)


RING = 4
NG = NCHUNK // RING


def _edge_body(y_hbm, src_hbm, dst_hbm, out_hbm, *scr):
    sw = scr[0:2]
    dw = scr[2:4]
    bufs = scr[4:4 + RING]
    sg = scr[4 + RING:4 + 2 * RING]
    ss = scr[4 + 2 * RING:4 + 3 * RING]
    siw = scr[4 + 3 * RING:6 + 3 * RING]
    table = scr[6 + 3 * RING]
    acc_sh = scr[7 + 3 * RING]

    c = lax.axis_index("c")
    s = lax.axis_index("s")
    row0 = s * ROWS_PER_TILE

    def load_win(g, p):
        pltpu.async_copy(src_hbm.at[s, pl.ds(g * RING, RING)], sw[p], siw[p])
        pltpu.async_copy(dst_hbm.at[s, pl.ds(g * RING, RING)], dw[p], siw[p])

    def wait_win(p):
        pltpu.make_async_copy(src_hbm.at[s, pl.ds(0, RING)], sw[p], siw[p]).wait()
        pltpu.make_async_copy(dst_hbm.at[s, pl.ds(0, RING)], dw[p], siw[p]).wait()

    load_win(0, 0)
    load_win(1, 1)
    pltpu.sync_copy(y_hbm.at[c, pl.ds(row0, ROWS_PER_TILE)],
                    table.at[pl.ds(row0, ROWS_PER_TILE)])

    zero = jnp.zeros((2 * L,), jnp.bfloat16)

    def zfill(r, _):
        for cc in range(DHALF // (2 * L)):
            bufs[0][r, pl.ds(cc * 2 * L, 2 * L)] = zero
        return ()

    lax.fori_loop(0, CB, zfill, ())
    for k in range(ROWS_PER_TILE // CB):
        pltpu.sync_copy(bufs[0], acc_sh.at[pl.ds(row0 + k * CB, CB)])
    plsc.subcore_barrier()

    wait_win(0)
    for b in range(RING):
        pltpu.async_copy(table.at[sw[0].at[b]], bufs[b], sg[b])

    def body(t, _):
        for p in range(2):
            g = t * 2 + p
            gnext = g + 1
            pnext = 1 - p
            for b in range(RING):
                pltpu.make_async_copy(table.at[sw[p].at[b]], bufs[b], sg[b]).wait()
                pltpu.async_copy(bufs[b], acc_sh.at[dw[p].at[b]], ss[b], add=True)

            @pl.when(gnext < NG)
            def _():
                wait_win(pnext)

            for b in range(RING):
                pltpu.make_async_copy(bufs[b], acc_sh.at[dw[p].at[0]], ss[b]).wait()

                @pl.when(gnext < NG)
                def _():
                    pltpu.async_copy(table.at[sw[pnext].at[b]], bufs[b], sg[b])

            @pl.when(g + 2 < NG)
            def _():
                load_win(g + 2, p)

        return ()

    lax.fori_loop(0, NG // 2, body, ())
    plsc.subcore_barrier()
    for k in range(ROWS_PER_TILE // CB):
        pltpu.sync_copy(
            acc_sh.at[pl.ds(row0 + k * CB, CB)],
            out_hbm.at[c, pl.ds(row0 + k * CB, CB)],
        )


def _edge_pass(y_split, src3d, dst3d):
    k = pl.kernel(
        _edge_body,
        out_type=jax.ShapeDtypeStruct((NC, NPAD, DHALF), jnp.bfloat16),
        mesh=_sc_mesh(),
        scratch_types=(
            [pltpu.VMEM((RING, CB), jnp.int32) for _ in range(4)]
            + [pltpu.VMEM((CB, DHALF), jnp.bfloat16) for _ in range(RING)]
            + [pltpu.SemaphoreType.DMA for _ in range(2 * RING + 2)]
            + [pltpu.VMEM_SHARED((NPAD, DHALF), jnp.bfloat16)]
            + [pltpu.VMEM_SHARED((NPAD, DHALF), jnp.bfloat16)]
        ),
        compiler_params=pltpu.CompilerParams(use_tc_tiling_on_sc=False),
    )
    return k(y_split, src3d, dst3d)


def _prep_body(counts_ref, x_ref, y_ref, dis_ref):
    cb = counts_ref[...]
    deg = 1.0 + cb[0, :, 0:1] + cb[1, :, 0:1]
    dis = lax.rsqrt(deg)
    dis_ref[...] = dis
    y = (x_ref[...] * dis).astype(jnp.bfloat16)
    y_ref[0] = y[:, :DHALF]
    y_ref[1] = y[:, DHALF:]


def _prep(counts, x_pad):
    return pl.pallas_call(
        _prep_body,
        grid=(NPAD // BR,),
        in_specs=[
            pl.BlockSpec((NC, BR, L), lambda i: (0, i, 0)),
            pl.BlockSpec((BR, D), lambda i: (i, 0)),
        ],
        out_specs=[
            pl.BlockSpec((2, BR, DHALF), lambda i: (0, i, 0)),
            pl.BlockSpec((BR, 1), lambda i: (i, 0)),
        ],
        out_shape=[
            jax.ShapeDtypeStruct((2, NPAD, DHALF), jnp.bfloat16),
            jax.ShapeDtypeStruct((NPAD, 1), jnp.float32),
        ],
    )(counts, x_pad)


def _mid_body(s1_ref, y1_ref, dis_ref, w1_ref, b1_ref, w2_ref, y2_ref):
    dis = dis_ref[...]
    agg_l = (s1_ref[0].astype(jnp.float32) + y1_ref[0].astype(jnp.float32)) * dis
    agg_r = (s1_ref[1].astype(jnp.float32) + y1_ref[1].astype(jnp.float32)) * dis
    agg = jnp.concatenate([agg_l, agg_r], axis=1)
    h1 = jnp.dot(agg, w1_ref[...], preferred_element_type=jnp.float32,
                 precision=lax.Precision.HIGHEST)
    h1 = jnp.maximum(h1 + b1_ref[...], 0.0)
    p = jnp.dot(h1, w2_ref[...], preferred_element_type=jnp.float32,
                precision=lax.Precision.HIGHEST) * dis
    pb = p.astype(jnp.bfloat16)
    y2_ref[0] = pb[:, :DHALF]
    y2_ref[1] = pb[:, DHALF:]


def _mid(s1, y1, dis, W1, b1, W2):
    return pl.pallas_call(
        _mid_body,
        grid=(NPAD // BR,),
        in_specs=[
            pl.BlockSpec((2, BR, DHALF), lambda i: (0, i, 0)),
            pl.BlockSpec((2, BR, DHALF), lambda i: (0, i, 0)),
            pl.BlockSpec((BR, 1), lambda i: (i, 0)),
            pl.BlockSpec((D, DH), lambda i: (0, 0)),
            pl.BlockSpec((1, DH), lambda i: (0, 0)),
            pl.BlockSpec((DH, D), lambda i: (0, 0)),
        ],
        out_specs=pl.BlockSpec((2, BR, DHALF), lambda i: (0, i, 0)),
        out_shape=jax.ShapeDtypeStruct((2, NPAD, DHALF), jnp.bfloat16),
    )(s1, y1, dis, W1, b1.reshape(1, DH), W2)


def _final_body(s2_ref, y2_ref, dis_ref, b2_ref, out_ref):
    dis = dis_ref[...]
    agg_l = (s2_ref[0].astype(jnp.float32) + y2_ref[0].astype(jnp.float32)) * dis
    agg_r = (s2_ref[1].astype(jnp.float32) + y2_ref[1].astype(jnp.float32)) * dis
    agg = jnp.concatenate([agg_l, agg_r], axis=1)
    out_ref[...] = jnp.maximum(agg + b2_ref[...], 0.0)


def _final(s2, y2, dis, b2):
    return pl.pallas_call(
        _final_body,
        grid=(NPAD // BR,),
        in_specs=[
            pl.BlockSpec((2, BR, DHALF), lambda i: (0, i, 0)),
            pl.BlockSpec((2, BR, DHALF), lambda i: (0, i, 0)),
            pl.BlockSpec((BR, 1), lambda i: (i, 0)),
            pl.BlockSpec((1, D), lambda i: (0, 0)),
        ],
        out_specs=pl.BlockSpec((BR, D), lambda i: (i, 0)),
        out_shape=jax.ShapeDtypeStruct((NPAD, D), jnp.float32),
    )(s2, y2, dis, b2.reshape(1, D))


def kernel(x, edge_index, W1, b1, W2, b2):
    src = edge_index[0]
    dst = edge_index[1]
    pad = EPAD - E
    padv = jnp.full((pad,), N, jnp.int32)
    src3d = jnp.concatenate([src, padv]).reshape(NS, NCHUNK, CB)
    dst3d = jnp.concatenate([dst, padv]).reshape(NS, NCHUNK, CB)
    x_pad = jnp.pad(x, ((0, NPAD - N), (0, 0)))

    counts = _deg_counts(dst3d)
    y1, dis = _prep(counts, x_pad)
    s1 = _edge_pass(y1, src3d, dst3d)
    y2 = _mid(s1, y1, dis, W1, b1, W2)
    s2 = _edge_pass(y2, src3d, dst3d)
    out = _final(s2, y2, dis, b2)
    return out[:N]

# --- scband reference (transcript-rebuilt; emitter-appended) ---
"""Pipeline reference for scband-gcnencoder-34600256537276 (READ-ONLY COPY).

The authoritative reference and input builder live on the scoring server;
editing this copy changes nothing except your own understanding.
"""

import jax, jax.numpy as jnp
import numpy as np

N = 10000
E = 320000
D_IN = 128
D_OUT = 128
D_HID = 2 * D_OUT


def setup_inputs(seed: int = 0) -> dict:
    key = jax.random.key(seed)
    k1, k2, k3, k4, k5, k6 = jax.random.split(key, 6)
    x = jax.random.normal(k1, (N, D_IN), dtype=jnp.float32)
    edge_index = jax.random.randint(k2, (2, E), 0, N, dtype=jnp.int32)
    W1 = jax.random.normal(k3, (D_IN, D_HID), dtype=jnp.float32) * (1.0 / np.sqrt(D_IN))
    b1 = jnp.zeros((D_HID,), dtype=jnp.float32)
    W2 = jax.random.normal(k4, (D_HID, D_OUT), dtype=jnp.float32) * (1.0 / np.sqrt(D_HID))
    b2 = jnp.zeros((D_OUT,), dtype=jnp.float32)
    return {"x": x, "edge_index": edge_index, "W1": W1, "b1": b1, "W2": W2, "b2": b2}


def _gcn_conv(x, src, dst, W, b):
    # GCNConv: x' = D^{-1/2} (A + I) D^{-1/2} (x W) + b, with self-loops added
    n = x.shape[0]
    deg = jnp.zeros((n,), dtype=x.dtype).at[dst].add(1.0)
    deg_inv_sqrt = jnp.where(deg > 0, jax.lax.rsqrt(jnp.maximum(deg, 1e-12)), 0.0)
    norm = deg_inv_sqrt[src] * deg_inv_sqrt[dst]
    h = x @ W
    msg = h[src] * norm[:, None]
    out = jnp.zeros((n, W.shape[1]), dtype=x.dtype).at[dst].add(msg)
    return out + b


def reference(x, edge_index, W1, b1, W2, b2):
    n = x.shape[0]
    loop = jnp.arange(n, dtype=edge_index.dtype)
    src = jnp.concatenate([edge_index[0], loop])
    dst = jnp.concatenate([edge_index[1], loop])
    # dropout with p=0.0 is identity
    h = x
    h = jax.nn.relu(_gcn_conv(h, src, dst, W1, b1))
    h = jax.nn.relu(_gcn_conv(h, src, dst, W2, b2))
    return h

if __name__ == "__main__":
    import jax
    _d = setup_inputs()
    print(jax.jit(kernel)(*tuple(_d.values())))

</pallas_src>

<mosaic_0001>
#map = affine_map<(d0, d1) -> (0, 0, 0)>
module attributes {stable_mosaic.version = 14 : i64} {
  func.func @_edge_body(%arg0: i32, %arg1: i32, %arg2: memref<2x10240x64xbf16, #tpu.memory_space<hbm>>, %arg3: memref<16x160x128xi32, #tpu.memory_space<hbm>>, %arg4: memref<16x160x128xi32, #tpu.memory_space<hbm>>, %arg5: memref<2x10240x64xbf16, #tpu.memory_space<hbm>>, %arg6: memref<4x128xi32, #tpu.memory_space<vmem>>, %arg7: memref<4x128xi32, #tpu.memory_space<vmem>>, %arg8: memref<4x128xi32, #tpu.memory_space<vmem>>, %arg9: memref<4x128xi32, #tpu.memory_space<vmem>>, %arg10: memref<128x64xbf16, #tpu.memory_space<vmem>>, %arg11: memref<128x64xbf16, #tpu.memory_space<vmem>>, %arg12: memref<128x64xbf16, #tpu.memory_space<vmem>>, %arg13: memref<128x64xbf16, #tpu.memory_space<vmem>>, %arg14: memref<!tpu.dma_semaphore, #tpu.memory_space<semaphore_mem>>, %arg15: memref<!tpu.dma_semaphore, #tpu.memory_space<semaphore_mem>>, %arg16: memref<!tpu.dma_semaphore, #tpu.memory_space<semaphore_mem>>, %arg17: memref<!tpu.dma_semaphore, #tpu.memory_space<semaphore_mem>>, %arg18: memref<!tpu.dma_semaphore, #tpu.memory_space<semaphore_mem>>, %arg19: memref<!tpu.dma_semaphore, #tpu.memory_space<semaphore_mem>>, %arg20: memref<!tpu.dma_semaphore, #tpu.memory_space<semaphore_mem>>, %arg21: memref<!tpu.dma_semaphore, #tpu.memory_space<semaphore_mem>>, %arg22: memref<!tpu.dma_semaphore, #tpu.memory_space<semaphore_mem>>, %arg23: memref<!tpu.dma_semaphore, #tpu.memory_space<semaphore_mem>>, %arg24: memref<10240x64xbf16, #tpu.memory_space<vmem_shared>>, %arg25: memref<10240x64xbf16, #tpu.memory_space<vmem_shared>>) attributes {dimension_semantics = [#tpu.dimension_semantics<core_parallel>, #tpu.dimension_semantics<subcore_parallel>], iteration_bounds = array<i64: 2, 16>, scalar_prefetch = 0 : i64, scratch_operands = 20 : i64, tpu.core_type = #tpu.core_type<sc_vector_subcore>, window_params = [{transform_indices = #map}, {transform_indices = #map}, {transform_indices = #map}, {transform_indices = #map}]} {
    %mul3A = arith.constant 640 : i32
    %mul3A_0 = arith.muli %arg1, %mul3A : i32
    %dma_start3A = arith.constant 0 : i32
    %dma_start3A_1 = arith.constant 0 : i32
    %dma_start3A_2 = tpu.memref_slice %arg3[%arg1, %dma_start3A, %dma_start3A_1] : memref<16x160x128xi32, #tpu.memory_space<hbm>> -> memref<1x4x128xi32, #tpu.memory_space<hbm>>
    %dma_start3A_3 = tpu.memref_squeeze %dma_start3A_2 : memref<1x4x128xi32, #tpu.memory_space<hbm>> -> memref<4x128xi32, #tpu.memory_space<hbm>>
    %dma_start3A_4 = arith.constant 0 : i32
    %dma_start3A_5 = arith.constant 0 : i32
    %dma_start3A_6 = tpu.memref_slice %arg3[%arg1, %dma_start3A_4, %dma_start3A_5] : memref<16x160x128xi32, #tpu.memory_space<hbm>> -> memref<1x4x128xi32, #tpu.memory_space<hbm>>
    %dma_start3A_7 = tpu.memref_squeeze %dma_start3A_6 : memref<1x4x128xi32, #tpu.memory_space<hbm>> -> memref<4x128xi32, #tpu.memory_space<hbm>>
    tpu.enqueue_dma source(%dma_start3A_7 : memref<4x128xi32, #tpu.memory_space<hbm>>) target(%arg6 : memref<4x128xi32, #tpu.memory_space<vmem>>) target_semaphore(%arg22 : memref<!tpu.dma_semaphore, #tpu.memory_space<semaphore_mem>>)
    %dma_start3A_8 = arith.constant 0 : i32
    %dma_start3A_9 = arith.constant 0 : i32
    %dma_start3A_10 = tpu.memref_slice %arg4[%arg1, %dma_start3A_8, %dma_start3A_9] : memref<16x160x128xi32, #tpu.memory_space<hbm>> -> memref<1x4x128xi32, #tpu.memory_space<hbm>>
    %dma_start3A_11 = tpu.memref_squeeze %dma_start3A_10 : memref<1x4x128xi32, #tpu.memory_space<hbm>> -> memref<4x128xi32, #tpu.memory_space<hbm>>
    %dma_start3A_12 = arith.constant 0 : i32
    %dma_start3A_13 = arith.constant 0 : i32
    %dma_start3A_14 = tpu.memref_slice %arg4[%arg1, %dma_start3A_12, %dma_start3A_13] : memref<16x160x128xi32, #tpu.memory_space<hbm>> -> memref<1x4x128xi32, #tpu.memory_space<hbm>>
    %dma_start3A_15 = tpu.memref_squeeze %dma_start3A_14 : memref<1x4x128xi32, #tpu.memory_space<hbm>> -> memref<4x128xi32, #tpu.memory_space<hbm>>
    tpu.enqueue_dma source(%dma_start3A_15 : memref<4x128xi32, #tpu.memory_space<hbm>>) target(%arg8 : memref<4x128xi32, #tpu.memory_space<vmem>>) target_semaphore(%arg22 : memref<!tpu.dma_semaphore, #tpu.memory_space<semaphore_mem>>)
    %dma_start3A_16 = arith.constant 4 : i32
    %dma_start3A_17 = arith.constant 0 : i32
    %dma_start3A_18 = tpu.memref_slice %arg3[%arg1, %dma_start3A_16, %dma_start3A_17] : memref<16x160x128xi32, #tpu.memory_space<hbm>> -> memref<1x4x128xi32, #tpu.memory_space<hbm>>
    %dma_start3A_19 = tpu.memref_squeeze %dma_start3A_18 : memref<1x4x128xi32, #tpu.memory_space<hbm>> -> memref<4x128xi32, #tpu.memory_space<hbm>>
    %dma_start3A_20 = arith.constant 4 : i32
    %dma_start3A_21 = arith.constant 0 : i32
    %dma_start3A_22 = tpu.memref_slice %arg3[%arg1, %dma_start3A_20, %dma_start3A_21] : memref<16x160x128xi32, #tpu.memory_space<hbm>> -> memref<1x4x128xi32, #tpu.memory_space<hbm>>
    %dma_start3A_23 = tpu.memref_squeeze %dma_start3A_22 : memref<1x4x128xi32, #tpu.memory_space<hbm>> -> memref<4x128xi32, #tpu.memory_space<hbm>>
    tpu.enqueue_dma source(%dma_start3A_23 : memref<4x128xi32, #tpu.memory_space<hbm>>) target(%arg7 : memref<4x128xi32, #tpu.memory_space<vmem>>) target_semaphore(%arg23 : memref<!tpu.dma_semaphore, #tpu.memory_space<semaphore_mem>>)
    %dma_start3A_24 = arith.constant 4 : i32
    %dma_start3A_25 = arith.constant 0 : i32
    %dma_start3A_26 = tpu.memref_slice %arg4[%arg1, %dma_start3A_24, %dma_start3A_25] : memref<16x160x128xi32, #tpu.memory_space<hbm>> -> memref<1x4x128xi32, #tpu.memory_space<hbm>>
    %dma_start3A_27 = tpu.memref_squeeze %dma_start3A_26 : memref<1x4x128xi32, #tpu.memory_space<hbm>> -> memref<4x128xi32, #tpu.memory_space<hbm>>
    %dma_start3A_28 = arith.constant 4 : i32
    %dma_start3A_29 = arith.constant 0 : i32
    %dma_start3A_30 = tpu.memref_slice %arg4[%arg1, %dma_start3A_28, %dma_start3A_29] : memref<16x160x128xi32, #tpu.memory_space<hbm>> -> memref<1x4x128xi32, #tpu.memory_space<hbm>>
    %dma_start3A_31 = tpu.memref_squeeze %dma_start3A_30 : memref<1x4x128xi32, #tpu.memory_space<hbm>> -> memref<4x128xi32, #tpu.memory_space<hbm>>
    tpu.enqueue_dma source(%dma_start3A_31 : memref<4x128xi32, #tpu.memory_space<hbm>>) target(%arg9 : memref<4x128xi32, #tpu.memory_space<vmem>>) target_semaphore(%arg23 : memref<!tpu.dma_semaphore, #tpu.memory_space<semaphore_mem>>)
    "tpu.region"() ({
      %run_scoped3A = tpu.sem_alloc : memref<!tpu.dma_semaphore, #tpu.memory_space<semaphore_mem>>
      %dma_start3A_115 = arith.constant 0 : i32
      %dma_start3A_116 = tpu.memref_slice %arg24[%mul3A_0, %dma_start3A_115] : memref<10240x64xbf16, #tpu.memory_space<vmem_shared>> -> memref<640x64xbf16, #tpu.memory_space<vmem_shared>>
      %dma_start3A_117 = arith.constant 0 : i32
      %dma_start3A_118 = tpu.memref_slice %arg2[%arg0, %mul3A_0, %dma_start3A_117] : memref<2x10240x64xbf16, #tpu.memory_space<hbm>> -> memref<1x640x64xbf16, #tpu.memory_space<hbm>>
      %dma_start3A_119 = tpu.memref_squeeze %dma_start3A_118 : memref<1x640x64xbf16, #tpu.memory_space<hbm>> -> memref<640x64xbf16, #tpu.memory_space<hbm>>
      tpu.enqueue_dma source(%dma_start3A_119 : memref<640x64xbf16, #tpu.memory_space<hbm>>) target(%dma_start3A_116 : memref<640x64xbf16, #tpu.memory_space<vmem_shared>>) target_semaphore(%run_scoped3A : memref<!tpu.dma_semaphore, #tpu.memory_space<semaphore_mem>>)
      %dma_wait3A_120 = arith.constant 0 : i32
      %dma_wait3A_121 = tpu.memref_slice %arg24[%mul3A_0, %dma_wait3A_120] : memref<10240x64xbf16, #tpu.memory_space<vmem_shared>> -> memref<640x64xbf16, #tpu.memory_space<vmem_shared>>
      %dma_wait3A_122 = arith.constant 0 : i32
      %dma_wait3A_123 = tpu.memref_slice %arg2[%arg0, %mul3A_0, %dma_wait3A_122] : memref<2x10240x64xbf16, #tpu.memory_space<hbm>> -> memref<1x640x64xbf16, #tpu.memory_space<hbm>>
      %dma_wait3A_124 = tpu.memref_squeeze %dma_wait3A_123 : memref<1x640x64xbf16, #tpu.memory_space<hbm>> -> memref<640x64xbf16, #tpu.memory_space<hbm>>
      tpu.wait_dma2 semaphore(%run_scoped3A : memref<!tpu.dma_semaphore, #tpu.memory_space<semaphore_mem>>) src(%dma_wait3A_124 : memref<640x64xbf16, #tpu.memory_space<hbm>>) dst(%dma_wait3A_121 : memref<640x64xbf16, #tpu.memory_space<vmem_shared>>)
      tpu.yield
    }) : () -> ()
    %broadcast_in_dim3A = arith.constant 0.000000e+00 : bf16
    %broadcast_in_dim3A_32 = vector.broadcast %broadcast_in_dim3A : bf16 to vector<32xbf16>
    %scan3A = arith.constant 0 : i32
    %scan3A_33 = arith.constant 128 : i32
    %scan3A_34 = arith.addi %scan3A, %scan3A_33 : i32
    %scan3A_35 = arith.constant 1 : i32
    scf.for %scan3A_115 = %scan3A to %scan3A_34 step %scan3A_35  : i32 {
      %swap3A = arith.index_cast %scan3A_115 : i32 to index
      %swap3A_116 = arith.constant 0 : index
      %swap3A_117 = tpu.vector_load %arg10[%swap3A, %swap3A_116] {strides = array<i32>} : memref<128x64xbf16, #tpu.memory_space<vmem>>, vector<1x32xbf16>,
      %swap3A_118 = vector.shape_cast %swap3A_117 : vector<1x32xbf16> to vector<32xbf16>
      %swap3A_119 = vector.shape_cast %broadcast_in_dim3A_32 : vector<32xbf16> to vector<1x32xbf16>
      tpu.vector_store %arg10[%swap3A, %swap3A_116], %swap3A_119 {strides = array<i32>} : memref<128x64xbf16, #tpu.memory_space<vmem>>, vector<1x32xbf16>,
      %swap3A_120 = arith.index_cast %scan3A_115 : i32 to index
      %swap3A_121 = arith.constant 32 : index
      %swap3A_122 = tpu.vector_load %arg10[%swap3A_120, %swap3A_121] {strides = array<i32>} : memref<128x64xbf16, #tpu.memory_space<vmem>>, vector<1x32xbf16>,
      %swap3A_123 = vector.shape_cast %swap3A_122 : vector<1x32xbf16> to vector<32xbf16>
      %swap3A_124 = vector.shape_cast %broadcast_in_dim3A_32 : vector<32xbf16> to vector<1x32xbf16>
      tpu.vector_store %arg10[%swap3A_120, %swap3A_121], %swap3A_124 {strides = array<i32>} : memref<128x64xbf16, #tpu.memory_space<vmem>>, vector<1x32xbf16>,
    }
    %scan3A_36 = arith.constant 128 : i32
    %add3A = arith.constant 0 : i32
    %add3A_37 = arith.addi %mul3A_0, %add3A : i32
    "tpu.region"() ({
      %run_scoped3A = tpu.sem_alloc : memref<!tpu.dma_semaphore, #tpu.memory_space<semaphore_mem>>
      %dma_start3A_115 = arith.constant 0 : i32
      %dma_start3A_116 = tpu.memref_slice %arg25[%add3A_37, %dma_start3A_115] : memref<10240x64xbf16, #tpu.memory_space<vmem_shared>> -> memref<128x64xbf16, #tpu.memory_space<vmem_shared>>
      %dma_start3A_117 = arith.constant 0 : i32
      %dma_start3A_118 = tpu.memref_slice %arg25[%add3A_37, %dma_start3A_117] : memref<10240x64xbf16, #tpu.memory_space<vmem_shared>> -> memref<128x64xbf16, #tpu.memory_space<vmem_shared>>
      tpu.enqueue_dma source(%arg10 : memref<128x64xbf16, #tpu.memory_space<vmem>>) target(%dma_start3A_118 : memref<128x64xbf16, #tpu.memory_space<vmem_shared>>) target_semaphore(%run_scoped3A : memref<!tpu.dma_semaphore, #tpu.memory_space<semaphore_mem>>)
      %dma_wait3A_119 = arith.constant 0 : i32
      %dma_wait3A_120 = tpu.memref_slice %arg25[%add3A_37, %dma_wait3A_119] : memref<10240x64xbf16, #tpu.memory_space<vmem_shared>> -> memref<128x64xbf16, #tpu.memory_space<vmem_shared>>
      %dma_wait3A_121 = arith.constant 0 : i32
      %dma_wait3A_122 = tpu.memref_slice %arg25[%add3A_37, %dma_wait3A_121] : memref<10240x64xbf16, #tpu.memory_space<vmem_shared>> -> memref<128x64xbf16, #tpu.memory_space<vmem_shared>>
      tpu.wait_dma2 semaphore(%run_scoped3A : memref<!tpu.dma_semaphore, #tpu.memory_space<semaphore_mem>>) src(%arg10 : memref<128x64xbf16, #tpu.memory_space<vmem>>) dst(%dma_wait3A_122 : memref<128x64xbf16, #tpu.memory_space<vmem_shared>>)
      tpu.yield
    }) : () -> ()
    %add3A_38 = arith.constant 128 : i32
    %add3A_39 = arith.addi %mul3A_0, %add3A_38 : i32
    "tpu.region"() ({
      %run_scoped3A = tpu.sem_alloc : memref<!tpu.dma_semaphore, #tpu.memory_space<semaphore_mem>>
      %dma_start3A_115 = arith.constant 0 : i32
      %dma_start3A_116 = tpu.memref_slice %arg25[%add3A_39, %dma_start3A_115] : memref<10240x64xbf16, #tpu.memory_space<vmem_shared>> -> memref<128x64xbf16, #tpu.memory_space<vmem_shared>>
      %dma_start3A_117 = arith.constant 0 : i32
      %dma_start3A_118 = tpu.memref_slice %arg25[%add3A_39, %dma_start3A_117] : memref<10240x64xbf16, #tpu.memory_space<vmem_shared>> -> memref<128x64xbf16, #tpu.memory_space<vmem_shared>>
      tpu.enqueue_dma source(%arg10 : memref<128x64xbf16, #tpu.memory_space<vmem>>) target(%dma_start3A_118 : memref<128x64xbf16, #tpu.memory_space<vmem_shared>>) target_semaphore(%run_scoped3A : memref<!tpu.dma_semaphore, #tpu.memory_space<semaphore_mem>>)
      %dma_wait3A_119 = arith.constant 0 : i32
      %dma_wait3A_120 = tpu.memref_slice %arg25[%add3A_39, %dma_wait3A_119] : memref<10240x64xbf16, #tpu.memory_space<vmem_shared>> -> memref<128x64xbf16, #tpu.memory_space<vmem_shared>>
      %dma_wait3A_121 = arith.constant 0 : i32
      %dma_wait3A_122 = tpu.memref_slice %arg25[%add3A_39, %dma_wait3A_121] : memref<10240x64xbf16, #tpu.memory_space<vmem_shared>> -> memref<128x64xbf16, #tpu.memory_space<vmem_shared>>
      tpu.wait_dma2 semaphore(%run_scoped3A : memref<!tpu.dma_semaphore, #tpu.memory_space<semaphore_mem>>) src(%arg10 : memref<128x64xbf16, #tpu.memory_space<vmem>>) dst(%dma_wait3A_122 : memref<128x64xbf16, #tpu.memory_space<vmem_shared>>)
      tpu.yield
    }) : () -> ()
    %add3A_40 = arith.constant 256 : i32
    %add3A_41 = arith.addi %mul3A_0, %add3A_40 : i32
    "tpu.region"() ({
      %run_scoped3A = tpu.sem_alloc : memref<!tpu.dma_semaphore, #tpu.memory_space<semaphore_mem>>
      %dma_start3A_115 = arith.constant 0 : i32
      %dma_start3A_116 = tpu.memref_slice %arg25[%add3A_41, %dma_start3A_115] : memref<10240x64xbf16, #tpu.memory_space<vmem_shared>> -> memref<128x64xbf16, #tpu.memory_space<vmem_shared>>
      %dma_start3A_117 = arith.constant 0 : i32
      %dma_start3A_118 = tpu.memref_slice %arg25[%add3A_41, %dma_start3A_117] : memref<10240x64xbf16, #tpu.memory_space<vmem_shared>> -> memref<128x64xbf16, #tpu.memory_space<vmem_shared>>
      tpu.enqueue_dma source(%arg10 : memref<128x64xbf16, #tpu.memory_space<vmem>>) target(%dma_start3A_118 : memref<128x64xbf16, #tpu.memory_space<vmem_shared>>) target_semaphore(%run_scoped3A : memref<!tpu.dma_semaphore, #tpu.memory_space<semaphore_mem>>)
      %dma_wait3A_119 = arith.constant 0 : i32
      %dma_wait3A_120 = tpu.memref_slice %arg25[%add3A_41, %dma_wait3A_119] : memref<10240x64xbf16, #tpu.memory_space<vmem_shared>> -> memref<128x64xbf16, #tpu.memory_space<vmem_shared>>
      %dma_wait3A_121 = arith.constant 0 : i32
      %dma_wait3A_122 = tpu.memref_slice %arg25[%add3A_41, %dma_wait3A_121] : memref<10240x64xbf16, #tpu.memory_space<vmem_shared>> -> memref<128x64xbf16, #tpu.memory_space<vmem_shared>>
      tpu.wait_dma2 semaphore(%run_scoped3A : memref<!tpu.dma_semaphore, #tpu.memory_space<semaphore_mem>>) src(%arg10 : memref<128x64xbf16, #tpu.memory_space<vmem>>) dst(%dma_wait3A_122 : memref<128x64xbf16, #tpu.memory_space<vmem_shared>>)
      tpu.yield
    }) : () -> ()
    %add3A_42 = arith.constant 384 : i32
    %add3A_43 = arith.addi %mul3A_0, %add3A_42 : i32
    "tpu.region"() ({
      %run_scoped3A = tpu.sem_alloc : memref<!tpu.dma_semaphore, #tpu.memory_space<semaphore_mem>>
      %dma_start3A_115 = arith.constant 0 : i32
      %dma_start3A_116 = tpu.memref_slice %arg25[%add3A_43, %dma_start3A_115] : memref<10240x64xbf16, #tpu.memory_space<vmem_shared>> -> memref<128x64xbf16, #tpu.memory_space<vmem_shared>>
      %dma_start3A_117 = arith.constant 0 : i32
      %dma_start3A_118 = tpu.memref_slice %arg25[%add3A_43, %dma_start3A_117] : memref<10240x64xbf16, #tpu.memory_space<vmem_shared>> -> memref<128x64xbf16, #tpu.memory_space<vmem_shared>>
      tpu.enqueue_dma source(%arg10 : memref<128x64xbf16, #tpu.memory_space<vmem>>) target(%dma_start3A_118 : memref<128x64xbf16, #tpu.memory_space<vmem_shared>>) target_semaphore(%run_scoped3A : memref<!tpu.dma_semaphore, #tpu.memory_space<semaphore_mem>>)
      %dma_wait3A_119 = arith.constant 0 : i32
      %dma_wait3A_120 = tpu.memref_slice %arg25[%add3A_43, %dma_wait3A_119] : memref<10240x64xbf16, #tpu.memory_space<vmem_shared>> -> memref<128x64xbf16, #tpu.memory_space<vmem_shared>>
      %dma_wait3A_121 = arith.constant 0 : i32
      %dma_wait3A_122 = tpu.memref_slice %arg25[%add3A_43, %dma_wait3A_121] : memref<10240x64xbf16, #tpu.memory_space<vmem_shared>> -> memref<128x64xbf16, #tpu.memory_space<vmem_shared>>
      tpu.wait_dma2 semaphore(%run_scoped3A : memref<!tpu.dma_semaphore, #tpu.memory_space<semaphore_mem>>) src(%arg10 : memref<128x64xbf16, #tpu.memory_space<vmem>>) dst(%dma_wait3A_122 : memref<128x64xbf16, #tpu.memory_space<vmem_shared>>)
      tpu.yield
    }) : () -> ()
    %add3A_44 = arith.constant 512 : i32
    %add3A_45 = arith.addi %mul3A_0, %add3A_44 : i32
    "tpu.region"() ({
      %run_scoped3A = tpu.sem_alloc : memref<!tpu.dma_semaphore, #tpu.memory_space<semaphore_mem>>
      %dma_start3A_115 = arith.constant 0 : i32
      %dma_start3A_116 = tpu.memref_slice %arg25[%add3A_45, %dma_start3A_115] : memref<10240x64xbf16, #tpu.memory_space<vmem_shared>> -> memref<128x64xbf16, #tpu.memory_space<vmem_shared>>
      %dma_start3A_117 = arith.constant 0 : i32
      %dma_start3A_118 = tpu.memref_slice %arg25[%add3A_45, %dma_start3A_117] : memref<10240x64xbf16, #tpu.memory_space<vmem_shared>> -> memref<128x64xbf16, #tpu.memory_space<vmem_shared>>
      tpu.enqueue_dma source(%arg10 : memref<128x64xbf16, #tpu.memory_space<vmem>>) target(%dma_start3A_118 : memref<128x64xbf16, #tpu.memory_space<vmem_shared>>) target_semaphore(%run_scoped3A : memref<!tpu.dma_semaphore, #tpu.memory_space<semaphore_mem>>)
      %dma_wait3A_119 = arith.constant 0 : i32
      %dma_wait3A_120 = tpu.memref_slice %arg25[%add3A_45, %dma_wait3A_119] : memref<10240x64xbf16, #tpu.memory_space<vmem_shared>> -> memref<128x64xbf16, #tpu.memory_space<vmem_shared>>
      %dma_wait3A_121 = arith.constant 0 : i32
      %dma_wait3A_122 = tpu.memref_slice %arg25[%add3A_45, %dma_wait3A_121] : memref<10240x64xbf16, #tpu.memory_space<vmem_shared>> -> memref<128x64xbf16, #tpu.memory_space<vmem_shared>>
      tpu.wait_dma2 semaphore(%run_scoped3A : memref<!tpu.dma_semaphore, #tpu.memory_space<semaphore_mem>>) src(%arg10 : memref<128x64xbf16, #tpu.memory_space<vmem>>) dst(%dma_wait3A_122 : memref<128x64xbf16, #tpu.memory_space<vmem_shared>>)
      tpu.yield
    }) : () -> ()
    %barrier3A = arith.constant 0 : index
    tpu.barrier barrier_id(%barrier3A)
    %dma_wait3A = arith.constant 0 : i32
    %dma_wait3A_46 = arith.constant 0 : i32
    %dma_wait3A_47 = tpu.memref_slice %arg3[%arg1, %dma_wait3A, %dma_wait3A_46] : memref<16x160x128xi32, #tpu.memory_space<hbm>> -> memref<1x4x128xi32, #tpu.memory_space<hbm>>
    %dma_wait3A_48 = tpu.memref_squeeze %dma_wait3A_47 : memref<1x4x128xi32, #tpu.memory_space<hbm>> -> memref<4x128xi32, #tpu.memory_space<hbm>>
    %dma_wait3A_49 = arith.constant 0 : i32
    %dma_wait3A_50 = arith.constant 0 : i32
    %dma_wait3A_51 = tpu.memref_slice %arg3[%arg1, %dma_wait3A_49, %dma_wait3A_50] : memref<16x160x128xi32, #tpu.memory_space<hbm>> -> memref<1x4x128xi32, #tpu.memory_space<hbm>>
    %dma_wait3A_52 = tpu.memref_squeeze %dma_wait3A_51 : memref<1x4x128xi32, #tpu.memory_space<hbm>> -> memref<4x128xi32, #tpu.memory_space<hbm>>
    tpu.wait_dma2 semaphore(%arg22 : memref<!tpu.dma_semaphore, #tpu.memory_space<semaphore_mem>>) src(%dma_wait3A_52 : memref<4x128xi32, #tpu.memory_space<hbm>>) dst(%arg6 : memref<4x128xi32, #tpu.memory_space<vmem>>)
    %dma_wait3A_53 = arith.constant 0 : i32
    %dma_wait3A_54 = arith.constant 0 : i32
    %dma_wait3A_55 = tpu.memref_slice %arg4[%arg1, %dma_wait3A_53, %dma_wait3A_54] : memref<16x160x128xi32, #tpu.memory_space<hbm>> -> memref<1x4x128xi32, #tpu.memory_space<hbm>>
    %dma_wait3A_56 = tpu.memref_squeeze %dma_wait3A_55 : memref<1x4x128xi32, #tpu.memory_space<hbm>> -> memref<4x128xi32, #tpu.memory_space<hbm>>
    %dma_wait3A_57 = arith.constant 0 : i32
    %dma_wait3A_58 = arith.constant 0 : i32
    %dma_wait3A_59 = tpu.memref_slice %arg4[%arg1, %dma_wait3A_57, %dma_wait3A_58] : memref<16x160x128xi32, #tpu.memory_space<hbm>> -> memref<1x4x128xi32, #tpu.memory_space<hbm>>
    %dma_wait3A_60 = tpu.memref_squeeze %dma_wait3A_59 : memref<1x4x128xi32, #tpu.memory_space<hbm>> -> memref<4x128xi32, #tpu.memory_space<hbm>>
    tpu.wait_dma2 semaphore(%arg22 : memref<!tpu.dma_semaphore, #tpu.memory_space<semaphore_mem>>) src(%dma_wait3A_60 : memref<4x128xi32, #tpu.memory_space<hbm>>) dst(%arg8 : memref<4x128xi32, #tpu.memory_space<vmem>>)
    %dma_start3A_61 = arith.constant 0 : i32
    %dma_start3A_62 = arith.constant 0 : i32
    %dma_start3A_63 = tpu.memref_slice %arg6[%dma_start3A_61, %dma_start3A_62] : memref<4x128xi32, #tpu.memory_space<vmem>> -> memref<1x128xi32, #tpu.memory_space<vmem>>
    %dma_start3A_64 = tpu.memref_squeeze %dma_start3A_63 : memref<1x128xi32, #tpu.memory_space<vmem>> -> memref<128xi32, #tpu.memory_space<vmem>>
    %dma_start3A_65 = arith.constant 0 : i32
    %dma_start3A_66 = arith.constant 0 : i32
    %dma_start3A_67 = tpu.memref_slice %arg24[%dma_start3A_65, %dma_start3A_66] : memref<10240x64xbf16, #tpu.memory_space<vmem_shared>> -> memref<10240x64xbf16, #tpu.memory_space<vmem_shared>>
    tpu.enqueue_indirect_dma source(%dma_start3A_67 : memref<10240x64xbf16, #tpu.memory_space<vmem_shared>>) target(%arg10 : memref<128x64xbf16, #tpu.memory_space<vmem>>) offsets(%dma_start3A_64 : memref<128xi32, #tpu.memory_space<vmem>>) semaphore(%arg14 : memref<!tpu.dma_semaphore, #tpu.memory_space<semaphore_mem>>)
    %dma_start3A_68 = arith.constant 1 : i32
    %dma_start3A_69 = arith.constant 0 : i32
    %dma_start3A_70 = tpu.memref_slice %arg6[%dma_start3A_68, %dma_start3A_69] : memref<4x128xi32, #tpu.memory_space<vmem>> -> memref<1x128xi32, #tpu.memory_space<vmem>>
    %dma_start3A_71 = tpu.memref_squeeze %dma_start3A_70 : memref<1x128xi32, #tpu.memory_space<vmem>> -> memref<128xi32, #tpu.memory_space<vmem>>
    %dma_start3A_72 = arith.constant 0 : i32
    %dma_start3A_73 = arith.constant 0 : i32
    %dma_start3A_74 = tpu.memref_slice %arg24[%dma_start3A_72, %dma_start3A_73] : memref<10240x64xbf16, #tpu.memory_space<vmem_shared>> -> memref<10240x64xbf16, #tpu.memory_space<vmem_shared>>
    tpu.enqueue_indirect_dma source(%dma_start3A_74 : memref<10240x64xbf16, #tpu.memory_space<vmem_shared>>) target(%arg11 : memref<128x64xbf16, #tpu.memory_space<vmem>>) offsets(%dma_start3A_71 : memref<128xi32, #tpu.memory_space<vmem>>) semaphore(%arg15 : memref<!tpu.dma_semaphore, #tpu.memory_space<semaphore_mem>>)
    %dma_start3A_75 = arith.constant 2 : i32
    %dma_start3A_76 = arith.constant 0 : i32
    %dma_start3A_77 = tpu.memref_slice %arg6[%dma_start3A_75, %dma_start3A_76] : memref<4x128xi32, #tpu.memory_space<vmem>> -> memref<1x128xi32, #tpu.memory_space<vmem>>
    %dma_start3A_78 = tpu.memref_squeeze %dma_start3A_77 : memref<1x128xi32, #tpu.memory_space<vmem>> -> memref<128xi32, #tpu.memory_space<vmem>>
    %dma_start3A_79 = arith.constant 0 : i32
    %dma_start3A_80 = arith.constant 0 : i32
    %dma_start3A_81 = tpu.memref_slice %arg24[%dma_start3A_79, %dma_start3A_80] : memref<10240x64xbf16, #tpu.memory_space<vmem_shared>> -> memref<10240x64xbf16, #tpu.memory_space<vmem_shared>>
    tpu.enqueue_indirect_dma source(%dma_start3A_81 : memref<10240x64xbf16, #tpu.memory_space<vmem_shared>>) target(%arg12 : memref<128x64xbf16, #tpu.memory_space<vmem>>) offsets(%dma_start3A_78 : memref<128xi32, #tpu.memory_space<vmem>>) semaphore(%arg16 : memref<!tpu.dma_semaphore, #tpu.memory_space<semaphore_mem>>)
    %dma_start3A_82 = arith.constant 3 : i32
    %dma_start3A_83 = arith.constant 0 : i32
    %dma_start3A_84 = tpu.memref_slice %arg6[%dma_start3A_82, %dma_start3A_83] : memref<4x128xi32, #tpu.memory_space<vmem>> -> memref<1x128xi32, #tpu.memory_space<vmem>>
    %dma_start3A_85 = tpu.memref_squeeze %dma_start3A_84 : memref<1x128xi32, #tpu.memory_space<vmem>> -> memref<128xi32, #tpu.memory_space<vmem>>
    %dma_start3A_86 = arith.constant 0 : i32
    %dma_start3A_87 = arith.constant 0 : i32
    %dma_start3A_88 = tpu.memref_slice %arg24[%dma_start3A_86, %dma_start3A_87] : memref<10240x64xbf16, #tpu.memory_space<vmem_shared>> -> memref<10240x64xbf16, #tpu.memory_space<vmem_shared>>
    tpu.enqueue_indirect_dma source(%dma_start3A_88 : memref<10240x64xbf16, #tpu.memory_space<vmem_shared>>) target(%arg13 : memref<128x64xbf16, #tpu.memory_space<vmem>>) offsets(%dma_start3A_85 : memref<128xi32, #tpu.memory_space<vmem>>) semaphore(%arg17 : memref<!tpu.dma_semaphore, #tpu.memory_space<semaphore_mem>>)
    %scan3A_89 = arith.constant 0 : i32
    %scan3A_90 = arith.constant 20 : i32
    %scan3A_91 = arith.addi %scan3A_89, %scan3A_90 : i32
    %scan3A_92 = arith.constant 1 : i32
    scf.for %scan3A_115 = %scan3A_89 to %scan3A_91 step %scan3A_92  : i32 {
      %mul3A_116 = arith.constant 2 : i32
      %mul3A_117 = arith.muli %scan3A_115, %mul3A_116 : i32
      %add3A_118 = arith.constant 0 : i32
      %add3A_119 = arith.addi %mul3A_117, %add3A_118 : i32
      %add3A_120 = arith.constant 1 : i32
      %add3A_121 = arith.addi %add3A_119, %add3A_120 : i32
      %dma_wait3A_122 = arith.constant 0 : i32
      %dma_wait3A_123 = arith.constant 0 : i32
      %dma_wait3A_124 = tpu.memref_slice %arg6[%dma_wait3A_122, %dma_wait3A_123] : memref<4x128xi32, #tpu.memory_space<vmem>> -> memref<1x128xi32, #tpu.memory_space<vmem>>
      %dma_wait3A_125 = tpu.memref_squeeze %dma_wait3A_124 : memref<1x128xi32, #tpu.memory_space<vmem>> -> memref<128xi32, #tpu.memory_space<vmem>>
      %dma_wait3A_126 = arith.constant 0 : i32
      %dma_wait3A_127 = arith.constant 0 : i32
      %dma_wait3A_128 = tpu.memref_slice %arg24[%dma_wait3A_126, %dma_wait3A_127] : memref<10240x64xbf16, #tpu.memory_space<vmem_shared>> -> memref<10240x64xbf16, #tpu.memory_space<vmem_shared>>
      tpu.wait_indirect_dma semaphore(%arg14 : memref<!tpu.dma_semaphore, #tpu.memory_space<semaphore_mem>>) src(%dma_wait3A_128 : memref<10240x64xbf16, #tpu.memory_space<vmem_shared>>) dst(%arg10 : memref<128x64xbf16, #tpu.memory_space<vmem>>)
      %dma_start3A_129 = arith.constant 0 : i32
      %dma_start3A_130 = arith.constant 0 : i32
      %dma_start3A_131 = tpu.memref_slice %arg8[%dma_start3A_129, %dma_start3A_130] : memref<4x128xi32, #tpu.memory_space<vmem>> -> memref<1x128xi32, #tpu.memory_space<vmem>>
      %dma_start3A_132 = tpu.memref_squeeze %dma_start3A_131 : memref<1x128xi32, #tpu.memory_space<vmem>> -> memref<128xi32, #tpu.memory_space<vmem>>
      %dma_start3A_133 = arith.constant 0 : i32
      %dma_start3A_134 = arith.constant 0 : i32
      %dma_start3A_135 = tpu.memref_slice %arg25[%dma_start3A_133, %dma_start3A_134] : memref<10240x64xbf16, #tpu.memory_space<vmem_shared>> -> memref<10240x64xbf16, #tpu.memory_space<vmem_shared>>
      tpu.enqueue_indirect_dma source(%arg10 : memref<128x64xbf16, #tpu.memory_space<vmem>>) target(%dma_start3A_135 : memref<10240x64xbf16, #tpu.memory_space<vmem_shared>>) offsets(%dma_start3A_132 : memref<128xi32, #tpu.memory_space<vmem>>) semaphore(%arg18 : memref<!tpu.dma_semaphore, #tpu.memory_space<semaphore_mem>>) {add = true}
      %dma_wait3A_136 = arith.constant 1 : i32
      %dma_wait3A_137 = arith.constant 0 : i32
      %dma_wait3A_138 = tpu.memref_slice %arg6[%dma_wait3A_136, %dma_wait3A_137] : memref<4x128xi32, #tpu.memory_space<vmem>> -> memref<1x128xi32, #tpu.memory_space<vmem>>
      %dma_wait3A_139 = tpu.memref_squeeze %dma_wait3A_138 : memref<1x128xi32, #tpu.memory_space<vmem>> -> memref<128xi32, #tpu.memory_space<vmem>>
      %dma_wait3A_140 = arith.constant 0 : i32
      %dma_wait3A_141 = arith.constant 0 : i32
      %dma_wait3A_142 = tpu.memref_slice %arg24[%dma_wait3A_140, %dma_wait3A_141] : memref<10240x64xbf16, #tpu.memory_space<vmem_shared>> -> memref<10240x64xbf16, #tpu.memory_space<vmem_shared>>
      tpu.wait_indirect_dma semaphore(%arg15 : memref<!tpu.dma_semaphore, #tpu.memory_space<semaphore_mem>>) src(%dma_wait3A_142 : memref<10240x64xbf16, #tpu.memory_space<vmem_shared>>) dst(%arg11 : memref<128x64xbf16, #tpu.memory_space<vmem>>)
      %dma_start3A_143 = arith.constant 1 : i32
      %dma_start3A_144 = arith.constant 0 : i32
      %dma_start3A_145 = tpu.memref_slice %arg8[%dma_start3A_143, %dma_start3A_144] : memref<4x128xi32, #tpu.memory_space<vmem>> -> memref<1x128xi32, #tpu.memory_space<vmem>>
      %dma_start3A_146 = tpu.memref_squeeze %dma_start3A_145 : memref<1x128xi32, #tpu.memory_space<vmem>> -> memref<128xi32, #tpu.memory_space<vmem>>
      %dma_start3A_147 = arith.constant 0 : i32
      %dma_start3A_148 = arith.constant 0 : i32
      %dma_start3A_149 = tpu.memref_slice %arg25[%dma_start3A_147, %dma_start3A_148] : memref<10240x64xbf16, #tpu.memory_space<vmem_shared>> -> memref<10240x64xbf16, #tpu.memory_space<vmem_shared>>
      tpu.enqueue_indirect_dma source(%arg11 : memref<128x64xbf16, #tpu.memory_space<vmem>>) target(%dma_start3A_149 : memref<10240x64xbf16, #tpu.memory_space<vmem_shared>>) offsets(%dma_start3A_146 : memref<128xi32, #tpu.memory_space<vmem>>) semaphore(%arg19 : memref<!tpu.dma_semaphore, #tpu.memory_space<semaphore_mem>>) {add = true}
      %dma_wait3A_150 = arith.constant 2 : i32
      %dma_wait3A_151 = arith.constant 0 : i32
      %dma_wait3A_152 = tpu.memref_slice %arg6[%dma_wait3A_150, %dma_wait3A_151] : memref<4x128xi32, #tpu.memory_space<vmem>> -> memref<1x128xi32, #tpu.memory_space<vmem>>
      %dma_wait3A_153 = tpu.memref_squeeze %dma_wait3A_152 : memref<1x128xi32, #tpu.memory_space<vmem>> -> memref<128xi32, #tpu.memory_space<vmem>>
      %dma_wait3A_154 = arith.constant 0 : i32
      %dma_wait3A_155 = arith.constant 0 : i32
      %dma_wait3A_156 = tpu.memref_slice %arg24[%dma_wait3A_154, %dma_wait3A_155] : memref<10240x64xbf16, #tpu.memory_space<vmem_shared>> -> memref<10240x64xbf16, #tpu.memory_space<vmem_shared>>
      tpu.wait_indirect_dma semaphore(%arg16 : memref<!tpu.dma_semaphore, #tpu.memory_space<semaphore_mem>>) src(%dma_wait3A_156 : memref<10240x64xbf16, #tpu.memory_space<vmem_shared>>) dst(%arg12 : memref<128x64xbf16, #tpu.memory_space<vmem>>)
      %dma_start3A_157 = arith.constant 2 : i32
      %dma_start3A_158 = arith.constant 0 : i32
      %dma_start3A_159 = tpu.memref_slice %arg8[%dma_start3A_157, %dma_start3A_158] : memref<4x128xi32, #tpu.memory_space<vmem>> -> memref<1x128xi32, #tpu.memory_space<vmem>>
      %dma_start3A_160 = tpu.memref_squeeze %dma_start3A_159 : memref<1x128xi32, #tpu.memory_space<vmem>> -> memref<128xi32, #tpu.memory_space<vmem>>
      %dma_start3A_161 = arith.constant 0 : i32
      %dma_start3A_162 = arith.constant 0 : i32
      %dma_start3A_163 = tpu.memref_slice %arg25[%dma_start3A_161, %dma_start3A_162] : memref<10240x64xbf16, #tpu.memory_space<vmem_shared>> -> memref<10240x64xbf16, #tpu.memory_space<vmem_shared>>
      tpu.enqueue_indirect_dma source(%arg12 : memref<128x64xbf16, #tpu.memory_space<vmem>>) target(%dma_start3A_163 : memref<10240x64xbf16, #tpu.memory_space<vmem_shared>>) offsets(%dma_start3A_160 : memref<128xi32, #tpu.memory_space<vmem>>) semaphore(%arg20 : memref<!tpu.dma_semaphore, #tpu.memory_space<semaphore_mem>>) {add = true}
      %dma_wait3A_164 = arith.constant 3 : i32
      %dma_wait3A_165 = arith.constant 0 : i32
      %dma_wait3A_166 = tpu.memref_slice %arg6[%dma_wait3A_164, %dma_wait3A_165] : memref<4x128xi32, #tpu.memory_space<vmem>> -> memref<1x128xi32, #tpu.memory_space<vmem>>
      %dma_wait3A_167 = tpu.memref_squeeze %dma_wait3A_166 : memref<1x128xi32, #tpu.memory_space<vmem>> -> memref<128xi32, #tpu.memory_space<vmem>>
      %dma_wait3A_168 = arith.constant 0 : i32
      %dma_wait3A_169 = arith.constant 0 : i32
      %dma_wait3A_170 = tpu.memref_slice %arg24[%dma_wait3A_168, %dma_wait3A_169] : memref<10240x64xbf16, #tpu.memory_space<vmem_shared>> -> memref<10240x64xbf16, #tpu.memory_space<vmem_shared>>
      tpu.wait_indirect_dma semaphore(%arg17 : memref<!tpu.dma_semaphore, #tpu.memory_space<semaphore_mem>>) src(%dma_wait3A_170 : memref<10240x64xbf16, #tpu.memory_space<vmem_shared>>) dst(%arg13 : memref<128x64xbf16, #tpu.memory_space<vmem>>)
      %dma_start3A_171 = arith.constant 3 : i32
      %dma_start3A_172 = arith.constant 0 : i32
      %dma_start3A_173 = tpu.memref_slice %arg8[%dma_start3A_171, %dma_start3A_172] : memref<4x128xi32, #tpu.memory_space<vmem>> -> memref<1x128xi32, #tpu.memory_space<vmem>>
      %dma_start3A_174 = tpu.memref_squeeze %dma_start3A_173 : memref<1x128xi32, #tpu.memory_space<vmem>> -> memref<128xi32, #tpu.memory_space<vmem>>
      %dma_start3A_175 = arith.constant 0 : i32
      %dma_start3A_176 = arith.constant 0 : i32
      %dma_start3A_177 = tpu.memref_slice %arg25[%dma_start3A_175, %dma_start3A_176] : memref<10240x64xbf16, #tpu.memory_space<vmem_shared>> -> memref<10240x64xbf16, #tpu.memory_space<vmem_shared>>
      tpu.enqueue_indirect_dma source(%arg13 : memref<128x64xbf16, #tpu.memory_space<vmem>>) target(%dma_start3A_177 : memref<10240x64xbf16, #tpu.memory_space<vmem_shared>>) offsets(%dma_start3A_174 : memref<128xi32, #tpu.memory_space<vmem>>) semaphore(%arg21 : memref<!tpu.dma_semaphore, #tpu.memory_space<semaphore_mem>>) {add = true}
      %lt3A = arith.constant 40 : i32
      %lt3A_178 = arith.cmpi slt, %add3A_121, %lt3A : i32
      %convert_element_type3A = arith.extui %lt3A_178 : i1 to i32
      %cond3A = arith.constant 0 : i32
      %cond3A_179 = arith.cmpi ne, %convert_element_type3A, %cond3A : i32
      scf.if %cond3A_179 {
        %dma_wait3A_357 = arith.constant 0 : i32
        %dma_wait3A_358 = arith.constant 0 : i32
        %dma_wait3A_359 = tpu.memref_slice %arg3[%arg1, %dma_wait3A_357, %dma_wait3A_358] : memref<16x160x128xi32, #tpu.memory_space<hbm>> -> memref<1x4x128xi32, #tpu.memory_space<hbm>>
        %dma_wait3A_360 = tpu.memref_squeeze %dma_wait3A_359 : memref<1x4x128xi32, #tpu.memory_space<hbm>> -> memref<4x128xi32, #tpu.memory_space<hbm>>
        %dma_wait3A_361 = arith.constant 0 : i32
        %dma_wait3A_362 = arith.constant 0 : i32
        %dma_wait3A_363 = tpu.memref_slice %arg3[%arg1, %dma_wait3A_361, %dma_wait3A_362] : memref<16x160x128xi32, #tpu.memory_space<hbm>> -> memref<1x4x128xi32, #tpu.memory_space<hbm>>
        %dma_wait3A_364 = tpu.memref_squeeze %dma_wait3A_363 : memref<1x4x128xi32, #tpu.memory_space<hbm>> -> memref<4x128xi32, #tpu.memory_space<hbm>>
        tpu.wait_dma2 semaphore(%arg23 : memref<!tpu.dma_semaphore, #tpu.memory_space<semaphore_mem>>) src(%dma_wait3A_364 : memref<4x128xi32, #tpu.memory_space<hbm>>) dst(%arg7 : memref<4x128xi32, #tpu.memory_space<vmem>>)
        %dma_wait3A_365 = arith.constant 0 : i32
        %dma_wait3A_366 = arith.constant 0 : i32
        %dma_wait3A_367 = tpu.memref_slice %arg4[%arg1, %dma_wait3A_365, %dma_wait3A_366] : memref<16x160x128xi32, #tpu.memory_space<hbm>> -> memref<1x4x128xi32, #tpu.memory_space<hbm>>
        %dma_wait3A_368 = tpu.memref_squeeze %dma_wait3A_367 : memref<1x4x128xi32, #tpu.memory_space<hbm>> -> memref<4x128xi32, #tpu.memory_space<hbm>>
        %dma_wait3A_369 = arith.constant 0 : i32
        %dma_wait3A_370 = arith.constant 0 : i32
        %dma_wait3A_371 = tpu.memref_slice %arg4[%arg1, %dma_wait3A_369, %dma_wait3A_370] : memref<16x160x128xi32, #tpu.memory_space<hbm>> -> memref<1x4x128xi32, #tpu.memory_space<hbm>>
        %dma_wait3A_372 = tpu.memref_squeeze %dma_wait3A_371 : memref<1x4x128xi32, #tpu.memory_space<hbm>> -> memref<4x128xi32, #tpu.memory_space<hbm>>
        tpu.wait_dma2 semaphore(%arg23 : memref<!tpu.dma_semaphore, #tpu.memory_space<semaphore_mem>>) src(%dma_wait3A_372 : memref<4x128xi32, #tpu.memory_space<hbm>>) dst(%arg9 : memref<4x128xi32, #tpu.memory_space<vmem>>)
      } else {
      }
      %dma_wait3A_180 = arith.constant 0 : i32
      %dma_wait3A_181 = arith.constant 0 : i32
      %dma_wait3A_182 = tpu.memref_slice %arg8[%dma_wait3A_180, %dma_wait3A_181] : memref<4x128xi32, #tpu.memory_space<vmem>> -> memref<1x128xi32, #tpu.memory_space<vmem>>
      %dma_wait3A_183 = tpu.memref_squeeze %dma_wait3A_182 : memref<1x128xi32, #tpu.memory_space<vmem>> -> memref<128xi32, #tpu.memory_space<vmem>>
      %dma_wait3A_184 = arith.constant 0 : i32
      %dma_wait3A_185 = arith.constant 0 : i32
      %dma_wait3A_186 = tpu.memref_slice %arg25[%dma_wait3A_184, %dma_wait3A_185] : memref<10240x64xbf16, #tpu.memory_space<vmem_shared>> -> memref<10240x64xbf16, #tpu.memory_space<vmem_shared>>
      tpu.wait_indirect_dma semaphore(%arg18 : memref<!tpu.dma_semaphore, #tpu.memory_space<semaphore_mem>>) src(%arg10 : memref<128x64xbf16, #tpu.memory_space<vmem>>) dst(%dma_wait3A_186 : memref<10240x64xbf16, #tpu.memory_space<vmem_shared>>)
      %lt3A_187 = arith.constant 40 : i32
      %lt3A_188 = arith.cmpi slt, %add3A_121, %lt3A_187 : i32
      %convert_element_type3A_189 = arith.extui %lt3A_188 : i1 to i32
      %cond3A_190 = arith.constant 0 : i32
      %cond3A_191 = arith.cmpi ne, %convert_element_type3A_189, %cond3A_190 : i32
      scf.if %cond3A_191 {
        %dma_start3A_357 = arith.constant 0 : i32
        %dma_start3A_358 = arith.constant 0 : i32
        %dma_start3A_359 = tpu.memref_slice %arg7[%dma_start3A_357, %dma_start3A_358] : memref<4x128xi32, #tpu.memory_space<vmem>> -> memref<1x128xi32, #tpu.memory_space<vmem>>
        %dma_start3A_360 = tpu.memref_squeeze %dma_start3A_359 : memref<1x128xi32, #tpu.memory_space<vmem>> -> memref<128xi32, #tpu.memory_space<vmem>>
        %dma_start3A_361 = arith.constant 0 : i32
        %dma_start3A_362 = arith.constant 0 : i32
        %dma_start3A_363 = tpu.memref_slice %arg24[%dma_start3A_361, %dma_start3A_362] : memref<10240x64xbf16, #tpu.memory_space<vmem_shared>> -> memref<10240x64xbf16, #tpu.memory_space<vmem_shared>>
        tpu.enqueue_indirect_dma source(%dma_start3A_363 : memref<10240x64xbf16, #tpu.memory_space<vmem_shared>>) target(%arg10 : memref<128x64xbf16, #tpu.memory_space<vmem>>) offsets(%dma_start3A_360 : memref<128xi32, #tpu.memory_space<vmem>>) semaphore(%arg14 : memref<!tpu.dma_semaphore, #tpu.memory_space<semaphore_mem>>)
      } else {
      }
      %dma_wait3A_192 = arith.constant 0 : i32
      %dma_wait3A_193 = arith.constant 0 : i32
      %dma_wait3A_194 = tpu.memref_slice %arg8[%dma_wait3A_192, %dma_wait3A_193] : memref<4x128xi32, #tpu.memory_space<vmem>> -> memref<1x128xi32, #tpu.memory_space<vmem>>
      %dma_wait3A_195 = tpu.memref_squeeze %dma_wait3A_194 : memref<1x128xi32, #tpu.memory_space<vmem>> -> memref<128xi32, #tpu.memory_space<vmem>>
      %dma_wait3A_196 = arith.constant 0 : i32
      %dma_wait3A_197 = arith.constant 0 : i32
      %dma_wait3A_198 = tpu.memref_slice %arg25[%dma_wait3A_196, %dma_wait3A_197] : memref<10240x64xbf16, #tpu.memory_space<vmem_shared>> -> memref<10240x64xbf16, #tpu.memory_space<vmem_shared>>
      tpu.wait_indirect_dma semaphore(%arg19 : memref<!tpu.dma_semaphore, #tpu.memory_space<semaphore_mem>>) src(%arg11 : memref<128x64xbf16, #tpu.memory_space<vmem>>) dst(%dma_wait3A_198 : memref<10240x64xbf16, #tpu.memory_space<vmem_shared>>)
      %lt3A_199 = arith.constant 40 : i32
      %lt3A_200 = arith.cmpi slt, %add3A_121, %lt3A_199 : i32
      %convert_element_type3A_201 = arith.extui %lt3A_200 : i1 to i32
      %cond3A_202 = arith.constant 0 : i32
      %cond3A_203 = arith.cmpi ne, %convert_element_type3A_201, %cond3A_202 : i32
      scf.if %cond3A_203 {
        %dma_start3A_357 = arith.constant 1 : i32
        %dma_start3A_358 = arith.constant 0 : i32
        %dma_start3A_359 = tpu.memref_slice %arg7[%dma_start3A_357, %dma_start3A_358] : memref<4x128xi32, #tpu.memory_space<vmem>> -> memref<1x128xi32, #tpu.memory_space<vmem>>
        %dma_start3A_360 = tpu.memref_squeeze %dma_start3A_359 : memref<1x128xi32, #tpu.memory_space<vmem>> -> memref<128xi32, #tpu.memory_space<vmem>>
        %dma_start3A_361 = arith.constant 0 : i32
        %dma_start3A_362 = arith.constant 0 : i32
        %dma_start3A_363 = tpu.memref_slice %arg24[%dma_start3A_361, %dma_start3A_362] : memref<10240x64xbf16, #tpu.memory_space<vmem_shared>> -> memref<10240x64xbf16, #tpu.memory_space<vmem_shared>>
        tpu.enqueue_indirect_dma source(%dma_start3A_363 : memref<10240x64xbf16, #tpu.memory_space<vmem_shared>>) target(%arg11 : memref<128x64xbf16, #tpu.memory_space<vmem>>) offsets(%dma_start3A_360 : memref<128xi32, #tpu.memory_space<vmem>>) semaphore(%arg15 : memref<!tpu.dma_semaphore, #tpu.memory_space<semaphore_mem>>)
      } else {
      }
      %dma_wait3A_204 = arith.constant 0 : i32
      %dma_wait3A_205 = arith.constant 0 : i32
      %dma_wait3A_206 = tpu.memref_slice %arg8[%dma_wait3A_204, %dma_wait3A_205] : memref<4x128xi32, #tpu.memory_space<vmem>> -> memref<1x128xi32, #tpu.memory_space<vmem>>
      %dma_wait3A_207 = tpu.memref_squeeze %dma_wait3A_206 : memref<1x128xi32, #tpu.memory_space<vmem>> -> memref<128xi32, #tpu.memory_space<vmem>>
      %dma_wait3A_208 = arith.constant 0 : i32
      %dma_wait3A_209 = arith.constant 0 : i32
      %dma_wait3A_210 = tpu.memref_slice %arg25[%dma_wait3A_208, %dma_wait3A_209] : memref<10240x64xbf16, #tpu.memory_space<vmem_shared>> -> memref<10240x64xbf16, #tpu.memory_space<vmem_shared>>
      tpu.wait_indirect_dma semaphore(%arg20 : memref<!tpu.dma_semaphore, #tpu.memory_space<semaphore_mem>>) src(%arg12 : memref<128x64xbf16, #tpu.memory_space<vmem>>) dst(%dma_wait3A_210 : memref<10240x64xbf16, #tpu.memory_space<vmem_shared>>)
      %lt3A_211 = arith.constant 40 : i32
      %lt3A_212 = arith.cmpi slt, %add3A_121, %lt3A_211 : i32
      %convert_element_type3A_213 = arith.extui %lt3A_212 : i1 to i32
      %cond3A_214 = arith.constant 0 : i32
      %cond3A_215 = arith.cmpi ne, %convert_element_type3A_213, %cond3A_214 : i32
      scf.if %cond3A_215 {
        %dma_start3A_357 = arith.constant 2 : i32
        %dma_start3A_358 = arith.constant 0 : i32
        %dma_start3A_359 = tpu.memref_slice %arg7[%dma_start3A_357, %dma_start3A_358] : memref<4x128xi32, #tpu.memory_space<vmem>> -> memref<1x128xi32, #tpu.memory_space<vmem>>
        %dma_start3A_360 = tpu.memref_squeeze %dma_start3A_359 : memref<1x128xi32, #tpu.memory_space<vmem>> -> memref<128xi32, #tpu.memory_space<vmem>>
        %dma_start3A_361 = arith.constant 0 : i32
        %dma_start3A_362 = arith.constant 0 : i32
        %dma_start3A_363 = tpu.memref_slice %arg24[%dma_start3A_361, %dma_start3A_362] : memref<10240x64xbf16, #tpu.memory_space<vmem_shared>> -> memref<10240x64xbf16, #tpu.memory_space<vmem_shared>>
        tpu.enqueue_indirect_dma source(%dma_start3A_363 : memref<10240x64xbf16, #tpu.memory_space<vmem_shared>>) target(%arg12 : memref<128x64xbf16, #tpu.memory_space<vmem>>) offsets(%dma_start3A_360 : memref<128xi32, #tpu.memory_space<vmem>>) semaphore(%arg16 : memref<!tpu.dma_semaphore, #tpu.memory_space<semaphore_mem>>)
      } else {
      }
      %dma_wait3A_216 = arith.constant 0 : i32
      %dma_wait3A_217 = arith.constant 0 : i32
      %dma_wait3A_218 = tpu.memref_slice %arg8[%dma_wait3A_216, %dma_wait3A_217] : memref<4x128xi32, #tpu.memory_space<vmem>> -> memref<1x128xi32, #tpu.memory_space<vmem>>
      %dma_wait3A_219 = tpu.memref_squeeze %dma_wait3A_218 : memref<1x128xi32, #tpu.memory_space<vmem>> -> memref<128xi32, #tpu.memory_space<vmem>>
      %dma_wait3A_220 = arith.constant 0 : i32
      %dma_wait3A_221 = arith.constant 0 : i32
      %dma_wait3A_222 = tpu.memref_slice %arg25[%dma_wait3A_220, %dma_wait3A_221] : memref<10240x64xbf16, #tpu.memory_space<vmem_shared>> -> memref<10240x64xbf16, #tpu.memory_space<vmem_shared>>
      tpu.wait_indirect_dma semaphore(%arg21 : memref<!tpu.dma_semaphore, #tpu.memory_space<semaphore_mem>>) src(%arg13 : memref<128x64xbf16, #tpu.memory_space<vmem>>) dst(%dma_wait3A_222 : memref<10240x64xbf16, #tpu.memory_space<vmem_shared>>)
      %lt3A_223 = arith.constant 40 : i32
      %lt3A_224 = arith.cmpi slt, %add3A_121, %lt3A_223 : i32
      %convert_element_type3A_225 = arith.extui %lt3A_224 : i1 to i32
      %cond3A_226 = arith.constant 0 : i32
      %cond3A_227 = arith.cmpi ne, %convert_element_type3A_225, %cond3A_226 : i32
      scf.if %cond3A_227 {
        %dma_start3A_357 = arith.constant 3 : i32
        %dma_start3A_358 = arith.constant 0 : i32
        %dma_start3A_359 = tpu.memref_slice %arg7[%dma_start3A_357, %dma_start3A_358] : memref<4x128xi32, #tpu.memory_space<vmem>> -> memref<1x128xi32, #tpu.memory_space<vmem>>
        %dma_start3A_360 = tpu.memref_squeeze %dma_start3A_359 : memref<1x128xi32, #tpu.memory_space<vmem>> -> memref<128xi32, #tpu.memory_space<vmem>>
        %dma_start3A_361 = arith.constant 0 : i32
        %dma_start3A_362 = arith.constant 0 : i32
        %dma_start3A_363 = tpu.memref_slice %arg24[%dma_start3A_361, %dma_start3A_362] : memref<10240x64xbf16, #tpu.memory_space<vmem_shared>> -> memref<10240x64xbf16, #tpu.memory_space<vmem_shared>>
        tpu.enqueue_indirect_dma source(%dma_start3A_363 : memref<10240x64xbf16, #tpu.memory_space<vmem_shared>>) target(%arg13 : memref<128x64xbf16, #tpu.memory_space<vmem>>) offsets(%dma_start3A_360 : memref<128xi32, #tpu.memory_space<vmem>>) semaphore(%arg17 : memref<!tpu.dma_semaphore, #tpu.memory_space<semaphore_mem>>)
      } else {
      }
      %add3A_228 = arith.constant 2 : i32
      %add3A_229 = arith.addi %add3A_119, %add3A_228 : i32
      %lt3A_230 = arith.constant 40 : i32
      %lt3A_231 = arith.cmpi slt, %add3A_229, %lt3A_230 : i32
      %convert_element_type3A_232 = arith.extui %lt3A_231 : i1 to i32
      %cond3A_233 = arith.constant 0 : i32
      %cond3A_234 = arith.cmpi ne, %convert_element_type3A_232, %cond3A_233 : i32
      scf.if %cond3A_234 {
        %add3A_357 = arith.constant 2 : i32
        %add3A_358 = arith.addi %add3A_119, %add3A_357 : i32
        %mul3A_359 = arith.constant 4 : i32
        %mul3A_360 = arith.muli %add3A_358, %mul3A_359 : i32
        %dma_start3A_361 = arith.constant 0 : i32
        %dma_start3A_362 = tpu.memref_slice %arg3[%arg1, %mul3A_360, %dma_start3A_361] : memref<16x160x128xi32, #tpu.memory_space<hbm>> -> memref<1x4x128xi32, #tpu.memory_space<hbm>>
        %dma_start3A_363 = tpu.memref_squeeze %dma_start3A_362 : memref<1x4x128xi32, #tpu.memory_space<hbm>> -> memref<4x128xi32, #tpu.memory_space<hbm>>
        %dma_start3A_364 = arith.constant 0 : i32
        %dma_start3A_365 = tpu.memref_slice %arg3[%arg1, %mul3A_360, %dma_start3A_364] : memref<16x160x128xi32, #tpu.memory_space<hbm>> -> memref<1x4x128xi32, #tpu.memory_space<hbm>>
        %dma_start3A_366 = tpu.memref_squeeze %dma_start3A_365 : memref<1x4x128xi32, #tpu.memory_space<hbm>> -> memref<4x128xi32, #tpu.memory_space<hbm>>
        tpu.enqueue_dma source(%dma_start3A_366 : memref<4x128xi32, #tpu.memory_space<hbm>>) target(%arg6 : memref<4x128xi32, #tpu.memory_space<vmem>>) target_semaphore(%arg22 : memref<!tpu.dma_semaphore, #tpu.memory_space<semaphore_mem>>)
        %mul3A_367 = arith.constant 4 : i32
        %mul3A_368 = arith.muli %add3A_358, %mul3A_367 : i32
        %dma_start3A_369 = arith.constant 0 : i32
        %dma_start3A_370 = tpu.memref_slice %arg4[%arg1, %mul3A_368, %dma_start3A_369] : memref<16x160x128xi32, #tpu.memory_space<hbm>> -> memref<1x4x128xi32, #tpu.memory_space<hbm>>
        %dma_start3A_371 = tpu.memref_squeeze %dma_start3A_370 : memref<1x4x128xi32, #tpu.memory_space<hbm>> -> memref<4x128xi32, #tpu.memory_space<hbm>>
        %dma_start3A_372 = arith.constant 0 : i32
        %dma_start3A_373 = tpu.memref_slice %arg4[%arg1, %mul3A_368, %dma_start3A_372] : memref<16x160x128xi32, #tpu.memory_space<hbm>> -> memref<1x4x128xi32, #tpu.memory_space<hbm>>
        %dma_start3A_374 = tpu.memref_squeeze %dma_start3A_373 : memref<1x4x128xi32, #tpu.memory_space<hbm>> -> memref<4x128xi32, #tpu.memory_space<hbm>>
        tpu.enqueue_dma source(%dma_start3A_374 : memref<4x128xi32, #tpu.memory_space<hbm>>) target(%arg8 : memref<4x128xi32, #tpu.memory_space<vmem>>) target_semaphore(%arg22 : memref<!tpu.dma_semaphore, #tpu.memory_space<semaphore_mem>>)
      } else {
      }
      %mul3A_235 = arith.constant 2 : i32
      %mul3A_236 = arith.muli %scan3A_115, %mul3A_235 : i32
      %add3A_237 = arith.constant 1 : i32
      %add3A_238 = arith.addi %mul3A_236, %add3A_237 : i32
      %add3A_239 = arith.constant 1 : i32
      %add3A_240 = arith.addi %add3A_238, %add3A_239 : i32
      %dma_wait3A_241 = arith.constant 0 : i32
      %dma_wait3A_242 = arith.constant 0 : i32
      %dma_wait3A_243 = tpu.memref_slice %arg7[%dma_wait3A_241, %dma_wait3A_242] : memref<4x128xi32, #tpu.memory_space<vmem>> -> memref<1x128xi32, #tpu.memory_space<vmem>>
      %dma_wait3A_244 = tpu.memref_squeeze %dma_wait3A_243 : memref<1x128xi32, #tpu.memory_space<vmem>> -> memref<128xi32, #tpu.memory_space<vmem>>
      %dma_wait3A_245 = arith.constant 0 : i32
      %dma_wait3A_246 = arith.constant 0 : i32
      %dma_wait3A_247 = tpu.memref_slice %arg24[%dma_wait3A_245, %dma_wait3A_246] : memref<10240x64xbf16, #tpu.memory_space<vmem_shared>> -> memref<10240x64xbf16, #tpu.memory_space<vmem_shared>>
      tpu.wait_indirect_dma semaphore(%arg14 : memref<!tpu.dma_semaphore, #tpu.memory_space<semaphore_mem>>) src(%dma_wait3A_247 : memref<10240x64xbf16, #tpu.memory_space<vmem_shared>>) dst(%arg10 : memref<128x64xbf16, #tpu.memory_space<vmem>>)
      %dma_start3A_248 = arith.constant 0 : i32
      %dma_start3A_249 = arith.constant 0 : i32
      %dma_start3A_250 = tpu.memref_slice %arg9[%dma_start3A_248, %dma_start3A_249] : memref<4x128xi32, #tpu.memory_space<vmem>> -> memref<1x128xi32, #tpu.memory_space<vmem>>
      %dma_start3A_251 = tpu.memref_squeeze %dma_start3A_250 : memref<1x128xi32, #tpu.memory_space<vmem>> -> memref<128xi32, #tpu.memory_space<vmem>>
      %dma_start3A_252 = arith.constant 0 : i32
      %dma_start3A_253 = arith.constant 0 : i32
      %dma_start3A_254 = tpu.memref_slice %arg25[%dma_start3A_252, %dma_start3A_253] : memref<10240x64xbf16, #tpu.memory_space<vmem_shared>> -> memref<10240x64xbf16, #tpu.memory_space<vmem_shared>>
      tpu.enqueue_indirect_dma source(%arg10 : memref<128x64xbf16, #tpu.memory_space<vmem>>) target(%dma_start3A_254 : memref<10240x64xbf16, #tpu.memory_space<vmem_shared>>) offsets(%dma_start3A_251 : memref<128xi32, #tpu.memory_space<vmem>>) semaphore(%arg18 : memref<!tpu.dma_semaphore, #tpu.memory_space<semaphore_mem>>) {add = true}
      %dma_wait3A_255 = arith.constant 1 : i32
      %dma_wait3A_256 = arith.constant 0 : i32
      %dma_wait3A_257 = tpu.memref_slice %arg7[%dma_wait3A_255, %dma_wait3A_256] : memref<4x128xi32, #tpu.memory_space<vmem>> -> memref<1x128xi32, #tpu.memory_space<vmem>>
      %dma_wait3A_258 = tpu.memref_squeeze %dma_wait3A_257 : memref<1x128xi32, #tpu.memory_space<vmem>> -> memref<128xi32, #tpu.memory_space<vmem>>
      %dma_wait3A_259 = arith.constant 0 : i32
      %dma_wait3A_260 = arith.constant 0 : i32
      %dma_wait3A_261 = tpu.memref_slice %arg24[%dma_wait3A_259, %dma_wait3A_260] : memref<10240x64xbf16, #tpu.memory_space<vmem_shared>> -> memref<10240x64xbf16, #tpu.memory_space<vmem_shared>>
      tpu.wait_indirect_dma semaphore(%arg15 : memref<!tpu.dma_semaphore, #tpu.memory_space<semaphore_mem>>) src(%dma_wait3A_261 : memref<10240x64xbf16, #tpu.memory_space<vmem_shared>>) dst(%arg11 : memref<128x64xbf16, #tpu.memory_space<vmem>>)
      %dma_start3A_262 = arith.constant 1 : i32
      %dma_start3A_263 = arith.constant 0 : i32
      %dma_start3A_264 = tpu.memref_slice %arg9[%dma_start3A_262, %dma_start3A_263] : memref<4x128xi32, #tpu.memory_space<vmem>> -> memref<1x128xi32, #tpu.memory_space<vmem>>
      %dma_start3A_265 = tpu.memref_squeeze %dma_start3A_264 : memref<1x128xi32, #tpu.memory_space<vmem>> -> memref<128xi32, #tpu.memory_space<vmem>>
      %dma_start3A_266 = arith.constant 0 : i32
      %dma_start3A_267 = arith.constant 0 : i32
      %dma_start3A_268 = tpu.memref_slice %arg25[%dma_start3A_266, %dma_start3A_267] : memref<10240x64xbf16, #tpu.memory_space<vmem_shared>> -> memref<10240x64xbf16, #tpu.memory_space<vmem_shared>>
      tpu.enqueue_indirect_dma source(%arg11 : memref<128x64xbf16, #tpu.memory_space<vmem>>) target(%dma_start3A_268 : memref<10240x64xbf16, #tpu.memory_space<vmem_shared>>) offsets(%dma_start3A_265 : memref<128xi32, #tpu.memory_space<vmem>>) semaphore(%arg19 : memref<!tpu.dma_semaphore, #tpu.memory_space<semaphore_mem>>) {add = true}
      %dma_wait3A_269 = arith.constant 2 : i32
      %dma_wait3A_270 = arith.constant 0 : i32
      %dma_wait3A_271 = tpu.memref_slice %arg7[%dma_wait3A_269, %dma_wait3A_270] : memref<4x128xi32, #tpu.memory_space<vmem>> -> memref<1x128xi32, #tpu.memory_space<vmem>>
      %dma_wait3A_272 = tpu.memref_squeeze %dma_wait3A_271 : memref<1x128xi32, #tpu.memory_space<vmem>> -> memref<128xi32, #tpu.memory_space<vmem>>
      %dma_wait3A_273 = arith.constant 0 : i32
      %dma_wait3A_274 = arith.constant 0 : i32
      %dma_wait3A_275 = tpu.memref_slice %arg24[%dma_wait3A_273, %dma_wait3A_274] : memref<10240x64xbf16, #tpu.memory_space<vmem_shared>> -> memref<10240x64xbf16, #tpu.memory_space<vmem_shared>>
      tpu.wait_indirect_dma semaphore(%arg16 : memref<!tpu.dma_semaphore, #tpu.memory_space<semaphore_mem>>) src(%dma_wait3A_275 : memref<10240x64xbf16, #tpu.memory_space<vmem_shared>>) dst(%arg12 : memref<128x64xbf16, #tpu.memory_space<vmem>>)
      %dma_start3A_276 = arith.constant 2 : i32
      %dma_start3A_277 = arith.constant 0 : i32
      %dma_start3A_278 = tpu.memref_slice %arg9[%dma_start3A_276, %dma_start3A_277] : memref<4x128xi32, #tpu.memory_space<vmem>> -> memref<1x128xi32, #tpu.memory_space<vmem>>
      %dma_start3A_279 = tpu.memref_squeeze %dma_start3A_278 : memref<1x128xi32, #tpu.memory_space<vmem>> -> memref<128xi32, #tpu.memory_space<vmem>>
      %dma_start3A_280 = arith.constant 0 : i32
      %dma_start3A_281 = arith.constant 0 : i32
      %dma_start3A_282 = tpu.memref_slice %arg25[%dma_start3A_280, %dma_start3A_281] : memref<10240x64xbf16, #tpu.memory_space<vmem_shared>> -> memref<10240x64xbf16, #tpu.memory_space<vmem_shared>>
      tpu.enqueue_indirect_dma source(%arg12 : memref<128x64xbf16, #tpu.memory_space<vmem>>) target(%dma_start3A_282 : memref<10240x64xbf16, #tpu.memory_space<vmem_shared>>) offsets(%dma_start3A_279 : memref<128xi32, #tpu.memory_space<vmem>>) semaphore(%arg20 : memref<!tpu.dma_semaphore, #tpu.memory_space<semaphore_mem>>) {add = true}
      %dma_wait3A_283 = arith.constant 3 : i32
      %dma_wait3A_284 = arith.constant 0 : i32
      %dma_wait3A_285 = tpu.memref_slice %arg7[%dma_wait3A_283, %dma_wait3A_284] : memref<4x128xi32, #tpu.memory_space<vmem>> -> memref<1x128xi32, #tpu.memory_space<vmem>>
      %dma_wait3A_286 = tpu.memref_squeeze %dma_wait3A_285 : memref<1x128xi32, #tpu.memory_space<vmem>> -> memref<128xi32, #tpu.memory_space<vmem>>
      %dma_wait3A_287 = arith.constant 0 : i32
      %dma_wait3A_288 = arith.constant 0 : i32
      %dma_wait3A_289 = tpu.memref_slice %arg24[%dma_wait3A_287, %dma_wait3A_288] : memref<10240x64xbf16, #tpu.memory_space<vmem_shared>> -> memref<10240x64xbf16, #tpu.memory_space<vmem_shared>>
      tpu.wait_indirect_dma semaphore(%arg17 : memref<!tpu.dma_semaphore, #tpu.memory_space<semaphore_mem>>) src(%dma_wait3A_289 : memref<10240x64xbf16, #tpu.memory_space<vmem_shared>>) dst(%arg13 : memref<128x64xbf16, #tpu.memory_space<vmem>>)
      %dma_start3A_290 = arith.constant 3 : i32
      %dma_start3A_291 = arith.constant 0 : i32
      %dma_start3A_292 = tpu.memref_slice %arg9[%dma_start3A_290, %dma_start3A_291] : memref<4x128xi32, #tpu.memory_space<vmem>> -> memref<1x128xi32, #tpu.memory_space<vmem>>
      %dma_start3A_293 = tpu.memref_squeeze %dma_start3A_292 : memref<1x128xi32, #tpu.memory_space<vmem>> -> memref<128xi32, #tpu.memory_space<vmem>>
      %dma_start3A_294 = arith.constant 0 : i32
      %dma_start3A_295 = arith.constant 0 : i32
      %dma_start3A_296 = tpu.memref_slice %arg25[%dma_start3A_294, %dma_start3A_295] : memref<10240x64xbf16, #tpu.memory_space<vmem_shared>> -> memref<10240x64xbf16, #tpu.memory_space<vmem_shared>>
      tpu.enqueue_indirect_dma source(%arg13 : memref<128x64xbf16, #tpu.memory_space<vmem>>) target(%dma_start3A_296 : memref<10240x64xbf16, #tpu.memory_space<vmem_shared>>) offsets(%dma_start3A_293 : memref<128xi32, #tpu.memory_space<vmem>>) semaphore(%arg21 : memref<!tpu.dma_semaphore, #tpu.memory_space<semaphore_mem>>) {add = true}
      %lt3A_297 = arith.constant 40 : i32
      %lt3A_298 = arith.cmpi slt, %add3A_240, %lt3A_297 : i32
      %convert_element_type3A_299 = arith.extui %lt3A_298 : i1 to i32
      %cond3A_300 = arith.constant 0 : i32
      %cond3A_301 = arith.cmpi ne, %convert_element_type3A_299, %cond3A_300 : i32
      scf.if %cond3A_301 {
        %dma_wait3A_357 = arith.constant 0 : i32
        %dma_wait3A_358 = arith.constant 0 : i32
        %dma_wait3A_359 = tpu.memref_slice %arg3[%arg1, %dma_wait3A_357, %dma_wait3A_358] : memref<16x160x128xi32, #tpu.memory_space<hbm>> -> memref<1x4x128xi32, #tpu.memory_space<hbm>>
        %dma_wait3A_360 = tpu.memref_squeeze %dma_wait3A_359 : memref<1x4x128xi32, #tpu.memory_space<hbm>> -> memref<4x128xi32, #tpu.memory_space<hbm>>
        %dma_wait3A_361 = arith.constant 0 : i32
        %dma_wait3A_362 = arith.constant 0 : i32
        %dma_wait3A_363 = tpu.memref_slice %arg3[%arg1, %dma_wait3A_361, %dma_wait3A_362] : memref<16x160x128xi32, #tpu.memory_space<hbm>> -> memref<1x4x128xi32, #tpu.memory_space<hbm>>
        %dma_wait3A_364 = tpu.memref_squeeze %dma_wait3A_363 : memref<1x4x128xi32, #tpu.memory_space<hbm>> -> memref<4x128xi32, #tpu.memory_space<hbm>>
        tpu.wait_dma2 semaphore(%arg22 : memref<!tpu.dma_semaphore, #tpu.memory_space<semaphore_mem>>) src(%dma_wait3A_364 : memref<4x128xi32, #tpu.memory_space<hbm>>) dst(%arg6 : memref<4x128xi32, #tpu.memory_space<vmem>>)
        %dma_wait3A_365 = arith.constant 0 : i32
        %dma_wait3A_366 = arith.constant 0 : i32
        %dma_wait3A_367 = tpu.memref_slice %arg4[%arg1, %dma_wait3A_365, %dma_wait3A_366] : memref<16x160x128xi32, #tpu.memory_space<hbm>> -> memref<1x4x128xi32, #tpu.memory_space<hbm>>
        %dma_wait3A_368 = tpu.memref_squeeze %dma_wait3A_367 : memref<1x4x128xi32, #tpu.memory_space<hbm>> -> memref<4x128xi32, #tpu.memory_space<hbm>>
        %dma_wait3A_369 = arith.constant 0 : i32
        %dma_wait3A_370 = arith.constant 0 : i32
        %dma_wait3A_371 = tpu.memref_slice %arg4[%arg1, %dma_wait3A_369, %dma_wait3A_370] : memref<16x160x128xi32, #tpu.memory_space<hbm>> -> memref<1x4x128xi32, #tpu.memory_space<hbm>>
        %dma_wait3A_372 = tpu.memref_squeeze %dma_wait3A_371 : memref<1x4x128xi32, #tpu.memory_space<hbm>> -> memref<4x128xi32, #tpu.memory_space<hbm>>
        tpu.wait_dma2 semaphore(%arg22 : memref<!tpu.dma_semaphore, #tpu.memory_space<semaphore_mem>>) src(%dma_wait3A_372 : memref<4x128xi32, #tpu.memory_space<hbm>>) dst(%arg8 : memref<4x128xi32, #tpu.memory_space<vmem>>)
      } else {
      }
      %dma_wait3A_302 = arith.constant 0 : i32
      %dma_wait3A_303 = arith.constant 0 : i32
      %dma_wait3A_304 = tpu.memref_slice %arg9[%dma_wait3A_302, %dma_wait3A_303] : memref<4x128xi32, #tpu.memory_space<vmem>> -> memref<1x128xi32, #tpu.memory_space<vmem>>
      %dma_wait3A_305 = tpu.memref_squeeze %dma_wait3A_304 : memref<1x128xi32, #tpu.memory_space<vmem>> -> memref<128xi32, #tpu.memory_space<vmem>>
      %dma_wait3A_306 = arith.constant 0 : i32
      %dma_wait3A_307 = arith.constant 0 : i32
      %dma_wait3A_308 = tpu.memref_slice %arg25[%dma_wait3A_306, %dma_wait3A_307] : memref<10240x64xbf16, #tpu.memory_space<vmem_shared>> -> memref<10240x64xbf16, #tpu.memory_space<vmem_shared>>
      tpu.wait_indirect_dma semaphore(%arg18 : memref<!tpu.dma_semaphore, #tpu.memory_space<semaphore_mem>>) src(%arg10 : memref<128x64xbf16, #tpu.memory_space<vmem>>) dst(%dma_wait3A_308 : memref<10240x64xbf16, #tpu.memory_space<vmem_shared>>)
      %lt3A_309 = arith.constant 40 : i32
      %lt3A_310 = arith.cmpi slt, %add3A_240, %lt3A_309 : i32
      %convert_element_type3A_311 = arith.extui %lt3A_310 : i1 to i32
      %cond3A_312 = arith.constant 0 : i32
      %cond3A_313 = arith.cmpi ne, %convert_element_type3A_311, %cond3A_312 : i32
      scf.if %cond3A_313 {
        %dma_start3A_357 = arith.constant 0 : i32
        %dma_start3A_358 = arith.constant 0 : i32
        %dma_start3A_359 = tpu.memref_slice %arg6[%dma_start3A_357, %dma_start3A_358] : memref<4x128xi32, #tpu.memory_space<vmem>> -> memref<1x128xi32, #tpu.memory_space<vmem>>
        %dma_start3A_360 = tpu.memref_squeeze %dma_start3A_359 : memref<1x128xi32, #tpu.memory_space<vmem>> -> memref<128xi32, #tpu.memory_space<vmem>>
        %dma_start3A_361 = arith.constant 0 : i32
        %dma_start3A_362 = arith.constant 0 : i32
        %dma_start3A_363 = tpu.memref_slice %arg24[%dma_start3A_361, %dma_start3A_362] : memref<10240x64xbf16, #tpu.memory_space<vmem_shared>> -> memref<10240x64xbf16, #tpu.memory_space<vmem_shared>>
        tpu.enqueue_indirect_dma source(%dma_start3A_363 : memref<10240x64xbf16, #tpu.memory_space<vmem_shared>>) target(%arg10 : memref<128x64xbf16, #tpu.memory_space<vmem>>) offsets(%dma_start3A_360 : memref<128xi32, #tpu.memory_space<vmem>>) semaphore(%arg14 : memref<!tpu.dma_semaphore, #tpu.memory_space<semaphore_mem>>)
      } else {
      }
      %dma_wait3A_314 = arith.constant 0 : i32
      %dma_wait3A_315 = arith.constant 0 : i32
      %dma_wait3A_316 = tpu.memref_slice %arg9[%dma_wait3A_314, %dma_wait3A_315] : memref<4x128xi32, #tpu.memory_space<vmem>> -> memref<1x128xi32, #tpu.memory_space<vmem>>
      %dma_wait3A_317 = tpu.memref_squeeze %dma_wait3A_316 : memref<1x128xi32, #tpu.memory_space<vmem>> -> memref<128xi32, #tpu.memory_space<vmem>>
      %dma_wait3A_318 = arith.constant 0 : i32
      %dma_wait3A_319 = arith.constant 0 : i32
      %dma_wait3A_320 = tpu.memref_slice %arg25[%dma_wait3A_318, %dma_wait3A_319] : memref<10240x64xbf16, #tpu.memory_space<vmem_shared>> -> memref<10240x64xbf16, #tpu.memory_space<vmem_shared>>
      tpu.wait_indirect_dma semaphore(%arg19 : memref<!tpu.dma_semaphore, #tpu.memory_space<semaphore_mem>>) src(%arg11 : memref<128x64xbf16, #tpu.memory_space<vmem>>) dst(%dma_wait3A_320 : memref<10240x64xbf16, #tpu.memory_space<vmem_shared>>)
      %lt3A_321 = arith.constant 40 : i32
      %lt3A_322 = arith.cmpi slt, %add3A_240, %lt3A_321 : i32
      %convert_element_type3A_323 = arith.extui %lt3A_322 : i1 to i32
      %cond3A_324 = arith.constant 0 : i32
      %cond3A_325 = arith.cmpi ne, %convert_element_type3A_323, %cond3A_324 : i32
      scf.if %cond3A_325 {
        %dma_start3A_357 = arith.constant 1 : i32
        %dma_start3A_358 = arith.constant 0 : i32
        %dma_start3A_359 = tpu.memref_slice %arg6[%dma_start3A_357, %dma_start3A_358] : memref<4x128xi32, #tpu.memory_space<vmem>> -> memref<1x128xi32, #tpu.memory_space<vmem>>
        %dma_start3A_360 = tpu.memref_squeeze %dma_start3A_359 : memref<1x128xi32, #tpu.memory_space<vmem>> -> memref<128xi32, #tpu.memory_space<vmem>>
        %dma_start3A_361 = arith.constant 0 : i32
        %dma_start3A_362 = arith.constant 0 : i32
        %dma_start3A_363 = tpu.memref_slice %arg24[%dma_start3A_361, %dma_start3A_362] : memref<10240x64xbf16, #tpu.memory_space<vmem_shared>> -> memref<10240x64xbf16, #tpu.memory_space<vmem_shared>>
        tpu.enqueue_indirect_dma source(%dma_start3A_363 : memref<10240x64xbf16, #tpu.memory_space<vmem_shared>>) target(%arg11 : memref<128x64xbf16, #tpu.memory_space<vmem>>) offsets(%dma_start3A_360 : memref<128xi32, #tpu.memory_space<vmem>>) semaphore(%arg15 : memref<!tpu.dma_semaphore, #tpu.memory_space<semaphore_mem>>)
      } else {
      }
      %dma_wait3A_326 = arith.constant 0 : i32
      %dma_wait3A_327 = arith.constant 0 : i32
      %dma_wait3A_328 = tpu.memref_slice %arg9[%dma_wait3A_326, %dma_wait3A_327] : memref<4x128xi32, #tpu.memory_space<vmem>> -> memref<1x128xi32, #tpu.memory_space<vmem>>
      %dma_wait3A_329 = tpu.memref_squeeze %dma_wait3A_328 : memref<1x128xi32, #tpu.memory_space<vmem>> -> memref<128xi32, #tpu.memory_space<vmem>>
      %dma_wait3A_330 = arith.constant 0 : i32
      %dma_wait3A_331 = arith.constant 0 : i32
      %dma_wait3A_332 = tpu.memref_slice %arg25[%dma_wait3A_330, %dma_wait3A_331] : memref<10240x64xbf16, #tpu.memory_space<vmem_shared>> -> memref<10240x64xbf16, #tpu.memory_space<vmem_shared>>
      tpu.wait_indirect_dma semaphore(%arg20 : memref<!tpu.dma_semaphore, #tpu.memory_space<semaphore_mem>>) src(%arg12 : memref<128x64xbf16, #tpu.memory_space<vmem>>) dst(%dma_wait3A_332 : memref<10240x64xbf16, #tpu.memory_space<vmem_shared>>)
      %lt3A_333 = arith.constant 40 : i32
      %lt3A_334 = arith.cmpi slt, %add3A_240, %lt3A_333 : i32
      %convert_element_type3A_335 = arith.extui %lt3A_334 : i1 to i32
      %cond3A_336 = arith.constant 0 : i32
      %cond3A_337 = arith.cmpi ne, %convert_element_type3A_335, %cond3A_336 : i32
      scf.if %cond3A_337 {
        %dma_start3A_357 = arith.constant 2 : i32
        %dma_start3A_358 = arith.constant 0 : i32
        %dma_start3A_359 = tpu.memref_slice %arg6[%dma_start3A_357, %dma_start3A_358] : memref<4x128xi32, #tpu.memory_space<vmem>> -> memref<1x128xi32, #tpu.memory_space<vmem>>
        %dma_start3A_360 = tpu.memref_squeeze %dma_start3A_359 : memref<1x128xi32, #tpu.memory_space<vmem>> -> memref<128xi32, #tpu.memory_space<vmem>>
        %dma_start3A_361 = arith.constant 0 : i32
        %dma_start3A_362 = arith.constant 0 : i32
        %dma_start3A_363 = tpu.memref_slice %arg24[%dma_start3A_361, %dma_start3A_362] : memref<10240x64xbf16, #tpu.memory_space<vmem_shared>> -> memref<10240x64xbf16, #tpu.memory_space<vmem_shared>>
        tpu.enqueue_indirect_dma source(%dma_start3A_363 : memref<10240x64xbf16, #tpu.memory_space<vmem_shared>>) target(%arg12 : memref<128x64xbf16, #tpu.memory_space<vmem>>) offsets(%dma_start3A_360 : memref<128xi32, #tpu.memory_space<vmem>>) semaphore(%arg16 : memref<!tpu.dma_semaphore, #tpu.memory_space<semaphore_mem>>)
      } else {
      }
      %dma_wait3A_338 = arith.constant 0 : i32
      %dma_wait3A_339 = arith.constant 0 : i32
      %dma_wait3A_340 = tpu.memref_slice %arg9[%dma_wait3A_338, %dma_wait3A_339] : memref<4x128xi32, #tpu.memory_space<vmem>> -> memref<1x128xi32, #tpu.memory_space<vmem>>
      %dma_wait3A_341 = tpu.memref_squeeze %dma_wait3A_340 : memref<1x128xi32, #tpu.memory_space<vmem>> -> memref<128xi32, #tpu.memory_space<vmem>>
      %dma_wait3A_342 = arith.constant 0 : i32
      %dma_wait3A_343 = arith.constant 0 : i32
      %dma_wait3A_344 = tpu.memref_slice %arg25[%dma_wait3A_342, %dma_wait3A_343] : memref<10240x64xbf16, #tpu.memory_space<vmem_shared>> -> memref<10240x64xbf16, #tpu.memory_space<vmem_shared>>
      tpu.wait_indirect_dma semaphore(%arg21 : memref<!tpu.dma_semaphore, #tpu.memory_space<semaphore_mem>>) src(%arg13 : memref<128x64xbf16, #tpu.memory_space<vmem>>) dst(%dma_wait3A_344 : memref<10240x64xbf16, #tpu.memory_space<vmem_shared>>)
      %lt3A_345 = arith.constant 40 : i32
      %lt3A_346 = arith.cmpi slt, %add3A_240, %lt3A_345 : i32
      %convert_element_type3A_347 = arith.extui %lt3A_346 : i1 to i32
      %cond3A_348 = arith.constant 0 : i32
      %cond3A_349 = arith.cmpi ne, %convert_element_type3A_347, %cond3A_348 : i32
      scf.if %cond3A_349 {
        %dma_start3A_357 = arith.constant 3 : i32
        %dma_start3A_358 = arith.constant 0 : i32
        %dma_start3A_359 = tpu.memref_slice %arg6[%dma_start3A_357, %dma_start3A_358] : memref<4x128xi32, #tpu.memory_space<vmem>> -> memref<1x128xi32, #tpu.memory_space<vmem>>
        %dma_start3A_360 = tpu.memref_squeeze %dma_start3A_359 : memref<1x128xi32, #tpu.memory_space<vmem>> -> memref<128xi32, #tpu.memory_space<vmem>>
        %dma_start3A_361 = arith.constant 0 : i32
        %dma_start3A_362 = arith.constant 0 : i32
        %dma_start3A_363 = tpu.memref_slice %arg24[%dma_start3A_361, %dma_start3A_362] : memref<10240x64xbf16, #tpu.memory_space<vmem_shared>> -> memref<10240x64xbf16, #tpu.memory_space<vmem_shared>>
        tpu.enqueue_indirect_dma source(%dma_start3A_363 : memref<10240x64xbf16, #tpu.memory_space<vmem_shared>>) target(%arg13 : memref<128x64xbf16, #tpu.memory_space<vmem>>) offsets(%dma_start3A_360 : memref<128xi32, #tpu.memory_space<vmem>>) semaphore(%arg17 : memref<!tpu.dma_semaphore, #tpu.memory_space<semaphore_mem>>)
      } else {
      }
      %add3A_350 = arith.constant 2 : i32
      %add3A_351 = arith.addi %add3A_238, %add3A_350 : i32
      %lt3A_352 = arith.constant 40 : i32
      %lt3A_353 = arith.cmpi slt, %add3A_351, %lt3A_352 : i32
      %convert_element_type3A_354 = arith.extui %lt3A_353 : i1 to i32
      %cond3A_355 = arith.constant 0 : i32
      %cond3A_356 = arith.cmpi ne, %convert_element_type3A_354, %cond3A_355 : i32
      scf.if %cond3A_356 {
        %add3A_357 = arith.constant 2 : i32
        %add3A_358 = arith.addi %add3A_238, %add3A_357 : i32
        %mul3A_359 = arith.constant 4 : i32
        %mul3A_360 = arith.muli %add3A_358, %mul3A_359 : i32
        %dma_start3A_361 = arith.constant 0 : i32
        %dma_start3A_362 = tpu.memref_slice %arg3[%arg1, %mul3A_360, %dma_start3A_361] : memref<16x160x128xi32, #tpu.memory_space<hbm>> -> memref<1x4x128xi32, #tpu.memory_space<hbm>>
        %dma_start3A_363 = tpu.memref_squeeze %dma_start3A_362 : memref<1x4x128xi32, #tpu.memory_space<hbm>> -> memref<4x128xi32, #tpu.memory_space<hbm>>
        %dma_start3A_364 = arith.constant 0 : i32
        %dma_start3A_365 = tpu.memref_slice %arg3[%arg1, %mul3A_360, %dma_start3A_364] : memref<16x160x128xi32, #tpu.memory_space<hbm>> -> memref<1x4x128xi32, #tpu.memory_space<hbm>>
        %dma_start3A_366 = tpu.memref_squeeze %dma_start3A_365 : memref<1x4x128xi32, #tpu.memory_space<hbm>> -> memref<4x128xi32, #tpu.memory_space<hbm>>
        tpu.enqueue_dma source(%dma_start3A_366 : memref<4x128xi32, #tpu.memory_space<hbm>>) target(%arg7 : memref<4x128xi32, #tpu.memory_space<vmem>>) target_semaphore(%arg23 : memref<!tpu.dma_semaphore, #tpu.memory_space<semaphore_mem>>)
        %mul3A_367 = arith.constant 4 : i32
        %mul3A_368 = arith.muli %add3A_358, %mul3A_367 : i32
        %dma_start3A_369 = arith.constant 0 : i32
        %dma_start3A_370 = tpu.memref_slice %arg4[%arg1, %mul3A_368, %dma_start3A_369] : memref<16x160x128xi32, #tpu.memory_space<hbm>> -> memref<1x4x128xi32, #tpu.memory_space<hbm>>
        %dma_start3A_371 = tpu.memref_squeeze %dma_start3A_370 : memref<1x4x128xi32, #tpu.memory_space<hbm>> -> memref<4x128xi32, #tpu.memory_space<hbm>>
        %dma_start3A_372 = arith.constant 0 : i32
        %dma_start3A_373 = tpu.memref_slice %arg4[%arg1, %mul3A_368, %dma_start3A_372] : memref<16x160x128xi32, #tpu.memory_space<hbm>> -> memref<1x4x128xi32, #tpu.memory_space<hbm>>
        %dma_start3A_374 = tpu.memref_squeeze %dma_start3A_373 : memref<1x4x128xi32, #tpu.memory_space<hbm>> -> memref<4x128xi32, #tpu.memory_space<hbm>>
        tpu.enqueue_dma source(%dma_start3A_374 : memref<4x128xi32, #tpu.memory_space<hbm>>) target(%arg9 : memref<4x128xi32, #tpu.memory_space<vmem>>) target_semaphore(%arg23 : memref<!tpu.dma_semaphore, #tpu.memory_space<semaphore_mem>>)
      } else {
      }
    }
    %scan3A_93 = arith.constant 20 : i32
    %barrier3A_94 = arith.constant 0 : index
    tpu.barrier barrier_id(%barrier3A_94)
    %add3A_95 = arith.constant 0 : i32
    %add3A_96 = arith.addi %mul3A_0, %add3A_95 : i32
    %add3A_97 = arith.constant 0 : i32
    %add3A_98 = arith.addi %mul3A_0, %add3A_97 : i32
    "tpu.region"() ({
      %run_scoped3A = tpu.sem_alloc : memref<!tpu.dma_semaphore, #tpu.memory_space<semaphore_mem>>
      %dma_start3A_115 = arith.constant 0 : i32
      %dma_start3A_116 = tpu.memref_slice %arg5[%arg0, %add3A_98, %dma_start3A_115] : memref<2x10240x64xbf16, #tpu.memory_space<hbm>> -> memref<1x128x64xbf16, #tpu.memory_space<hbm>>
      %dma_start3A_117 = tpu.memref_squeeze %dma_start3A_116 : memref<1x128x64xbf16, #tpu.memory_space<hbm>> -> memref<128x64xbf16, #tpu.memory_space<hbm>>
      %dma_start3A_118 = arith.constant 0 : i32
      %dma_start3A_119 = tpu.memref_slice %arg25[%add3A_96, %dma_start3A_118] : memref<10240x64xbf16, #tpu.memory_space<vmem_shared>> -> memref<128x64xbf16, #tpu.memory_space<vmem_shared>>
      tpu.enqueue_dma source(%dma_start3A_119 : memref<128x64xbf16, #tpu.memory_space<vmem_shared>>) target(%dma_start3A_117 : memref<128x64xbf16, #tpu.memory_space<hbm>>) target_semaphore(%run_scoped3A : memref<!tpu.dma_semaphore, #tpu.memory_space<semaphore_mem>>)
      %dma_wait3A_120 = arith.constant 0 : i32
      %dma_wait3A_121 = tpu.memref_slice %arg5[%arg0, %add3A_98, %dma_wait3A_120] : memref<2x10240x64xbf16, #tpu.memory_space<hbm>> -> memref<1x128x64xbf16, #tpu.memory_space<hbm>>
      %dma_wait3A_122 = tpu.memref_squeeze %dma_wait3A_121 : memref<1x128x64xbf16, #tpu.memory_space<hbm>> -> memref<128x64xbf16, #tpu.memory_space<hbm>>
      %dma_wait3A_123 = arith.constant 0 : i32
      %dma_wait3A_124 = tpu.memref_slice %arg25[%add3A_96, %dma_wait3A_123] : memref<10240x64xbf16, #tpu.memory_space<vmem_shared>> -> memref<128x64xbf16, #tpu.memory_space<vmem_shared>>
      tpu.wait_dma2 semaphore(%run_scoped3A : memref<!tpu.dma_semaphore, #tpu.memory_space<semaphore_mem>>) src(%dma_wait3A_124 : memref<128x64xbf16, #tpu.memory_space<vmem_shared>>) dst(%dma_wait3A_122 : memref<128x64xbf16, #tpu.memory_space<hbm>>)
      tpu.yield
    }) : () -> ()
    %add3A_99 = arith.constant 128 : i32
    %add3A_100 = arith.addi %mul3A_0, %add3A_99 : i32
    %add3A_101 = arith.constant 128 : i32
    %add3A_102 = arith.addi %mul3A_0, %add3A_101 : i32
    "tpu.region"() ({
      %run_scoped3A = tpu.sem_alloc : memref<!tpu.dma_semaphore, #tpu.memory_space<semaphore_mem>>
      %dma_start3A_115 = arith.constant 0 : i32
      %dma_start3A_116 = tpu.memref_slice %arg5[%arg0, %add3A_102, %dma_start3A_115] : memref<2x10240x64xbf16, #tpu.memory_space<hbm>> -> memref<1x128x64xbf16, #tpu.memory_space<hbm>>
      %dma_start3A_117 = tpu.memref_squeeze %dma_start3A_116 : memref<1x128x64xbf16, #tpu.memory_space<hbm>> -> memref<128x64xbf16, #tpu.memory_space<hbm>>
      %dma_start3A_118 = arith.constant 0 : i32
      %dma_start3A_119 = tpu.memref_slice %arg25[%add3A_100, %dma_start3A_118] : memref<10240x64xbf16, #tpu.memory_space<vmem_shared>> -> memref<128x64xbf16, #tpu.memory_space<vmem_shared>>
      tpu.enqueue_dma source(%dma_start3A_119 : memref<128x64xbf16, #tpu.memory_space<vmem_shared>>) target(%dma_start3A_117 : memref<128x64xbf16, #tpu.memory_space<hbm>>) target_semaphore(%run_scoped3A : memref<!tpu.dma_semaphore, #tpu.memory_space<semaphore_mem>>)
      %dma_wait3A_120 = arith.constant 0 : i32
      %dma_wait3A_121 = tpu.memref_slice %arg5[%arg0, %add3A_102, %dma_wait3A_120] : memref<2x10240x64xbf16, #tpu.memory_space<hbm>> -> memref<1x128x64xbf16, #tpu.memory_space<hbm>>
      %dma_wait3A_122 = tpu.memref_squeeze %dma_wait3A_121 : memref<1x128x64xbf16, #tpu.memory_space<hbm>> -> memref<128x64xbf16, #tpu.memory_space<hbm>>
      %dma_wait3A_123 = arith.constant 0 : i32
      %dma_wait3A_124 = tpu.memref_slice %arg25[%add3A_100, %dma_wait3A_123] : memref<10240x64xbf16, #tpu.memory_space<vmem_shared>> -> memref<128x64xbf16, #tpu.memory_space<vmem_shared>>
      tpu.wait_dma2 semaphore(%run_scoped3A : memref<!tpu.dma_semaphore, #tpu.memory_space<semaphore_mem>>) src(%dma_wait3A_124 : memref<128x64xbf16, #tpu.memory_space<vmem_shared>>) dst(%dma_wait3A_122 : memref<128x64xbf16, #tpu.memory_space<hbm>>)
      tpu.yield
    }) : () -> ()
    %add3A_103 = arith.constant 256 : i32
    %add3A_104 = arith.addi %mul3A_0, %add3A_103 : i32
    %add3A_105 = arith.constant 256 : i32
    %add3A_106 = arith.addi %mul3A_0, %add3A_105 : i32
    "tpu.region"() ({
      %run_scoped3A = tpu.sem_alloc : memref<!tpu.dma_semaphore, #tpu.memory_space<semaphore_mem>>
      %dma_start3A_115 = arith.constant 0 : i32
      %dma_start3A_116 = tpu.memref_slice %arg5[%arg0, %add3A_106, %dma_start3A_115] : memref<2x10240x64xbf16, #tpu.memory_space<hbm>> -> memref<1x128x64xbf16, #tpu.memory_space<hbm>>
      %dma_start3A_117 = tpu.memref_squeeze %dma_start3A_116 : memref<1x128x64xbf16, #tpu.memory_space<hbm>> -> memref<128x64xbf16, #tpu.memory_space<hbm>>
      %dma_start3A_118 = arith.constant 0 : i32
      %dma_start3A_119 = tpu.memref_slice %arg25[%add3A_104, %dma_start3A_118] : memref<10240x64xbf16, #tpu.memory_space<vmem_shared>> -> memref<128x64xbf16, #tpu.memory_space<vmem_shared>>
      tpu.enqueue_dma source(%dma_start3A_119 : memref<128x64xbf16, #tpu.memory_space<vmem_shared>>) target(%dma_start3A_117 : memref<128x64xbf16, #tpu.memory_space<hbm>>) target_semaphore(%run_scoped3A : memref<!tpu.dma_semaphore, #tpu.memory_space<semaphore_mem>>)
      %dma_wait3A_120 = arith.constant 0 : i32
      %dma_wait3A_121 = tpu.memref_slice %arg5[%arg0, %add3A_106, %dma_wait3A_120] : memref<2x10240x64xbf16, #tpu.memory_space<hbm>> -> memref<1x128x64xbf16, #tpu.memory_space<hbm>>
      %dma_wait3A_122 = tpu.memref_squeeze %dma_wait3A_121 : memref<1x128x64xbf16, #tpu.memory_space<hbm>> -> memref<128x64xbf16, #tpu.memory_space<hbm>>
      %dma_wait3A_123 = arith.constant 0 : i32
      %dma_wait3A_124 = tpu.memref_slice %arg25[%add3A_104, %dma_wait3A_123] : memref<10240x64xbf16, #tpu.memory_space<vmem_shared>> -> memref<128x64xbf16, #tpu.memory_space<vmem_shared>>
      tpu.wait_dma2 semaphore(%run_scoped3A : memref<!tpu.dma_semaphore, #tpu.memory_space<semaphore_mem>>) src(%dma_wait3A_124 : memref<128x64xbf16, #tpu.memory_space<vmem_shared>>) dst(%dma_wait3A_122 : memref<128x64xbf16, #tpu.memory_space<hbm>>)
      tpu.yield
    }) : () -> ()
    %add3A_107 = arith.constant 384 : i32
    %add3A_108 = arith.addi %mul3A_0, %add3A_107 : i32
    %add3A_109 = arith.constant 384 : i32
    %add3A_110 = arith.addi %mul3A_0, %add3A_109 : i32
    "tpu.region"() ({
      %run_scoped3A = tpu.sem_alloc : memref<!tpu.dma_semaphore, #tpu.memory_space<semaphore_mem>>
      %dma_start3A_115 = arith.constant 0 : i32
      %dma_start3A_116 = tpu.memref_slice %arg5[%arg0, %add3A_110, %dma_start3A_115] : memref<2x10240x64xbf16, #tpu.memory_space<hbm>> -> memref<1x128x64xbf16, #tpu.memory_space<hbm>>
      %dma_start3A_117 = tpu.memref_squeeze %dma_start3A_116 : memref<1x128x64xbf16, #tpu.memory_space<hbm>> -> memref<128x64xbf16, #tpu.memory_space<hbm>>
      %dma_start3A_118 = arith.constant 0 : i32
      %dma_start3A_119 = tpu.memref_slice %arg25[%add3A_108, %dma_start3A_118] : memref<10240x64xbf16, #tpu.memory_space<vmem_shared>> -> memref<128x64xbf16, #tpu.memory_space<vmem_shared>>
      tpu.enqueue_dma source(%dma_start3A_119 : memref<128x64xbf16, #tpu.memory_space<vmem_shared>>) target(%dma_start3A_117 : memref<128x64xbf16, #tpu.memory_space<hbm>>) target_semaphore(%run_scoped3A : memref<!tpu.dma_semaphore, #tpu.memory_space<semaphore_mem>>)
      %dma_wait3A_120 = arith.constant 0 : i32
      %dma_wait3A_121 = tpu.memref_slice %arg5[%arg0, %add3A_110, %dma_wait3A_120] : memref<2x10240x64xbf16, #tpu.memory_space<hbm>> -> memref<1x128x64xbf16, #tpu.memory_space<hbm>>
      %dma_wait3A_122 = tpu.memref_squeeze %dma_wait3A_121 : memref<1x128x64xbf16, #tpu.memory_space<hbm>> -> memref<128x64xbf16, #tpu.memory_space<hbm>>
      %dma_wait3A_123 = arith.constant 0 : i32
      %dma_wait3A_124 = tpu.memref_slice %arg25[%add3A_108, %dma_wait3A_123] : memref<10240x64xbf16, #tpu.memory_space<vmem_shared>> -> memref<128x64xbf16, #tpu.memory_space<vmem_shared>>
      tpu.wait_dma2 semaphore(%run_scoped3A : memref<!tpu.dma_semaphore, #tpu.memory_space<semaphore_mem>>) src(%dma_wait3A_124 : memref<128x64xbf16, #tpu.memory_space<vmem_shared>>) dst(%dma_wait3A_122 : memref<128x64xbf16, #tpu.memory_space<hbm>>)
      tpu.yield
    }) : () -> ()
    %add3A_111 = arith.constant 512 : i32
    %add3A_112 = arith.addi %mul3A_0, %add3A_111 : i32
    %add3A_113 = arith.constant 512 : i32
    %add3A_114 = arith.addi %mul3A_0, %add3A_113 : i32
    "tpu.region"() ({
      %run_scoped3A = tpu.sem_alloc : memref<!tpu.dma_semaphore, #tpu.memory_space<semaphore_mem>>
      %dma_start3A_115 = arith.constant 0 : i32
      %dma_start3A_116 = tpu.memref_slice %arg5[%arg0, %add3A_114, %dma_start3A_115] : memref<2x10240x64xbf16, #tpu.memory_space<hbm>> -> memref<1x128x64xbf16, #tpu.memory_space<hbm>>
      %dma_start3A_117 = tpu.memref_squeeze %dma_start3A_116 : memref<1x128x64xbf16, #tpu.memory_space<hbm>> -> memref<128x64xbf16, #tpu.memory_space<hbm>>
      %dma_start3A_118 = arith.constant 0 : i32
      %dma_start3A_119 = tpu.memref_slice %arg25[%add3A_112, %dma_start3A_118] : memref<10240x64xbf16, #tpu.memory_space<vmem_shared>> -> memref<128x64xbf16, #tpu.memory_space<vmem_shared>>
      tpu.enqueue_dma source(%dma_start3A_119 : memref<128x64xbf16, #tpu.memory_space<vmem_shared>>) target(%dma_start3A_117 : memref<128x64xbf16, #tpu.memory_space<hbm>>) target_semaphore(%run_scoped3A : memref<!tpu.dma_semaphore, #tpu.memory_space<semaphore_mem>>)
      %dma_wait3A_120 = arith.constant 0 : i32
      %dma_wait3A_121 = tpu.memref_slice %arg5[%arg0, %add3A_114, %dma_wait3A_120] : memref<2x10240x64xbf16, #tpu.memory_space<hbm>> -> memref<1x128x64xbf16, #tpu.memory_space<hbm>>
      %dma_wait3A_122 = tpu.memref_squeeze %dma_wait3A_121 : memref<1x128x64xbf16, #tpu.memory_space<hbm>> -> memref<128x64xbf16, #tpu.memory_space<hbm>>
      %dma_wait3A_123 = arith.constant 0 : i32
      %dma_wait3A_124 = tpu.memref_slice %arg25[%add3A_112, %dma_wait3A_123] : memref<10240x64xbf16, #tpu.memory_space<vmem_shared>> -> memref<128x64xbf16, #tpu.memory_space<vmem_shared>>
      tpu.wait_dma2 semaphore(%run_scoped3A : memref<!tpu.dma_semaphore, #tpu.memory_space<semaphore_mem>>) src(%dma_wait3A_124 : memref<128x64xbf16, #tpu.memory_space<vmem_shared>>) dst(%dma_wait3A_122 : memref<128x64xbf16, #tpu.memory_space<hbm>>)
      tpu.yield
    }) : () -> ()
    return
  }
}

#map = affine_map<(d0, d1) -> (0, 0, 0)>
module attributes {stable_mosaic.version = 14 : i64} {
  func.func @_deg_body(%arg0: i32, %arg1: i32, %arg2: memref<16x160x128xi32, #tpu.memory_space<hbm>>, %arg3: memref<2x10240x16xf32, #tpu.memory_space<hbm>>, %arg4: memref<80x128xi32, #tpu.memory_space<vmem>>, %arg5: memref<128x16xf32, #tpu.memory_space<vmem>>, %arg6: memref<128x16xf32, #tpu.memory_space<vmem>>, %arg7: memref<10240x16xf32, #tpu.memory_space<vmem_shared>>) attributes {dimension_semantics = [#tpu.dimension_semantics<core_parallel>, #tpu.dimension_semantics<subcore_parallel>], iteration_bounds = array<i64: 2, 16>, scalar_prefetch = 0 : i64, scratch_operands = 4 : i64, tpu.core_type = #tpu.core_type<sc_vector_subcore>, window_params = [{transform_indices = #map}, {transform_indices = #map}]} {
    %mul3A = arith.constant 640 : i32
    %mul3A_0 = arith.muli %arg1, %mul3A : i32
    %broadcast_in_dim3A = arith.constant 1.000000e+00 : f32
    %broadcast_in_dim3A_1 = vector.broadcast %broadcast_in_dim3A : f32 to vector<16xf32>
    %broadcast_in_dim3A_2 = arith.constant 0.000000e+00 : f32
    %broadcast_in_dim3A_3 = vector.broadcast %broadcast_in_dim3A_2 : f32 to vector<16xf32>
    %scan3A = arith.constant 0 : i32
    %scan3A_4 = arith.constant 128 : i32
    %scan3A_5 = arith.addi %scan3A, %scan3A_4 : i32
    %scan3A_6 = arith.constant 1 : i32
    scf.for %scan3A_25 = %scan3A to %scan3A_5 step %scan3A_6  : i32 {
      %swap3A = arith.index_cast %scan3A_25 : i32 to index
      %swap3A_26 = arith.constant 0 : index
      %swap3A_27 = tpu.vector_load %arg5[%swap3A, %swap3A_26] {strides = array<i32>} : memref<128x16xf32, #tpu.memory_space<vmem>>, vector<1x16xf32>,
      %swap3A_28 = vector.shape_cast %swap3A_27 : vector<1x16xf32> to vector<16xf32>
      %swap3A_29 = vector.shape_cast %broadcast_in_dim3A_1 : vector<16xf32> to vector<1x16xf32>
      tpu.vector_store %arg5[%swap3A, %swap3A_26], %swap3A_29 {strides = array<i32>} : memref<128x16xf32, #tpu.memory_space<vmem>>, vector<1x16xf32>,
      %swap3A_30 = arith.index_cast %scan3A_25 : i32 to index
      %swap3A_31 = arith.constant 0 : index
      %swap3A_32 = tpu.vector_load %arg6[%swap3A_30, %swap3A_31] {strides = array<i32>} : memref<128x16xf32, #tpu.memory_space<vmem>>, vector<1x16xf32>,
      %swap3A_33 = vector.shape_cast %swap3A_32 : vector<1x16xf32> to vector<16xf32>
      %swap3A_34 = vector.shape_cast %broadcast_in_dim3A_3 : vector<16xf32> to vector<1x16xf32>
      tpu.vector_store %arg6[%swap3A_30, %swap3A_31], %swap3A_34 {strides = array<i32>} : memref<128x16xf32, #tpu.memory_space<vmem>>, vector<1x16xf32>,
    }
    %scan3A_7 = arith.constant 128 : i32
    %add3A = arith.constant 0 : i32
    %add3A_8 = arith.addi %mul3A_0, %add3A : i32
    "tpu.region"() ({
      %run_scoped3A = tpu.sem_alloc : memref<!tpu.dma_semaphore, #tpu.memory_space<semaphore_mem>>
      %dma_start3A = arith.constant 0 : i32
      %dma_start3A_25 = tpu.memref_slice %arg7[%add3A_8, %dma_start3A] : memref<10240x16xf32, #tpu.memory_space<vmem_shared>> -> memref<128x16xf32, #tpu.memory_space<vmem_shared>>
      %dma_start3A_26 = arith.constant 0 : i32
      %dma_start3A_27 = tpu.memref_slice %arg7[%add3A_8, %dma_start3A_26] : memref<10240x16xf32, #tpu.memory_space<vmem_shared>> -> memref<128x16xf32, #tpu.memory_space<vmem_shared>>
      tpu.enqueue_dma source(%arg6 : memref<128x16xf32, #tpu.memory_space<vmem>>) target(%dma_start3A_27 : memref<128x16xf32, #tpu.memory_space<vmem_shared>>) target_semaphore(%run_scoped3A : memref<!tpu.dma_semaphore, #tpu.memory_space<semaphore_mem>>)
      %dma_wait3A = arith.constant 0 : i32
      %dma_wait3A_28 = tpu.memref_slice %arg7[%add3A_8, %dma_wait3A] : memref<10240x16xf32, #tpu.memory_space<vmem_shared>> -> memref<128x16xf32, #tpu.memory_space<vmem_shared>>
      %dma_wait3A_29 = arith.constant 0 : i32
      %dma_wait3A_30 = tpu.memref_slice %arg7[%add3A_8, %dma_wait3A_29] : memref<10240x16xf32, #tpu.memory_space<vmem_shared>> -> memref<128x16xf32, #tpu.memory_space<vmem_shared>>
      tpu.wait_dma2 semaphore(%run_scoped3A : memref<!tpu.dma_semaphore, #tpu.memory_space<semaphore_mem>>) src(%arg6 : memref<128x16xf32, #tpu.memory_space<vmem>>) dst(%dma_wait3A_30 : memref<128x16xf32, #tpu.memory_space<vmem_shared>>)
      tpu.yield
    }) : () -> ()
    %add3A_9 = arith.constant 128 : i32
    %add3A_10 = arith.addi %mul3A_0, %add3A_9 : i32
    "tpu.region"() ({
      %run_scoped3A = tpu.sem_alloc : memref<!tpu.dma_semaphore, #tpu.memory_space<semaphore_mem>>
      %dma_start3A = arith.constant 0 : i32
      %dma_start3A_25 = tpu.memref_slice %arg7[%add3A_10, %dma_start3A] : memref<10240x16xf32, #tpu.memory_space<vmem_shared>> -> memref<128x16xf32, #tpu.memory_space<vmem_shared>>
      %dma_start3A_26 = arith.constant 0 : i32
      %dma_start3A_27 = tpu.memref_slice %arg7[%add3A_10, %dma_start3A_26] : memref<10240x16xf32, #tpu.memory_space<vmem_shared>> -> memref<128x16xf32, #tpu.memory_space<vmem_shared>>
      tpu.enqueue_dma source(%arg6 : memref<128x16xf32, #tpu.memory_space<vmem>>) target(%dma_start3A_27 : memref<128x16xf32, #tpu.memory_space<vmem_shared>>) target_semaphore(%run_scoped3A : memref<!tpu.dma_semaphore, #tpu.memory_space<semaphore_mem>>)
      %dma_wait3A = arith.constant 0 : i32
      %dma_wait3A_28 = tpu.memref_slice %arg7[%add3A_10, %dma_wait3A] : memref<10240x16xf32, #tpu.memory_space<vmem_shared>> -> memref<128x16xf32, #tpu.memory_space<vmem_shared>>
      %dma_wait3A_29 = arith.constant 0 : i32
      %dma_wait3A_30 = tpu.memref_slice %arg7[%add3A_10, %dma_wait3A_29] : memref<10240x16xf32, #tpu.memory_space<vmem_shared>> -> memref<128x16xf32, #tpu.memory_space<vmem_shared>>
      tpu.wait_dma2 semaphore(%run_scoped3A : memref<!tpu.dma_semaphore, #tpu.memory_space<semaphore_mem>>) src(%arg6 : memref<128x16xf32, #tpu.memory_space<vmem>>) dst(%dma_wait3A_30 : memref<128x16xf32, #tpu.memory_space<vmem_shared>>)
      tpu.yield
    }) : () -> ()
    %add3A_11 = arith.constant 256 : i32
    %add3A_12 = arith.addi %mul3A_0, %add3A_11 : i32
    "tpu.region"() ({
      %run_scoped3A = tpu.sem_alloc : memref<!tpu.dma_semaphore, #tpu.memory_space<semaphore_mem>>
      %dma_start3A = arith.constant 0 : i32
      %dma_start3A_25 = tpu.memref_slice %arg7[%add3A_12, %dma_start3A] : memref<10240x16xf32, #tpu.memory_space<vmem_shared>> -> memref<128x16xf32, #tpu.memory_space<vmem_shared>>
      %dma_start3A_26 = arith.constant 0 : i32
      %dma_start3A_27 = tpu.memref_slice %arg7[%add3A_12, %dma_start3A_26] : memref<10240x16xf32, #tpu.memory_space<vmem_shared>> -> memref<128x16xf32, #tpu.memory_space<vmem_shared>>
      tpu.enqueue_dma source(%arg6 : memref<128x16xf32, #tpu.memory_space<vmem>>) target(%dma_start3A_27 : memref<128x16xf32, #tpu.memory_space<vmem_shared>>) target_semaphore(%run_scoped3A : memref<!tpu.dma_semaphore, #tpu.memory_space<semaphore_mem>>)
      %dma_wait3A = arith.constant 0 : i32
      %dma_wait3A_28 = tpu.memref_slice %arg7[%add3A_12, %dma_wait3A] : memref<10240x16xf32, #tpu.memory_space<vmem_shared>> -> memref<128x16xf32, #tpu.memory_space<vmem_shared>>
      %dma_wait3A_29 = arith.constant 0 : i32
      %dma_wait3A_30 = tpu.memref_slice %arg7[%add3A_12, %dma_wait3A_29] : memref<10240x16xf32, #tpu.memory_space<vmem_shared>> -> memref<128x16xf32, #tpu.memory_space<vmem_shared>>
      tpu.wait_dma2 semaphore(%run_scoped3A : memref<!tpu.dma_semaphore, #tpu.memory_space<semaphore_mem>>) src(%arg6 : memref<128x16xf32, #tpu.memory_space<vmem>>) dst(%dma_wait3A_30 : memref<128x16xf32, #tpu.memory_space<vmem_shared>>)
      tpu.yield
    }) : () -> ()
    %add3A_13 = arith.constant 384 : i32
    %add3A_14 = arith.addi %mul3A_0, %add3A_13 : i32
    "tpu.region"() ({
      %run_scoped3A = tpu.sem_alloc : memref<!tpu.dma_semaphore, #tpu.memory_space<semaphore_mem>>
      %dma_start3A = arith.constant 0 : i32
      %dma_start3A_25 = tpu.memref_slice %arg7[%add3A_14, %dma_start3A] : memref<10240x16xf32, #tpu.memory_space<vmem_shared>> -> memref<128x16xf32, #tpu.memory_space<vmem_shared>>
      %dma_start3A_26 = arith.constant 0 : i32
      %dma_start3A_27 = tpu.memref_slice %arg7[%add3A_14, %dma_start3A_26] : memref<10240x16xf32, #tpu.memory_space<vmem_shared>> -> memref<128x16xf32, #tpu.memory_space<vmem_shared>>
      tpu.enqueue_dma source(%arg6 : memref<128x16xf32, #tpu.memory_space<vmem>>) target(%dma_start3A_27 : memref<128x16xf32, #tpu.memory_space<vmem_shared>>) target_semaphore(%run_scoped3A : memref<!tpu.dma_semaphore, #tpu.memory_space<semaphore_mem>>)
      %dma_wait3A = arith.constant 0 : i32
      %dma_wait3A_28 = tpu.memref_slice %arg7[%add3A_14, %dma_wait3A] : memref<10240x16xf32, #tpu.memory_space<vmem_shared>> -> memref<128x16xf32, #tpu.memory_space<vmem_shared>>
      %dma_wait3A_29 = arith.constant 0 : i32
      %dma_wait3A_30 = tpu.memref_slice %arg7[%add3A_14, %dma_wait3A_29] : memref<10240x16xf32, #tpu.memory_space<vmem_shared>> -> memref<128x16xf32, #tpu.memory_space<vmem_shared>>
      tpu.wait_dma2 semaphore(%run_scoped3A : memref<!tpu.dma_semaphore, #tpu.memory_space<semaphore_mem>>) src(%arg6 : memref<128x16xf32, #tpu.memory_space<vmem>>) dst(%dma_wait3A_30 : memref<128x16xf32, #tpu.memory_space<vmem_shared>>)
      tpu.yield
    }) : () -> ()
    %add3A_15 = arith.constant 512 : i32
    %add3A_16 = arith.addi %mul3A_0, %add3A_15 : i32
    "tpu.region"() ({
      %run_scoped3A = tpu.sem_alloc : memref<!tpu.dma_semaphore, #tpu.memory_space<semaphore_mem>>
      %dma_start3A = arith.constant 0 : i32
      %dma_start3A_25 = tpu.memref_slice %arg7[%add3A_16, %dma_start3A] : memref<10240x16xf32, #tpu.memory_space<vmem_shared>> -> memref<128x16xf32, #tpu.memory_space<vmem_shared>>
      %dma_start3A_26 = arith.constant 0 : i32
      %dma_start3A_27 = tpu.memref_slice %arg7[%add3A_16, %dma_start3A_26] : memref<10240x16xf32, #tpu.memory_space<vmem_shared>> -> memref<128x16xf32, #tpu.memory_space<vmem_shared>>
      tpu.enqueue_dma source(%arg6 : memref<128x16xf32, #tpu.memory_space<vmem>>) target(%dma_start3A_27 : memref<128x16xf32, #tpu.memory_space<vmem_shared>>) target_semaphore(%run_scoped3A : memref<!tpu.dma_semaphore, #tpu.memory_space<semaphore_mem>>)
      %dma_wait3A = arith.constant 0 : i32
      %dma_wait3A_28 = tpu.memref_slice %arg7[%add3A_16, %dma_wait3A] : memref<10240x16xf32, #tpu.memory_space<vmem_shared>> -> memref<128x16xf32, #tpu.memory_space<vmem_shared>>
      %dma_wait3A_29 = arith.constant 0 : i32
      %dma_wait3A_30 = tpu.memref_slice %arg7[%add3A_16, %dma_wait3A_29] : memref<10240x16xf32, #tpu.memory_space<vmem_shared>> -> memref<128x16xf32, #tpu.memory_space<vmem_shared>>
      tpu.wait_dma2 semaphore(%run_scoped3A : memref<!tpu.dma_semaphore, #tpu.memory_space<semaphore_mem>>) src(%arg6 : memref<128x16xf32, #tpu.memory_space<vmem>>) dst(%dma_wait3A_30 : memref<128x16xf32, #tpu.memory_space<vmem_shared>>)
      tpu.yield
    }) : () -> ()
    %mul3A_17 = arith.constant 80 : i32
    %mul3A_18 = arith.muli %arg0, %mul3A_17 : i32
    "tpu.region"() ({
      %run_scoped3A = tpu.sem_alloc : memref<!tpu.dma_semaphore, #tpu.memory_space<semaphore_mem>>
      %dma_start3A = arith.constant 0 : i32
      %dma_start3A_25 = tpu.memref_slice %arg2[%arg1, %mul3A_18, %dma_start3A] : memref<16x160x128xi32, #tpu.memory_space<hbm>> -> memref<1x80x128xi32, #tpu.memory_space<hbm>>
      %dma_start3A_26 = tpu.memref_squeeze %dma_start3A_25 : memref<1x80x128xi32, #tpu.memory_space<hbm>> -> memref<80x128xi32, #tpu.memory_space<hbm>>
      %dma_start3A_27 = arith.constant 0 : i32
      %dma_start3A_28 = tpu.memref_slice %arg2[%arg1, %mul3A_18, %dma_start3A_27] : memref<16x160x128xi32, #tpu.memory_space<hbm>> -> memref<1x80x128xi32, #tpu.memory_space<hbm>>
      %dma_start3A_29 = tpu.memref_squeeze %dma_start3A_28 : memref<1x80x128xi32, #tpu.memory_space<hbm>> -> memref<80x128xi32, #tpu.memory_space<hbm>>
      tpu.enqueue_dma source(%dma_start3A_29 : memref<80x128xi32, #tpu.memory_space<hbm>>) target(%arg4 : memref<80x128xi32, #tpu.memory_space<vmem>>) target_semaphore(%run_scoped3A : memref<!tpu.dma_semaphore, #tpu.memory_space<semaphore_mem>>)
      %dma_wait3A = arith.constant 0 : i32
      %dma_wait3A_30 = tpu.memref_slice %arg2[%arg1, %mul3A_18, %dma_wait3A] : memref<16x160x128xi32, #tpu.memory_space<hbm>> -> memref<1x80x128xi32, #tpu.memory_space<hbm>>
      %dma_wait3A_31 = tpu.memref_squeeze %dma_wait3A_30 : memref<1x80x128xi32, #tpu.memory_space<hbm>> -> memref<80x128xi32, #tpu.memory_space<hbm>>
      %dma_wait3A_32 = arith.constant 0 : i32
      %dma_wait3A_33 = tpu.memref_slice %arg2[%arg1, %mul3A_18, %dma_wait3A_32] : memref<16x160x128xi32, #tpu.memory_space<hbm>> -> memref<1x80x128xi32, #tpu.memory_space<hbm>>
      %dma_wait3A_34 = tpu.memref_squeeze %dma_wait3A_33 : memref<1x80x128xi32, #tpu.memory_space<hbm>> -> memref<80x128xi32, #tpu.memory_space<hbm>>
      tpu.wait_dma2 semaphore(%run_scoped3A : memref<!tpu.dma_semaphore, #tpu.memory_space<semaphore_mem>>) src(%dma_wait3A_34 : memref<80x128xi32, #tpu.memory_space<hbm>>) dst(%arg4 : memref<80x128xi32, #tpu.memory_space<vmem>>)
      tpu.yield
    }) : () -> ()
    %barrier3A = arith.constant 0 : index
    tpu.barrier barrier_id(%barrier3A)
    %scan3A_19 = arith.constant 0 : i32
    %scan3A_20 = arith.constant 80 : i32
    %scan3A_21 = arith.addi %scan3A_19, %scan3A_20 : i32
    %scan3A_22 = arith.constant 1 : i32
    scf.for %scan3A_25 = %scan3A_19 to %scan3A_21 step %scan3A_22  : i32 {
      "tpu.region"() ({
        %run_scoped3A = tpu.sem_alloc : memref<!tpu.dma_semaphore, #tpu.memory_space<semaphore_mem>>
        %dma_start3A = arith.constant 0 : i32
        %dma_start3A_26 = tpu.memref_slice %arg4[%scan3A_25, %dma_start3A] : memref<80x128xi32, #tpu.memory_space<vmem>> -> memref<1x128xi32, #tpu.memory_space<vmem>>
        %dma_start3A_27 = tpu.memref_squeeze %dma_start3A_26 : memref<1x128xi32, #tpu.memory_space<vmem>> -> memref<128xi32, #tpu.memory_space<vmem>>
        %dma_start3A_28 = arith.constant 0 : i32
        %dma_start3A_29 = arith.constant 0 : i32
        %dma_start3A_30 = tpu.memref_slice %arg7[%dma_start3A_28, %dma_start3A_29] : memref<10240x16xf32, #tpu.memory_space<vmem_shared>> -> memref<10240x16xf32, #tpu.memory_space<vmem_shared>>
        tpu.enqueue_indirect_dma source(%arg5 : memref<128x16xf32, #tpu.memory_space<vmem>>) target(%dma_start3A_30 : memref<10240x16xf32, #tpu.memory_space<vmem_shared>>) offsets(%dma_start3A_27 : memref<128xi32, #tpu.memory_space<vmem>>) semaphore(%run_scoped3A : memref<!tpu.dma_semaphore, #tpu.memory_space<semaphore_mem>>) {add = true}
        %dma_wait3A = arith.constant 0 : i32
        %dma_wait3A_31 = tpu.memref_slice %arg4[%scan3A_25, %dma_wait3A] : memref<80x128xi32, #tpu.memory_space<vmem>> -> memref<1x128xi32, #tpu.memory_space<vmem>>
        %dma_wait3A_32 = tpu.memref_squeeze %dma_wait3A_31 : memref<1x128xi32, #tpu.memory_space<vmem>> -> memref<128xi32, #tpu.memory_space<vmem>>
        %dma_wait3A_33 = arith.constant 0 : i32
        %dma_wait3A_34 = arith.constant 0 : i32
        %dma_wait3A_35 = tpu.memref_slice %arg7[%dma_wait3A_33, %dma_wait3A_34] : memref<10240x16xf32, #tpu.memory_space<vmem_shared>> -> memref<10240x16xf32, #tpu.memory_space<vmem_shared>>
        tpu.wait_indirect_dma semaphore(%run_scoped3A : memref<!tpu.dma_semaphore, #tpu.memory_space<semaphore_mem>>) src(%arg5 : memref<128x16xf32, #tpu.memory_space<vmem>>) dst(%dma_wait3A_35 : memref<10240x16xf32, #tpu.memory_space<vmem_shared>>)
        tpu.yield
      }) : () -> ()
    }
    %scan3A_23 = arith.constant 80 : i32
    %barrier3A_24 = arith.constant 0 : index
    tpu.barrier barrier_id(%barrier3A_24)
    "tpu.region"() ({
      %run_scoped3A = tpu.sem_alloc : memref<!tpu.dma_semaphore, #tpu.memory_space<semaphore_mem>>
      %dma_start3A = arith.constant 0 : i32
      %dma_start3A_25 = tpu.memref_slice %arg3[%arg0, %mul3A_0, %dma_start3A] : memref<2x10240x16xf32, #tpu.memory_space<hbm>> -> memref<1x640x16xf32, #tpu.memory_space<hbm>>
      %dma_start3A_26 = tpu.memref_squeeze %dma_start3A_25 : memref<1x640x16xf32, #tpu.memory_space<hbm>> -> memref<640x16xf32, #tpu.memory_space<hbm>>
      %dma_start3A_27 = arith.constant 0 : i32
      %dma_start3A_28 = tpu.memref_slice %arg7[%mul3A_0, %dma_start3A_27] : memref<10240x16xf32, #tpu.memory_space<vmem_shared>> -> memref<640x16xf32, #tpu.memory_space<vmem_shared>>
      tpu.enqueue_dma source(%dma_start3A_28 : memref<640x16xf32, #tpu.memory_space<vmem_shared>>) target(%dma_start3A_26 : memref<640x16xf32, #tpu.memory_space<hbm>>) target_semaphore(%run_scoped3A : memref<!tpu.dma_semaphore, #tpu.memory_space<semaphore_mem>>)
      %dma_wait3A = arith.constant 0 : i32
      %dma_wait3A_29 = tpu.memref_slice %arg3[%arg0, %mul3A_0, %dma_wait3A] : memref<2x10240x16xf32, #tpu.memory_space<hbm>> -> memref<1x640x16xf32, #tpu.memory_space<hbm>>
      %dma_wait3A_30 = tpu.memref_squeeze %dma_wait3A_29 : memref<1x640x16xf32, #tpu.memory_space<hbm>> -> memref<640x16xf32, #tpu.memory_space<hbm>>
      %dma_wait3A_31 = arith.constant 0 : i32
      %dma_wait3A_32 = tpu.memref_slice %arg7[%mul3A_0, %dma_wait3A_31] : memref<10240x16xf32, #tpu.memory_space<vmem_shared>> -> memref<640x16xf32, #tpu.memory_space<vmem_shared>>
      tpu.wait_dma2 semaphore(%run_scoped3A : memref<!tpu.dma_semaphore, #tpu.memory_space<semaphore_mem>>) src(%dma_wait3A_32 : memref<640x16xf32, #tpu.memory_space<vmem_shared>>) dst(%dma_wait3A_30 : memref<640x16xf32, #tpu.memory_space<hbm>>)
      tpu.yield
    }) : () -> ()
    return
  }
}

#map = affine_map<(d0, d1) -> (0, 0, 0)>
module attributes {stable_mosaic.version = 14 : i64} {
  func.func @_edge_body(%arg0: i32, %arg1: i32, %arg2: memref<2x10240x64xbf16, #tpu.memory_space<hbm>>, %arg3: memref<16x160x128xi32, #tpu.memory_space<hbm>>, %arg4: memref<16x160x128xi32, #tpu.memory_space<hbm>>, %arg5: memref<2x10240x64xbf16, #tpu.memory_space<hbm>>, %arg6: memref<4x128xi32, #tpu.memory_space<vmem>>, %arg7: memref<4x128xi32, #tpu.memory_space<vmem>>, %arg8: memref<4x128xi32, #tpu.memory_space<vmem>>, %arg9: memref<4x128xi32, #tpu.memory_space<vmem>>, %arg10: memref<128x64xbf16, #tpu.memory_space<vmem>>, %arg11: memref<128x64xbf16, #tpu.memory_space<vmem>>, %arg12: memref<128x64xbf16, #tpu.memory_space<vmem>>, %arg13: memref<128x64xbf16, #tpu.memory_space<vmem>>, %arg14: memref<!tpu.dma_semaphore, #tpu.memory_space<semaphore_mem>>, %arg15: memref<!tpu.dma_semaphore, #tpu.memory_space<semaphore_mem>>, %arg16: memref<!tpu.dma_semaphore, #tpu.memory_space<semaphore_mem>>, %arg17: memref<!tpu.dma_semaphore, #tpu.memory_space<semaphore_mem>>, %arg18: memref<!tpu.dma_semaphore, #tpu.memory_space<semaphore_mem>>, %arg19: memref<!tpu.dma_semaphore, #tpu.memory_space<semaphore_mem>>, %arg20: memref<!tpu.dma_semaphore, #tpu.memory_space<semaphore_mem>>, %arg21: memref<!tpu.dma_semaphore, #tpu.memory_space<semaphore_mem>>, %arg22: memref<!tpu.dma_semaphore, #tpu.memory_space<semaphore_mem>>, %arg23: memref<!tpu.dma_semaphore, #tpu.memory_space<semaphore_mem>>, %arg24: memref<10240x64xbf16, #tpu.memory_space<vmem_shared>>, %arg25: memref<10240x64xbf16, #tpu.memory_space<vmem_shared>>) attributes {dimension_semantics = [#tpu.dimension_semantics<core_parallel>, #tpu.dimension_semantics<subcore_parallel>], iteration_bounds = array<i64: 2, 16>, scalar_prefetch = 0 : i64, scratch_operands = 20 : i64, tpu.core_type = #tpu.core_type<sc_vector_subcore>, window_params = [{transform_indices = #map}, {transform_indices = #map}, {transform_indices = #map}, {transform_indices = #map}]} {
    %mul3A = arith.constant 640 : i32
    %mul3A_0 = arith.muli %arg1, %mul3A : i32
    %dma_start3A = arith.constant 0 : i32
    %dma_start3A_1 = arith.constant 0 : i32
    %dma_start3A_2 = tpu.memref_slice %arg3[%arg1, %dma_start3A, %dma_start3A_1] : memref<16x160x128xi32, #tpu.memory_space<hbm>> -> memref<1x4x128xi32, #tpu.memory_space<hbm>>
    %dma_start3A_3 = tpu.memref_squeeze %dma_start3A_2 : memref<1x4x128xi32, #tpu.memory_space<hbm>> -> memref<4x128xi32, #tpu.memory_space<hbm>>
    %dma_start3A_4 = arith.constant 0 : i32
    %dma_start3A_5 = arith.constant 0 : i32
    %dma_start3A_6 = tpu.memref_slice %arg3[%arg1, %dma_start3A_4, %dma_start3A_5] : memref<16x160x128xi32, #tpu.memory_space<hbm>> -> memref<1x4x128xi32, #tpu.memory_space<hbm>>
    %dma_start3A_7 = tpu.memref_squeeze %dma_start3A_6 : memref<1x4x128xi32, #tpu.memory_space<hbm>> -> memref<4x128xi32, #tpu.memory_space<hbm>>
    tpu.enqueue_dma source(%dma_start3A_7 : memref<4x128xi32, #tpu.memory_space<hbm>>) target(%arg6 : memref<4x128xi32, #tpu.memory_space<vmem>>) target_semaphore(%arg22 : memref<!tpu.dma_semaphore, #tpu.memory_space<semaphore_mem>>)
    %dma_start3A_8 = arith.constant 0 : i32
    %dma_start3A_9 = arith.constant 0 : i32
    %dma_start3A_10 = tpu.memref_slice %arg4[%arg1, %dma_start3A_8, %dma_start3A_9] : memref<16x160x128xi32, #tpu.memory_space<hbm>> -> memref<1x4x128xi32, #tpu.memory_space<hbm>>
    %dma_start3A_11 = tpu.memref_squeeze %dma_start3A_10 : memref<1x4x128xi32, #tpu.memory_space<hbm>> -> memref<4x128xi32, #tpu.memory_space<hbm>>
    %dma_start3A_12 = arith.constant 0 : i32
    %dma_start3A_13 = arith.constant 0 : i32
    %dma_start3A_14 = tpu.memref_slice %arg4[%arg1, %dma_start3A_12, %dma_start3A_13] : memref<16x160x128xi32, #tpu.memory_space<hbm>> -> memref<1x4x128xi32, #tpu.memory_space<hbm>>
    %dma_start3A_15 = tpu.memref_squeeze %dma_start3A_14 : memref<1x4x128xi32, #tpu.memory_space<hbm>> -> memref<4x128xi32, #tpu.memory_space<hbm>>
    tpu.enqueue_dma source(%dma_start3A_15 : memref<4x128xi32, #tpu.memory_space<hbm>>) target(%arg8 : memref<4x128xi32, #tpu.memory_space<vmem>>) target_semaphore(%arg22 : memref<!tpu.dma_semaphore, #tpu.memory_space<semaphore_mem>>)
    %dma_start3A_16 = arith.constant 4 : i32
    %dma_start3A_17 = arith.constant 0 : i32
    %dma_start3A_18 = tpu.memref_slice %arg3[%arg1, %dma_start3A_16, %dma_start3A_17] : memref<16x160x128xi32, #tpu.memory_space<hbm>> -> memref<1x4x128xi32, #tpu.memory_space<hbm>>
    %dma_start3A_19 = tpu.memref_squeeze %dma_start3A_18 : memref<1x4x128xi32, #tpu.memory_space<hbm>> -> memref<4x128xi32, #tpu.memory_space<hbm>>
    %dma_start3A_20 = arith.constant 4 : i32
    %dma_start3A_21 = arith.constant 0 : i32
    %dma_start3A_22 = tpu.memref_slice %arg3[%arg1, %dma_start3A_20, %dma_start3A_21] : memref<16x160x128xi32, #tpu.memory_space<hbm>> -> memref<1x4x128xi32, #tpu.memory_space<hbm>>
    %dma_start3A_23 = tpu.memref_squeeze %dma_start3A_22 : memref<1x4x128xi32, #tpu.memory_space<hbm>> -> memref<4x128xi32, #tpu.memory_space<hbm>>
    tpu.enqueue_dma source(%dma_start3A_23 : memref<4x128xi32, #tpu.memory_space<hbm>>) target(%arg7 : memref<4x128xi32, #tpu.memory_space<vmem>>) target_semaphore(%arg23 : memref<!tpu.dma_semaphore, #tpu.memory_space<semaphore_mem>>)
    %dma_start3A_24 = arith.constant 4 : i32
    %dma_start3A_25 = arith.constant 0 : i32
    %dma_start3A_26 = tpu.memref_slice %arg4[%arg1, %dma_start3A_24, %dma_start3A_25] : memref<16x160x128xi32, #tpu.memory_space<hbm>> -> memref<1x4x128xi32, #tpu.memory_space<hbm>>
    %dma_start3A_27 = tpu.memref_squeeze %dma_start3A_26 : memref<1x4x128xi32, #tpu.memory_space<hbm>> -> memref<4x128xi32, #tpu.memory_space<hbm>>
    %dma_start3A_28 = arith.constant 4 : i32
    %dma_start3A_29 = arith.constant 0 : i32
    %dma_start3A_30 = tpu.memref_slice %arg4[%arg1, %dma_start3A_28, %dma_start3A_29] : memref<16x160x128xi32, #tpu.memory_space<hbm>> -> memref<1x4x128xi32, #tpu.memory_space<hbm>>
    %dma_start3A_31 = tpu.memref_squeeze %dma_start3A_30 : memref<1x4x128xi32, #tpu.memory_space<hbm>> -> memref<4x128xi32, #tpu.memory_space<hbm>>
    tpu.enqueue_dma source(%dma_start3A_31 : memref<4x128xi32, #tpu.memory_space<hbm>>) target(%arg9 : memref<4x128xi32, #tpu.memory_space<vmem>>) target_semaphore(%arg23 : memref<!tpu.dma_semaphore, #tpu.memory_space<semaphore_mem>>)
    "tpu.region"() ({
      %run_scoped3A = tpu.sem_alloc : memref<!tpu.dma_semaphore, #tpu.memory_space<semaphore_mem>>
      %dma_start3A_115 = arith.constant 0 : i32
      %dma_start3A_116 = tpu.memref_slice %arg24[%mul3A_0, %dma_start3A_115] : memref<10240x64xbf16, #tpu.memory_space<vmem_shared>> -> memref<640x64xbf16, #tpu.memory_space<vmem_shared>>
      %dma_start3A_117 = arith.constant 0 : i32
      %dma_start3A_118 = tpu.memref_slice %arg2[%arg0, %mul3A_0, %dma_start3A_117] : memref<2x10240x64xbf16, #tpu.memory_space<hbm>> -> memref<1x640x64xbf16, #tpu.memory_space<hbm>>
      %dma_start3A_119 = tpu.memref_squeeze %dma_start3A_118 : memref<1x640x64xbf16, #tpu.memory_space<hbm>> -> memref<640x64xbf16, #tpu.memory_space<hbm>>
      tpu.enqueue_dma source(%dma_start3A_119 : memref<640x64xbf16, #tpu.memory_space<hbm>>) target(%dma_start3A_116 : memref<640x64xbf16, #tpu.memory_space<vmem_shared>>) target_semaphore(%run_scoped3A : memref<!tpu.dma_semaphore, #tpu.memory_space<semaphore_mem>>)
      %dma_wait3A_120 = arith.constant 0 : i32
      %dma_wait3A_121 = tpu.memref_slice %arg24[%mul3A_0, %dma_wait3A_120] : memref<10240x64xbf16, #tpu.memory_space<vmem_shared>> -> memref<640x64xbf16, #tpu.memory_space<vmem_shared>>
      %dma_wait3A_122 = arith.constant 0 : i32
      %dma_wait3A_123 = tpu.memref_slice %arg2[%arg0, %mul3A_0, %dma_wait3A_122] : memref<2x10240x64xbf16, #tpu.memory_space<hbm>> -> memref<1x640x64xbf16, #tpu.memory_space<hbm>>
      %dma_wait3A_124 = tpu.memref_squeeze %dma_wait3A_123 : memref<1x640x64xbf16, #tpu.memory_space<hbm>> -> memref<640x64xbf16, #tpu.memory_space<hbm>>
      tpu.wait_dma2 semaphore(%run_scoped3A : memref<!tpu.dma_semaphore, #tpu.memory_space<semaphore_mem>>) src(%dma_wait3A_124 : memref<640x64xbf16, #tpu.memory_space<hbm>>) dst(%dma_wait3A_121 : memref<640x64xbf16, #tpu.memory_space<vmem_shared>>)
      tpu.yield
    }) : () -> ()
    %broadcast_in_dim3A = arith.constant 0.000000e+00 : bf16
    %broadcast_in_dim3A_32 = vector.broadcast %broadcast_in_dim3A : bf16 to vector<32xbf16>
    %scan3A = arith.constant 0 : i32
    %scan3A_33 = arith.constant 128 : i32
    %scan3A_34 = arith.addi %scan3A, %scan3A_33 : i32
    %scan3A_35 = arith.constant 1 : i32
    scf.for %scan3A_115 = %scan3A to %scan3A_34 step %scan3A_35  : i32 {
      %swap3A = arith.index_cast %scan3A_115 : i32 to index
      %swap3A_116 = arith.constant 0 : index
      %swap3A_117 = tpu.vector_load %arg10[%swap3A, %swap3A_116] {strides = array<i32>} : memref<128x64xbf16, #tpu.memory_space<vmem>>, vector<1x32xbf16>,
      %swap3A_118 = vector.shape_cast %swap3A_117 : vector<1x32xbf16> to vector<32xbf16>
      %swap3A_119 = vector.shape_cast %broadcast_in_dim3A_32 : vector<32xbf16> to vector<1x32xbf16>
      tpu.vector_store %arg10[%swap3A, %swap3A_116], %swap3A_119 {strides = array<i32>} : memref<128x64xbf16, #tpu.memory_space<vmem>>, vector<1x32xbf16>,
      %swap3A_120 = arith.index_cast %scan3A_115 : i32 to index
      %swap3A_121 = arith.constant 32 : index
      %swap3A_122 = tpu.vector_load %arg10[%swap3A_120, %swap3A_121] {strides = array<i32>} : memref<128x64xbf16, #tpu.memory_space<vmem>>, vector<1x32xbf16>,
      %swap3A_123 = vector.shape_cast %swap3A_122 : vector<1x32xbf16> to vector<32xbf16>
      %swap3A_124 = vector.shape_cast %broadcast_in_dim3A_32 : vector<32xbf16> to vector<1x32xbf16>
      tpu.vector_store %arg10[%swap3A_120, %swap3A_121], %swap3A_124 {strides = array<i32>} : memref<128x64xbf16, #tpu.memory_space<vmem>>, vector<1x32xbf16>,
    }
    %scan3A_36 = arith.constant 128 : i32
    %add3A = arith.constant 0 : i32
    %add3A_37 = arith.addi %mul3A_0, %add3A : i32
    "tpu.region"() ({
      %run_scoped3A = tpu.sem_alloc : memref<!tpu.dma_semaphore, #tpu.memory_space<semaphore_mem>>
      %dma_start3A_115 = arith.constant 0 : i32
      %dma_start3A_116 = tpu.memref_slice %arg25[%add3A_37, %dma_start3A_115] : memref<10240x64xbf16, #tpu.memory_space<vmem_shared>> -> memref<128x64xbf16, #tpu.memory_space<vmem_shared>>
      %dma_start3A_117 = arith.constant 0 : i32
      %dma_start3A_118 = tpu.memref_slice %arg25[%add3A_37, %dma_start3A_117] : memref<10240x64xbf16, #tpu.memory_space<vmem_shared>> -> memref<128x64xbf16, #tpu.memory_space<vmem_shared>>
      tpu.enqueue_dma source(%arg10 : memref<128x64xbf16, #tpu.memory_space<vmem>>) target(%dma_start3A_118 : memref<128x64xbf16, #tpu.memory_space<vmem_shared>>) target_semaphore(%run_scoped3A : memref<!tpu.dma_semaphore, #tpu.memory_space<semaphore_mem>>)
      %dma_wait3A_119 = arith.constant 0 : i32
      %dma_wait3A_120 = tpu.memref_slice %arg25[%add3A_37, %dma_wait3A_119] : memref<10240x64xbf16, #tpu.memory_space<vmem_shared>> -> memref<128x64xbf16, #tpu.memory_space<vmem_shared>>
      %dma_wait3A_121 = arith.constant 0 : i32
      %dma_wait3A_122 = tpu.memref_slice %arg25[%add3A_37, %dma_wait3A_121] : memref<10240x64xbf16, #tpu.memory_space<vmem_shared>> -> memref<128x64xbf16, #tpu.memory_space<vmem_shared>>
      tpu.wait_dma2 semaphore(%run_scoped3A : memref<!tpu.dma_semaphore, #tpu.memory_space<semaphore_mem>>) src(%arg10 : memref<128x64xbf16, #tpu.memory_space<vmem>>) dst(%dma_wait3A_122 : memref<128x64xbf16, #tpu.memory_space<vmem_shared>>)
      tpu.yield
    }) : () -> ()
    %add3A_38 = arith.constant 128 : i32
    %add3A_39 = arith.addi %mul3A_0, %add3A_38 : i32
    "tpu.region"() ({
      %run_scoped3A = tpu.sem_alloc : memref<!tpu.dma_semaphore, #tpu.memory_space<semaphore_mem>>
      %dma_start3A_115 = arith.constant 0 : i32
      %dma_start3A_116 = tpu.memref_slice %arg25[%add3A_39, %dma_start3A_115] : memref<10240x64xbf16, #tpu.memory_space<vmem_shared>> -> memref<128x64xbf16, #tpu.memory_space<vmem_shared>>
      %dma_start3A_117 = arith.constant 0 : i32
      %dma_start3A_118 = tpu.memref_slice %arg25[%add3A_39, %dma_start3A_117] : memref<10240x64xbf16, #tpu.memory_space<vmem_shared>> -> memref<128x64xbf16, #tpu.memory_space<vmem_shared>>
      tpu.enqueue_dma source(%arg10 : memref<128x64xbf16, #tpu.memory_space<vmem>>) target(%dma_start3A_118 : memref<128x64xbf16, #tpu.memory_space<vmem_shared>>) target_semaphore(%run_scoped3A : memref<!tpu.dma_semaphore, #tpu.memory_space<semaphore_mem>>)
      %dma_wait3A_119 = arith.constant 0 : i32
      %dma_wait3A_120 = tpu.memref_slice %arg25[%add3A_39, %dma_wait3A_119] : memref<10240x64xbf16, #tpu.memory_space<vmem_shared>> -> memref<128x64xbf16, #tpu.memory_space<vmem_shared>>
      %dma_wait3A_121 = arith.constant 0 : i32
      %dma_wait3A_122 = tpu.memref_slice %arg25[%add3A_39, %dma_wait3A_121] : memref<10240x64xbf16, #tpu.memory_space<vmem_shared>> -> memref<128x64xbf16, #tpu.memory_space<vmem_shared>>
      tpu.wait_dma2 semaphore(%run_scoped3A : memref<!tpu.dma_semaphore, #tpu.memory_space<semaphore_mem>>) src(%arg10 : memref<128x64xbf16, #tpu.memory_space<vmem>>) dst(%dma_wait3A_122 : memref<128x64xbf16, #tpu.memory_space<vmem_shared>>)
      tpu.yield
    }) : () -> ()
    %add3A_40 = arith.constant 256 : i32
    %add3A_41 = arith.addi %mul3A_0, %add3A_40 : i32
    "tpu.region"() ({
      %run_scoped3A = tpu.sem_alloc : memref<!tpu.dma_semaphore, #tpu.memory_space<semaphore_mem>>
      %dma_start3A_115 = arith.constant 0 : i32
      %dma_start3A_116 = tpu.memref_slice %arg25[%add3A_41, %dma_start3A_115] : memref<10240x64xbf16, #tpu.memory_space<vmem_shared>> -> memref<128x64xbf16, #tpu.memory_space<vmem_shared>>
      %dma_start3A_117 = arith.constant 0 : i32
      %dma_start3A_118 = tpu.memref_slice %arg25[%add3A_41, %dma_start3A_117] : memref<10240x64xbf16, #tpu.memory_space<vmem_shared>> -> memref<128x64xbf16, #tpu.memory_space<vmem_shared>>
      tpu.enqueue_dma source(%arg10 : memref<128x64xbf16, #tpu.memory_space<vmem>>) target(%dma_start3A_118 : memref<128x64xbf16, #tpu.memory_space<vmem_shared>>) target_semaphore(%run_scoped3A : memref<!tpu.dma_semaphore, #tpu.memory_space<semaphore_mem>>)
      %dma_wait3A_119 = arith.constant 0 : i32
      %dma_wait3A_120 = tpu.memref_slice %arg25[%add3A_41, %dma_wait3A_119] : memref<10240x64xbf16, #tpu.memory_space<vmem_shared>> -> memref<128x64xbf16, #tpu.memory_space<vmem_shared>>
      %dma_wait3A_121 = arith.constant 0 : i32
      %dma_wait3A_122 = tpu.memref_slice %arg25[%add3A_41, %dma_wait3A_121] : memref<10240x64xbf16, #tpu.memory_space<vmem_shared>> -> memref<128x64xbf16, #tpu.memory_space<vmem_shared>>
      tpu.wait_dma2 semaphore(%run_scoped3A : memref<!tpu.dma_semaphore, #tpu.memory_space<semaphore_mem>>) src(%arg10 : memref<128x64xbf16, #tpu.memory_space<vmem>>) dst(%dma_wait3A_122 : memref<128x64xbf16, #tpu.memory_space<vmem_shared>>)
      tpu.yield
    }) : () -> ()
    %add3A_42 = arith.constant 384 : i32
    %add3A_43 = arith.addi %mul3A_0, %add3A_42 : i32
    "tpu.region"() ({
      %run_scoped3A = tpu.sem_alloc : memref<!tpu.dma_semaphore, #tpu.memory_space<semaphore_mem>>
      %dma_start3A_115 = arith.constant 0 : i32
      %dma_start3A_116 = tpu.memref_slice %arg25[%add3A_43, %dma_start3A_115] : memref<10240x64xbf16, #tpu.memory_space<vmem_shared>> -> memref<128x64xbf16, #tpu.memory_space<vmem_shared>>
      %dma_start3A_117 = arith.constant 0 : i32
      %dma_start3A_118 = tpu.memref_slice %arg25[%add3A_43, %dma_start3A_117] : memref<10240x64xbf16, #tpu.memory_space<vmem_shared>> -> memref<128x64xbf16, #tpu.memory_space<vmem_shared>>
      tpu.enqueue_dma source(%arg10 : memref<128x64xbf16, #tpu.memory_space<vmem>>) target(%dma_start3A_118 : memref<128x64xbf16, #tpu.memory_space<vmem_shared>>) target_semaphore(%run_scoped3A : memref<!tpu.dma_semaphore, #tpu.memory_space<semaphore_mem>>)
      %dma_wait3A_119 = arith.constant 0 : i32
      %dma_wait3A_120 = tpu.memref_slice %arg25[%add3A_43, %dma_wait3A_119] : memref<10240x64xbf16, #tpu.memory_space<vmem_shared>> -> memref<128x64xbf16, #tpu.memory_space<vmem_shared>>
      %dma_wait3A_121 = arith.constant 0 : i32
      %dma_wait3A_122 = tpu.memref_slice %arg25[%add3A_43, %dma_wait3A_121] : memref<10240x64xbf16, #tpu.memory_space<vmem_shared>> -> memref<128x64xbf16, #tpu.memory_space<vmem_shared>>
      tpu.wait_dma2 semaphore(%run_scoped3A : memref<!tpu.dma_semaphore, #tpu.memory_space<semaphore_mem>>) src(%arg10 : memref<128x64xbf16, #tpu.memory_space<vmem>>) dst(%dma_wait3A_122 : memref<128x64xbf16, #tpu.memory_space<vmem_shared>>)
      tpu.yield
    }) : () -> ()
    %add3A_44 = arith.constant 512 : i32
    %add3A_45 = arith.addi %mul3A_0, %add3A_44 : i32
    "tpu.region"() ({
      %run_scoped3A = tpu.sem_alloc : memref<!tpu.dma_semaphore, #tpu.memory_space<semaphore_mem>>
      %dma_start3A_115 = arith.constant 0 : i32
      %dma_start3A_116 = tpu.memref_slice %arg25[%add3A_45, %dma_start3A_115] : memref<10240x64xbf16, #tpu.memory_space<vmem_shared>> -> memref<128x64xbf16, #tpu.memory_space<vmem_shared>>
      %dma_start3A_117 = arith.constant 0 : i32
      %dma_start3A_118 = tpu.memref_slice %arg25[%add3A_45, %dma_start3A_117] : memref<10240x64xbf16, #tpu.memory_space<vmem_shared>> -> memref<128x64xbf16, #tpu.memory_space<vmem_shared>>
      tpu.enqueue_dma source(%arg10 : memref<128x64xbf16, #tpu.memory_space<vmem>>) target(%dma_start3A_118 : memref<128x64xbf16, #tpu.memory_space<vmem_shared>>) target_semaphore(%run_scoped3A : memref<!tpu.dma_semaphore, #tpu.memory_space<semaphore_mem>>)
      %dma_wait3A_119 = arith.constant 0 : i32
      %dma_wait3A_120 = tpu.memref_slice %arg25[%add3A_45, %dma_wait3A_119] : memref<10240x64xbf16, #tpu.memory_space<vmem_shared>> -> memref<128x64xbf16, #tpu.memory_space<vmem_shared>>
      %dma_wait3A_121 = arith.constant 0 : i32
      %dma_wait3A_122 = tpu.memref_slice %arg25[%add3A_45, %dma_wait3A_121] : memref<10240x64xbf16, #tpu.memory_space<vmem_shared>> -> memref<128x64xbf16, #tpu.memory_space<vmem_shared>>
      tpu.wait_dma2 semaphore(%run_scoped3A : memref<!tpu.dma_semaphore, #tpu.memory_space<semaphore_mem>>) src(%arg10 : memref<128x64xbf16, #tpu.memory_space<vmem>>) dst(%dma_wait3A_122 : memref<128x64xbf16, #tpu.memory_space<vmem_shared>>)
      tpu.yield
    }) : () -> ()
    %barrier3A = arith.constant 0 : index
    tpu.barrier barrier_id(%barrier3A)
    %dma_wait3A = arith.constant 0 : i32
    %dma_wait3A_46 = arith.constant 0 : i32
    %dma_wait3A_47 = tpu.memref_slice %arg3[%arg1, %dma_wait3A, %dma_wait3A_46] : memref<16x160x128xi32, #tpu.memory_space<hbm>> -> memref<1x4x128xi32, #tpu.memory_space<hbm>>
    %dma_wait3A_48 = tpu.memref_squeeze %dma_wait3A_47 : memref<1x4x128xi32, #tpu.memory_space<hbm>> -> memref<4x128xi32, #tpu.memory_space<hbm>>
    %dma_wait3A_49 = arith.constant 0 : i32
    %dma_wait3A_50 = arith.constant 0 : i32
    %dma_wait3A_51 = tpu.memref_slice %arg3[%arg1, %dma_wait3A_49, %dma_wait3A_50] : memref<16x160x128xi32, #tpu.memory_space<hbm>> -> memref<1x4x128xi32, #tpu.memory_space<hbm>>
    %dma_wait3A_52 = tpu.memref_squeeze %dma_wait3A_51 : memref<1x4x128xi32, #tpu.memory_space<hbm>> -> memref<4x128xi32, #tpu.memory_space<hbm>>
    tpu.wait_dma2 semaphore(%arg22 : memref<!tpu.dma_semaphore, #tpu.memory_space<semaphore_mem>>) src(%dma_wait3A_52 : memref<4x128xi32, #tpu.memory_space<hbm>>) dst(%arg6 : memref<4x128xi32, #tpu.memory_space<vmem>>)
    %dma_wait3A_53 = arith.constant 0 : i32
    %dma_wait3A_54 = arith.constant 0 : i32
    %dma_wait3A_55 = tpu.memref_slice %arg4[%arg1, %dma_wait3A_53, %dma_wait3A_54] : memref<16x160x128xi32, #tpu.memory_space<hbm>> -> memref<1x4x128xi32, #tpu.memory_space<hbm>>
    %dma_wait3A_56 = tpu.memref_squeeze %dma_wait3A_55 : memref<1x4x128xi32, #tpu.memory_space<hbm>> -> memref<4x128xi32, #tpu.memory_space<hbm>>
    %dma_wait3A_57 = arith.constant 0 : i32
    %dma_wait3A_58 = arith.constant 0 : i32
    %dma_wait3A_59 = tpu.memref_slice %arg4[%arg1, %dma_wait3A_57, %dma_wait3A_58] : memref<16x160x128xi32, #tpu.memory_space<hbm>> -> memref<1x4x128xi32, #tpu.memory_space<hbm>>
    %dma_wait3A_60 = tpu.memref_squeeze %dma_wait3A_59 : memref<1x4x128xi32, #tpu.memory_space<hbm>> -> memref<4x128xi32, #tpu.memory_space<hbm>>
    tpu.wait_dma2 semaphore(%arg22 : memref<!tpu.dma_semaphore, #tpu.memory_space<semaphore_mem>>) src(%dma_wait3A_60 : memref<4x128xi32, #tpu.memory_space<hbm>>) dst(%arg8 : memref<4x128xi32, #tpu.memory_space<vmem>>)
    %dma_start3A_61 = arith.constant 0 : i32
    %dma_start3A_62 = arith.constant 0 : i32
    %dma_start3A_63 = tpu.memref_slice %arg6[%dma_start3A_61, %dma_start3A_62] : memref<4x128xi32, #tpu.memory_space<vmem>> -> memref<1x128xi32, #tpu.memory_space<vmem>>
    %dma_start3A_64 = tpu.memref_squeeze %dma_start3A_63 : memref<1x128xi32, #tpu.memory_space<vmem>> -> memref<128xi32, #tpu.memory_space<vmem>>
    %dma_start3A_65 = arith.constant 0 : i32
    %dma_start3A_66 = arith.constant 0 : i32
    %dma_start3A_67 = tpu.memref_slice %arg24[%dma_start3A_65, %dma_start3A_66] : memref<10240x64xbf16, #tpu.memory_space<vmem_shared>> -> memref<10240x64xbf16, #tpu.memory_space<vmem_shared>>
    tpu.enqueue_indirect_dma source(%dma_start3A_67 : memref<10240x64xbf16, #tpu.memory_space<vmem_shared>>) target(%arg10 : memref<128x64xbf16, #tpu.memory_space<vmem>>) offsets(%dma_start3A_64 : memref<128xi32, #tpu.memory_space<vmem>>) semaphore(%arg14 : memref<!tpu.dma_semaphore, #tpu.memory_space<semaphore_mem>>)
    %dma_start3A_68 = arith.constant 1 : i32
    %dma_start3A_69 = arith.constant 0 : i32
    %dma_start3A_70 = tpu.memref_slice %arg6[%dma_start3A_68, %dma_start3A_69] : memref<4x128xi32, #tpu.memory_space<vmem>> -> memref<1x128xi32, #tpu.memory_space<vmem>>
    %dma_start3A_71 = tpu.memref_squeeze %dma_start3A_70 : memref<1x128xi32, #tpu.memory_space<vmem>> -> memref<128xi32, #tpu.memory_space<vmem>>
    %dma_start3A_72 = arith.constant 0 : i32
    %dma_start3A_73 = arith.constant 0 : i32
    %dma_start3A_74 = tpu.memref_slice %arg24[%dma_start3A_72, %dma_start3A_73] : memref<10240x64xbf16, #tpu.memory_space<vmem_shared>> -> memref<10240x64xbf16, #tpu.memory_space<vmem_shared>>
    tpu.enqueue_indirect_dma source(%dma_start3A_74 : memref<10240x64xbf16, #tpu.memory_space<vmem_shared>>) target(%arg11 : memref<128x64xbf16, #tpu.memory_space<vmem>>) offsets(%dma_start3A_71 : memref<128xi32, #tpu.memory_space<vmem>>) semaphore(%arg15 : memref<!tpu.dma_semaphore, #tpu.memory_space<semaphore_mem>>)
    %dma_start3A_75 = arith.constant 2 : i32
    %dma_start3A_76 = arith.constant 0 : i32
    %dma_start3A_77 = tpu.memref_slice %arg6[%dma_start3A_75, %dma_start3A_76] : memref<4x128xi32, #tpu.memory_space<vmem>> -> memref<1x128xi32, #tpu.memory_space<vmem>>
    %dma_start3A_78 = tpu.memref_squeeze %dma_start3A_77 : memref<1x128xi32, #tpu.memory_space<vmem>> -> memref<128xi32, #tpu.memory_space<vmem>>
    %dma_start3A_79 = arith.constant 0 : i32
    %dma_start3A_80 = arith.constant 0 : i32
    %dma_start3A_81 = tpu.memref_slice %arg24[%dma_start3A_79, %dma_start3A_80] : memref<10240x64xbf16, #tpu.memory_space<vmem_shared>> -> memref<10240x64xbf16, #tpu.memory_space<vmem_shared>>
    tpu.enqueue_indirect_dma source(%dma_start3A_81 : memref<10240x64xbf16, #tpu.memory_space<vmem_shared>>) target(%arg12 : memref<128x64xbf16, #tpu.memory_space<vmem>>) offsets(%dma_start3A_78 : memref<128xi32, #tpu.memory_space<vmem>>) semaphore(%arg16 : memref<!tpu.dma_semaphore, #tpu.memory_space<semaphore_mem>>)
    %dma_start3A_82 = arith.constant 3 : i32
    %dma_start3A_83 = arith.constant 0 : i32
    %dma_start3A_84 = tpu.memref_slice %arg6[%dma_start3A_82, %dma_start3A_83] : memref<4x128xi32, #tpu.memory_space<vmem>> -> memref<1x128xi32, #tpu.memory_space<vmem>>
    %dma_start3A_85 = tpu.memref_squeeze %dma_start3A_84 : memref<1x128xi32, #tpu.memory_space<vmem>> -> memref<128xi32, #tpu.memory_space<vmem>>
    %dma_start3A_86 = arith.constant 0 : i32
    %dma_start3A_87 = arith.constant 0 : i32
    %dma_start3A_88 = tpu.memref_slice %arg24[%dma_start3A_86, %dma_start3A_87] : memref<10240x64xbf16, #tpu.memory_space<vmem_shared>> -> memref<10240x64xbf16, #tpu.memory_space<vmem_shared>>
    tpu.enqueue_indirect_dma source(%dma_start3A_88 : memref<10240x64xbf16, #tpu.memory_space<vmem_shared>>) target(%arg13 : memref<128x64xbf16, #tpu.memory_space<vmem>>) offsets(%dma_start3A_85 : memref<128xi32, #tpu.memory_space<vmem>>) semaphore(%arg17 : memref<!tpu.dma_semaphore, #tpu.memory_space<semaphore_mem>>)
    %scan3A_89 = arith.constant 0 : i32
    %scan3A_90 = arith.constant 20 : i32
    %scan3A_91 = arith.addi %scan3A_89, %scan3A_90 : i32
    %scan3A_92 = arith.constant 1 : i32
    scf.for %scan3A_115 = %scan3A_89 to %scan3A_91 step %scan3A_92  : i32 {
      %mul3A_116 = arith.constant 2 : i32
      %mul3A_117 = arith.muli %scan3A_115, %mul3A_116 : i32
      %add3A_118 = arith.constant 0 : i32
      %add3A_119 = arith.addi %mul3A_117, %add3A_118 : i32
      %add3A_120 = arith.constant 1 : i32
      %add3A_121 = arith.addi %add3A_119, %add3A_120 : i32
      %dma_wait3A_122 = arith.constant 0 : i32
      %dma_wait3A_123 = arith.constant 0 : i32
      %dma_wait3A_124 = tpu.memref_slice %arg6[%dma_wait3A_122, %dma_wait3A_123] : memref<4x128xi32, #tpu.memory_space<vmem>> -> memref<1x128xi32, #tpu.memory_space<vmem>>
      %dma_wait3A_125 = tpu.memref_squeeze %dma_wait3A_124 : memref<1x128xi32, #tpu.memory_space<vmem>> -> memref<128xi32, #tpu.memory_space<vmem>>
      %dma_wait3A_126 = arith.constant 0 : i32
      %dma_wait3A_127 = arith.constant 0 : i32
      %dma_wait3A_128 = tpu.memref_slice %arg24[%dma_wait3A_126, %dma_wait3A_127] : memref<10240x64xbf16, #tpu.memory_space<vmem_shared>> -> memref<10240x64xbf16, #tpu.memory_space<vmem_shared>>
      tpu.wait_indirect_dma semaphore(%arg14 : memref<!tpu.dma_semaphore, #tpu.memory_space<semaphore_mem>>) src(%dma_wait3A_128 : memref<10240x64xbf16, #tpu.memory_space<vmem_shared>>) dst(%arg10 : memref<128x64xbf16, #tpu.memory_space<vmem>>)
      %dma_start3A_129 = arith.constant 0 : i32
      %dma_start3A_130 = arith.constant 0 : i32
      %dma_start3A_131 = tpu.memref_slice %arg8[%dma_start3A_129, %dma_start3A_130] : memref<4x128xi32, #tpu.memory_space<vmem>> -> memref<1x128xi32, #tpu.memory_space<vmem>>
      %dma_start3A_132 = tpu.memref_squeeze %dma_start3A_131 : memref<1x128xi32, #tpu.memory_space<vmem>> -> memref<128xi32, #tpu.memory_space<vmem>>
      %dma_start3A_133 = arith.constant 0 : i32
      %dma_start3A_134 = arith.constant 0 : i32
      %dma_start3A_135 = tpu.memref_slice %arg25[%dma_start3A_133, %dma_start3A_134] : memref<10240x64xbf16, #tpu.memory_space<vmem_shared>> -> memref<10240x64xbf16, #tpu.memory_space<vmem_shared>>
      tpu.enqueue_indirect_dma source(%arg10 : memref<128x64xbf16, #tpu.memory_space<vmem>>) target(%dma_start3A_135 : memref<10240x64xbf16, #tpu.memory_space<vmem_shared>>) offsets(%dma_start3A_132 : memref<128xi32, #tpu.memory_space<vmem>>) semaphore(%arg18 : memref<!tpu.dma_semaphore, #tpu.memory_space<semaphore_mem>>) {add = true}
      %dma_wait3A_136 = arith.constant 1 : i32
      %dma_wait3A_137 = arith.constant 0 : i32
      %dma_wait3A_138 = tpu.memref_slice %arg6[%dma_wait3A_136, %dma_wait3A_137] : memref<4x128xi32, #tpu.memory_space<vmem>> -> memref<1x128xi32, #tpu.memory_space<vmem>>
      %dma_wait3A_139 = tpu.memref_squeeze %dma_wait3A_138 : memref<1x128xi32, #tpu.memory_space<vmem>> -> memref<128xi32, #tpu.memory_space<vmem>>
      %dma_wait3A_140 = arith.constant 0 : i32
      %dma_wait3A_141 = arith.constant 0 : i32
      %dma_wait3A_142 = tpu.memref_slice %arg24[%dma_wait3A_140, %dma_wait3A_141] : memref<10240x64xbf16, #tpu.memory_space<vmem_shared>> -> memref<10240x64xbf16, #tpu.memory_space<vmem_shared>>
      tpu.wait_indirect_dma semaphore(%arg15 : memref<!tpu.dma_semaphore, #tpu.memory_space<semaphore_mem>>) src(%dma_wait3A_142 : memref<10240x64xbf16, #tpu.memory_space<vmem_shared>>) dst(%arg11 : memref<128x64xbf16, #tpu.memory_space<vmem>>)
      %dma_start3A_143 = arith.constant 1 : i32
      %dma_start3A_144 = arith.constant 0 : i32
      %dma_start3A_145 = tpu.memref_slice %arg8[%dma_start3A_143, %dma_start3A_144] : memref<4x128xi32, #tpu.memory_space<vmem>> -> memref<1x128xi32, #tpu.memory_space<vmem>>
      %dma_start3A_146 = tpu.memref_squeeze %dma_start3A_145 : memref<1x128xi32, #tpu.memory_space<vmem>> -> memref<128xi32, #tpu.memory_space<vmem>>
      %dma_start3A_147 = arith.constant 0 : i32
      %dma_start3A_148 = arith.constant 0 : i32
      %dma_start3A_149 = tpu.memref_slice %arg25[%dma_start3A_147, %dma_start3A_148] : memref<10240x64xbf16, #tpu.memory_space<vmem_shared>> -> memref<10240x64xbf16, #tpu.memory_space<vmem_shared>>
      tpu.enqueue_indirect_dma source(%arg11 : memref<128x64xbf16, #tpu.memory_space<vmem>>) target(%dma_start3A_149 : memref<10240x64xbf16, #tpu.memory_space<vmem_shared>>) offsets(%dma_start3A_146 : memref<128xi32, #tpu.memory_space<vmem>>) semaphore(%arg19 : memref<!tpu.dma_semaphore, #tpu.memory_space<semaphore_mem>>) {add = true}
      %dma_wait3A_150 = arith.constant 2 : i32
      %dma_wait3A_151 = arith.constant 0 : i32
      %dma_wait3A_152 = tpu.memref_slice %arg6[%dma_wait3A_150, %dma_wait3A_151] : memref<4x128xi32, #tpu.memory_space<vmem>> -> memref<1x128xi32, #tpu.memory_space<vmem>>
      %dma_wait3A_153 = tpu.memref_squeeze %dma_wait3A_152 : memref<1x128xi32, #tpu.memory_space<vmem>> -> memref<128xi32, #tpu.memory_space<vmem>>
      %dma_wait3A_154 = arith.constant 0 : i32
      %dma_wait3A_155 = arith.constant 0 : i32
      %dma_wait3A_156 = tpu.memref_slice %arg24[%dma_wait3A_154, %dma_wait3A_155] : memref<10240x64xbf16, #tpu.memory_space<vmem_shared>> -> memref<10240x64xbf16, #tpu.memory_space<vmem_shared>>
      tpu.wait_indirect_dma semaphore(%arg16 : memref<!tpu.dma_semaphore, #tpu.memory_space<semaphore_mem>>) src(%dma_wait3A_156 : memref<10240x64xbf16, #tpu.memory_space<vmem_shared>>) dst(%arg12 : memref<128x64xbf16, #tpu.memory_space<vmem>>)
      %dma_start3A_157 = arith.constant 2 : i32
      %dma_start3A_158 = arith.constant 0 : i32
      %dma_start3A_159 = tpu.memref_slice %arg8[%dma_start3A_157, %dma_start3A_158] : memref<4x128xi32, #tpu.memory_space<vmem>> -> memref<1x128xi32, #tpu.memory_space<vmem>>
      %dma_start3A_160 = tpu.memref_squeeze %dma_start3A_159 : memref<1x128xi32, #tpu.memory_space<vmem>> -> memref<128xi32, #tpu.memory_space<vmem>>
      %dma_start3A_161 = arith.constant 0 : i32
      %dma_start3A_162 = arith.constant 0 : i32
      %dma_start3A_163 = tpu.memref_slice %arg25[%dma_start3A_161, %dma_start3A_162] : memref<10240x64xbf16, #tpu.memory_space<vmem_shared>> -> memref<10240x64xbf16, #tpu.memory_space<vmem_shared>>
      tpu.enqueue_indirect_dma source(%arg12 : memref<128x64xbf16, #tpu.memory_space<vmem>>) target(%dma_start3A_163 : memref<10240x64xbf16, #tpu.memory_space<vmem_shared>>) offsets(%dma_start3A_160 : memref<128xi32, #tpu.memory_space<vmem>>) semaphore(%arg20 : memref<!tpu.dma_semaphore, #tpu.memory_space<semaphore_mem>>) {add = true}
      %dma_wait3A_164 = arith.constant 3 : i32
      %dma_wait3A_165 = arith.constant 0 : i32
      %dma_wait3A_166 = tpu.memref_slice %arg6[%dma_wait3A_164, %dma_wait3A_165] : memref<4x128xi32, #tpu.memory_space<vmem>> -> memref<1x128xi32, #tpu.memory_space<vmem>>
      %dma_wait3A_167 = tpu.memref_squeeze %dma_wait3A_166 : memref<1x128xi32, #tpu.memory_space<vmem>> -> memref<128xi32, #tpu.memory_space<vmem>>
      %dma_wait3A_168 = arith.constant 0 : i32
      %dma_wait3A_169 = arith.constant 0 : i32
      %dma_wait3A_170 = tpu.memref_slice %arg24[%dma_wait3A_168, %dma_wait3A_169] : memref<10240x64xbf16, #tpu.memory_space<vmem_shared>> -> memref<10240x64xbf16, #tpu.memory_space<vmem_shared>>
      tpu.wait_indirect_dma semaphore(%arg17 : memref<!tpu.dma_semaphore, #tpu.memory_space<semaphore_mem>>) src(%dma_wait3A_170 : memref<10240x64xbf16, #tpu.memory_space<vmem_shared>>) dst(%arg13 : memref<128x64xbf16, #tpu.memory_space<vmem>>)
      %dma_start3A_171 = arith.constant 3 : i32
      %dma_start3A_172 = arith.constant 0 : i32
      %dma_start3A_173 = tpu.memref_slice %arg8[%dma_start3A_171, %dma_start3A_172] : memref<4x128xi32, #tpu.memory_space<vmem>> -> memref<1x128xi32, #tpu.memory_space<vmem>>
      %dma_start3A_174 = tpu.memref_squeeze %dma_start3A_173 : memref<1x128xi32, #tpu.memory_space<vmem>> -> memref<128xi32, #tpu.memory_space<vmem>>
      %dma_start3A_175 = arith.constant 0 : i32
      %dma_start3A_176 = arith.constant 0 : i32
      %dma_start3A_177 = tpu.memref_slice %arg25[%dma_start3A_175, %dma_start3A_176] : memref<10240x64xbf16, #tpu.memory_space<vmem_shared>> -> memref<10240x64xbf16, #tpu.memory_space<vmem_shared>>
      tpu.enqueue_indirect_dma source(%arg13 : memref<128x64xbf16, #tpu.memory_space<vmem>>) target(%dma_start3A_177 : memref<10240x64xbf16, #tpu.memory_space<vmem_shared>>) offsets(%dma_start3A_174 : memref<128xi32, #tpu.memory_space<vmem>>) semaphore(%arg21 : memref<!tpu.dma_semaphore, #tpu.memory_space<semaphore_mem>>) {add = true}
      %lt3A = arith.constant 40 : i32
      %lt3A_178 = arith.cmpi slt, %add3A_121, %lt3A : i32
      %convert_element_type3A = arith.extui %lt3A_178 : i1 to i32
      %cond3A = arith.constant 0 : i32
      %cond3A_179 = arith.cmpi ne, %convert_element_type3A, %cond3A : i32
      scf.if %cond3A_179 {
        %dma_wait3A_357 = arith.constant 0 : i32
        %dma_wait3A_358 = arith.constant 0 : i32
        %dma_wait3A_359 = tpu.memref_slice %arg3[%arg1, %dma_wait3A_357, %dma_wait3A_358] : memref<16x160x128xi32, #tpu.memory_space<hbm>> -> memref<1x4x128xi32, #tpu.memory_space<hbm>>
        %dma_wait3A_360 = tpu.memref_squeeze %dma_wait3A_359 : memref<1x4x128xi32, #tpu.memory_space<hbm>> -> memref<4x128xi32, #tpu.memory_space<hbm>>
        %dma_wait3A_361 = arith.constant 0 : i32
        %dma_wait3A_362 = arith.constant 0 : i32
        %dma_wait3A_363 = tpu.memref_slice %arg3[%arg1, %dma_wait3A_361, %dma_wait3A_362] : memref<16x160x128xi32, #tpu.memory_space<hbm>> -> memref<1x4x128xi32, #tpu.memory_space<hbm>>
        %dma_wait3A_364 = tpu.memref_squeeze %dma_wait3A_363 : memref<1x4x128xi32, #tpu.memory_space<hbm>> -> memref<4x128xi32, #tpu.memory_space<hbm>>
        tpu.wait_dma2 semaphore(%arg23 : memref<!tpu.dma_semaphore, #tpu.memory_space<semaphore_mem>>) src(%dma_wait3A_364 : memref<4x128xi32, #tpu.memory_space<hbm>>) dst(%arg7 : memref<4x128xi32, #tpu.memory_space<vmem>>)
        %dma_wait3A_365 = arith.constant 0 : i32
        %dma_wait3A_366 = arith.constant 0 : i32
        %dma_wait3A_367 = tpu.memref_slice %arg4[%arg1, %dma_wait3A_365, %dma_wait3A_366] : memref<16x160x128xi32, #tpu.memory_space<hbm>> -> memref<1x4x128xi32, #tpu.memory_space<hbm>>
        %dma_wait3A_368 = tpu.memref_squeeze %dma_wait3A_367 : memref<1x4x128xi32, #tpu.memory_space<hbm>> -> memref<4x128xi32, #tpu.memory_space<hbm>>
        %dma_wait3A_369 = arith.constant 0 : i32
        %dma_wait3A_370 = arith.constant 0 : i32
        %dma_wait3A_371 = tpu.memref_slice %arg4[%arg1, %dma_wait3A_369, %dma_wait3A_370] : memref<16x160x128xi32, #tpu.memory_space<hbm>> -> memref<1x4x128xi32, #tpu.memory_space<hbm>>
        %dma_wait3A_372 = tpu.memref_squeeze %dma_wait3A_371 : memref<1x4x128xi32, #tpu.memory_space<hbm>> -> memref<4x128xi32, #tpu.memory_space<hbm>>
        tpu.wait_dma2 semaphore(%arg23 : memref<!tpu.dma_semaphore, #tpu.memory_space<semaphore_mem>>) src(%dma_wait3A_372 : memref<4x128xi32, #tpu.memory_space<hbm>>) dst(%arg9 : memref<4x128xi32, #tpu.memory_space<vmem>>)
      } else {
      }
      %dma_wait3A_180 = arith.constant 0 : i32
      %dma_wait3A_181 = arith.constant 0 : i32
      %dma_wait3A_182 = tpu.memref_slice %arg8[%dma_wait3A_180, %dma_wait3A_181] : memref<4x128xi32, #tpu.memory_space<vmem>> -> memref<1x128xi32, #tpu.memory_space<vmem>>
      %dma_wait3A_183 = tpu.memref_squeeze %dma_wait3A_182 : memref<1x128xi32, #tpu.memory_space<vmem>> -> memref<128xi32, #tpu.memory_space<vmem>>
      %dma_wait3A_184 = arith.constant 0 : i32
      %dma_wait3A_185 = arith.constant 0 : i32
      %dma_wait3A_186 = tpu.memref_slice %arg25[%dma_wait3A_184, %dma_wait3A_185] : memref<10240x64xbf16, #tpu.memory_space<vmem_shared>> -> memref<10240x64xbf16, #tpu.memory_space<vmem_shared>>
      tpu.wait_indirect_dma semaphore(%arg18 : memref<!tpu.dma_semaphore, #tpu.memory_space<semaphore_mem>>) src(%arg10 : memref<128x64xbf16, #tpu.memory_space<vmem>>) dst(%dma_wait3A_186 : memref<10240x64xbf16, #tpu.memory_space<vmem_shared>>)
      %lt3A_187 = arith.constant 40 : i32
      %lt3A_188 = arith.cmpi slt, %add3A_121, %lt3A_187 : i32
      %convert_element_type3A_189 = arith.extui %lt3A_188 : i1 to i32
      %cond3A_190 = arith.constant 0 : i32
      %cond3A_191 = arith.cmpi ne, %convert_element_type3A_189, %cond3A_190 : i32
      scf.if %cond3A_191 {
        %dma_start3A_357 = arith.constant 0 : i32
        %dma_start3A_358 = arith.constant 0 : i32
        %dma_start3A_359 = tpu.memref_slice %arg7[%dma_start3A_357, %dma_start3A_358] : memref<4x128xi32, #tpu.memory_space<vmem>> -> memref<1x128xi32, #tpu.memory_space<vmem>>
        %dma_start3A_360 = tpu.memref_squeeze %dma_start3A_359 : memref<1x128xi32, #tpu.memory_space<vmem>> -> memref<128xi32, #tpu.memory_space<vmem>>
        %dma_start3A_361 = arith.constant 0 : i32
        %dma_start3A_362 = arith.constant 0 : i32
        %dma_start3A_363 = tpu.memref_slice %arg24[%dma_start3A_361, %dma_start3A_362] : memref<10240x64xbf16, #tpu.memory_space<vmem_shared>> -> memref<10240x64xbf16, #tpu.memory_space<vmem_shared>>
        tpu.enqueue_indirect_dma source(%dma_start3A_363 : memref<10240x64xbf16, #tpu.memory_space<vmem_shared>>) target(%arg10 : memref<128x64xbf16, #tpu.memory_space<vmem>>) offsets(%dma_start3A_360 : memref<128xi32, #tpu.memory_space<vmem>>) semaphore(%arg14 : memref<!tpu.dma_semaphore, #tpu.memory_space<semaphore_mem>>)
      } else {
      }
      %dma_wait3A_192 = arith.constant 0 : i32
      %dma_wait3A_193 = arith.constant 0 : i32
      %dma_wait3A_194 = tpu.memref_slice %arg8[%dma_wait3A_192, %dma_wait3A_193] : memref<4x128xi32, #tpu.memory_space<vmem>> -> memref<1x128xi32, #tpu.memory_space<vmem>>
      %dma_wait3A_195 = tpu.memref_squeeze %dma_wait3A_194 : memref<1x128xi32, #tpu.memory_space<vmem>> -> memref<128xi32, #tpu.memory_space<vmem>>
      %dma_wait3A_196 = arith.constant 0 : i32
      %dma_wait3A_197 = arith.constant 0 : i32
      %dma_wait3A_198 = tpu.memref_slice %arg25[%dma_wait3A_196, %dma_wait3A_197] : memref<10240x64xbf16, #tpu.memory_space<vmem_shared>> -> memref<10240x64xbf16, #tpu.memory_space<vmem_shared>>
      tpu.wait_indirect_dma semaphore(%arg19 : memref<!tpu.dma_semaphore, #tpu.memory_space<semaphore_mem>>) src(%arg11 : memref<128x64xbf16, #tpu.memory_space<vmem>>) dst(%dma_wait3A_198 : memref<10240x64xbf16, #tpu.memory_space<vmem_shared>>)
      %lt3A_199 = arith.constant 40 : i32
      %lt3A_200 = arith.cmpi slt, %add3A_121, %lt3A_199 : i32
      %convert_element_type3A_201 = arith.extui %lt3A_200 : i1 to i32
      %cond3A_202 = arith.constant 0 : i32
      %cond3A_203 = arith.cmpi ne, %convert_element_type3A_201, %cond3A_202 : i32
      scf.if %cond3A_203 {
        %dma_start3A_357 = arith.constant 1 : i32
        %dma_start3A_358 = arith.constant 0 : i32
        %dma_start3A_359 = tpu.memref_slice %arg7[%dma_start3A_357, %dma_start3A_358] : memref<4x128xi32, #tpu.memory_space<vmem>> -> memref<1x128xi32, #tpu.memory_space<vmem>>
        %dma_start3A_360 = tpu.memref_squeeze %dma_start3A_359 : memref<1x128xi32, #tpu.memory_space<vmem>> -> memref<128xi32, #tpu.memory_space<vmem>>
        %dma_start3A_361 = arith.constant 0 : i32
        %dma_start3A_362 = arith.constant 0 : i32
        %dma_start3A_363 = tpu.memref_slice %arg24[%dma_start3A_361, %dma_start3A_362] : memref<10240x64xbf16, #tpu.memory_space<vmem_shared>> -> memref<10240x64xbf16, #tpu.memory_space<vmem_shared>>
        tpu.enqueue_indirect_dma source(%dma_start3A_363 : memref<10240x64xbf16, #tpu.memory_space<vmem_shared>>) target(%arg11 : memref<128x64xbf16, #tpu.memory_space<vmem>>) offsets(%dma_start3A_360 : memref<128xi32, #tpu.memory_space<vmem>>) semaphore(%arg15 : memref<!tpu.dma_semaphore, #tpu.memory_space<semaphore_mem>>)
      } else {
      }
      %dma_wait3A_204 = arith.constant 0 : i32
      %dma_wait3A_205 = arith.constant 0 : i32
      %dma_wait3A_206 = tpu.memref_slice %arg8[%dma_wait3A_204, %dma_wait3A_205] : memref<4x128xi32, #tpu.memory_space<vmem>> -> memref<1x128xi32, #tpu.memory_space<vmem>>
      %dma_wait3A_207 = tpu.memref_squeeze %dma_wait3A_206 : memref<1x128xi32, #tpu.memory_space<vmem>> -> memref<128xi32, #tpu.memory_space<vmem>>
      %dma_wait3A_208 = arith.constant 0 : i32
      %dma_wait3A_209 = arith.constant 0 : i32
      %dma_wait3A_210 = tpu.memref_slice %arg25[%dma_wait3A_208, %dma_wait3A_209] : memref<10240x64xbf16, #tpu.memory_space<vmem_shared>> -> memref<10240x64xbf16, #tpu.memory_space<vmem_shared>>
      tpu.wait_indirect_dma semaphore(%arg20 : memref<!tpu.dma_semaphore, #tpu.memory_space<semaphore_mem>>) src(%arg12 : memref<128x64xbf16, #tpu.memory_space<vmem>>) dst(%dma_wait3A_210 : memref<10240x64xbf16, #tpu.memory_space<vmem_shared>>)
      %lt3A_211 = arith.constant 40 : i32
      %lt3A_212 = arith.cmpi slt, %add3A_121, %lt3A_211 : i32
      %convert_element_type3A_213 = arith.extui %lt3A_212 : i1 to i32
      %cond3A_214 = arith.constant 0 : i32
      %cond3A_215 = arith.cmpi ne, %convert_element_type3A_213, %cond3A_214 : i32
      scf.if %cond3A_215 {
        %dma_start3A_357 = arith.constant 2 : i32
        %dma_start3A_358 = arith.constant 0 : i32
        %dma_start3A_359 = tpu.memref_slice %arg7[%dma_start3A_357, %dma_start3A_358] : memref<4x128xi32, #tpu.memory_space<vmem>> -> memref<1x128xi32, #tpu.memory_space<vmem>>
        %dma_start3A_360 = tpu.memref_squeeze %dma_start3A_359 : memref<1x128xi32, #tpu.memory_space<vmem>> -> memref<128xi32, #tpu.memory_space<vmem>>
        %dma_start3A_361 = arith.constant 0 : i32
        %dma_start3A_362 = arith.constant 0 : i32
        %dma_start3A_363 = tpu.memref_slice %arg24[%dma_start3A_361, %dma_start3A_362] : memref<10240x64xbf16, #tpu.memory_space<vmem_shared>> -> memref<10240x64xbf16, #tpu.memory_space<vmem_shared>>
        tpu.enqueue_indirect_dma source(%dma_start3A_363 : memref<10240x64xbf16, #tpu.memory_space<vmem_shared>>) target(%arg12 : memref<128x64xbf16, #tpu.memory_space<vmem>>) offsets(%dma_start3A_360 : memref<128xi32, #tpu.memory_space<vmem>>) semaphore(%arg16 : memref<!tpu.dma_semaphore, #tpu.memory_space<semaphore_mem>>)
      } else {
      }
      %dma_wait3A_216 = arith.constant 0 : i32
      %dma_wait3A_217 = arith.constant 0 : i32
      %dma_wait3A_218 = tpu.memref_slice %arg8[%dma_wait3A_216, %dma_wait3A_217] : memref<4x128xi32, #tpu.memory_space<vmem>> -> memref<1x128xi32, #tpu.memory_space<vmem>>
      %dma_wait3A_219 = tpu.memref_squeeze %dma_wait3A_218 : memref<1x128xi32, #tpu.memory_space<vmem>> -> memref<128xi32, #tpu.memory_space<vmem>>
      %dma_wait3A_220 = arith.constant 0 : i32
      %dma_wait3A_221 = arith.constant 0 : i32
      %dma_wait3A_222 = tpu.memref_slice %arg25[%dma_wait3A_220, %dma_wait3A_221] : memref<10240x64xbf16, #tpu.memory_space<vmem_shared>> -> memref<10240x64xbf16, #tpu.memory_space<vmem_shared>>
      tpu.wait_indirect_dma semaphore(%arg21 : memref<!tpu.dma_semaphore, #tpu.memory_space<semaphore_mem>>) src(%arg13 : memref<128x64xbf16, #tpu.memory_space<vmem>>) dst(%dma_wait3A_222 : memref<10240x64xbf16, #tpu.memory_space<vmem_shared>>)
      %lt3A_223 = arith.constant 40 : i32
      %lt3A_224 = arith.cmpi slt, %add3A_121, %lt3A_223 : i32
      %convert_element_type3A_225 = arith.extui %lt3A_224 : i1 to i32
      %cond3A_226 = arith.constant 0 : i32
      %cond3A_227 = arith.cmpi ne, %convert_element_type3A_225, %cond3A_226 : i32
      scf.if %cond3A_227 {
        %dma_start3A_357 = arith.constant 3 : i32
        %dma_start3A_358 = arith.constant 0 : i32
        %dma_start3A_359 = tpu.memref_slice %arg7[%dma_start3A_357, %dma_start3A_358] : memref<4x128xi32, #tpu.memory_space<vmem>> -> memref<1x128xi32, #tpu.memory_space<vmem>>
        %dma_start3A_360 = tpu.memref_squeeze %dma_start3A_359 : memref<1x128xi32, #tpu.memory_space<vmem>> -> memref<128xi32, #tpu.memory_space<vmem>>
        %dma_start3A_361 = arith.constant 0 : i32
        %dma_start3A_362 = arith.constant 0 : i32
        %dma_start3A_363 = tpu.memref_slice %arg24[%dma_start3A_361, %dma_start3A_362] : memref<10240x64xbf16, #tpu.memory_space<vmem_shared>> -> memref<10240x64xbf16, #tpu.memory_space<vmem_shared>>
        tpu.enqueue_indirect_dma source(%dma_start3A_363 : memref<10240x64xbf16, #tpu.memory_space<vmem_shared>>) target(%arg13 : memref<128x64xbf16, #tpu.memory_space<vmem>>) offsets(%dma_start3A_360 : memref<128xi32, #tpu.memory_space<vmem>>) semaphore(%arg17 : memref<!tpu.dma_semaphore, #tpu.memory_space<semaphore_mem>>)
      } else {
      }
      %add3A_228 = arith.constant 2 : i32
      %add3A_229 = arith.addi %add3A_119, %add3A_228 : i32
      %lt3A_230 = arith.constant 40 : i32
      %lt3A_231 = arith.cmpi slt, %add3A_229, %lt3A_230 : i32
      %convert_element_type3A_232 = arith.extui %lt3A_231 : i1 to i32
      %cond3A_233 = arith.constant 0 : i32
      %cond3A_234 = arith.cmpi ne, %convert_element_type3A_232, %cond3A_233 : i32
      scf.if %cond3A_234 {
        %add3A_357 = arith.constant 2 : i32
        %add3A_358 = arith.addi %add3A_119, %add3A_357 : i32
        %mul3A_359 = arith.constant 4 : i32
        %mul3A_360 = arith.muli %add3A_358, %mul3A_359 : i32
        %dma_start3A_361 = arith.constant 0 : i32
        %dma_start3A_362 = tpu.memref_slice %arg3[%arg1, %mul3A_360, %dma_start3A_361] : memref<16x160x128xi32, #tpu.memory_space<hbm>> -> memref<1x4x128xi32, #tpu.memory_space<hbm>>
        %dma_start3A_363 = tpu.memref_squeeze %dma_start3A_362 : memref<1x4x128xi32, #tpu.memory_space<hbm>> -> memref<4x128xi32, #tpu.memory_space<hbm>>
        %dma_start3A_364 = arith.constant 0 : i32
        %dma_start3A_365 = tpu.memref_slice %arg3[%arg1, %mul3A_360, %dma_start3A_364] : memref<16x160x128xi32, #tpu.memory_space<hbm>> -> memref<1x4x128xi32, #tpu.memory_space<hbm>>
        %dma_start3A_366 = tpu.memref_squeeze %dma_start3A_365 : memref<1x4x128xi32, #tpu.memory_space<hbm>> -> memref<4x128xi32, #tpu.memory_space<hbm>>
        tpu.enqueue_dma source(%dma_start3A_366 : memref<4x128xi32, #tpu.memory_space<hbm>>) target(%arg6 : memref<4x128xi32, #tpu.memory_space<vmem>>) target_semaphore(%arg22 : memref<!tpu.dma_semaphore, #tpu.memory_space<semaphore_mem>>)
        %mul3A_367 = arith.constant 4 : i32
        %mul3A_368 = arith.muli %add3A_358, %mul3A_367 : i32
        %dma_start3A_369 = arith.constant 0 : i32
        %dma_start3A_370 = tpu.memref_slice %arg4[%arg1, %mul3A_368, %dma_start3A_369] : memref<16x160x128xi32, #tpu.memory_space<hbm>> -> memref<1x4x128xi32, #tpu.memory_space<hbm>>
        %dma_start3A_371 = tpu.memref_squeeze %dma_start3A_370 : memref<1x4x128xi32, #tpu.memory_space<hbm>> -> memref<4x128xi32, #tpu.memory_space<hbm>>
        %dma_start3A_372 = arith.constant 0 : i32
        %dma_start3A_373 = tpu.memref_slice %arg4[%arg1, %mul3A_368, %dma_start3A_372] : memref<16x160x128xi32, #tpu.memory_space<hbm>> -> memref<1x4x128xi32, #tpu.memory_space<hbm>>
        %dma_start3A_374 = tpu.memref_squeeze %dma_start3A_373 : memref<1x4x128xi32, #tpu.memory_space<hbm>> -> memref<4x128xi32, #tpu.memory_space<hbm>>
        tpu.enqueue_dma source(%dma_start3A_374 : memref<4x128xi32, #tpu.memory_space<hbm>>) target(%arg8 : memref<4x128xi32, #tpu.memory_space<vmem>>) target_semaphore(%arg22 : memref<!tpu.dma_semaphore, #tpu.memory_space<semaphore_mem>>)
      } else {
      }
      %mul3A_235 = arith.constant 2 : i32
      %mul3A_236 = arith.muli %scan3A_115, %mul3A_235 : i32
      %add3A_237 = arith.constant 1 : i32
      %add3A_238 = arith.addi %mul3A_236, %add3A_237 : i32
      %add3A_239 = arith.constant 1 : i32
      %add3A_240 = arith.addi %add3A_238, %add3A_239 : i32
      %dma_wait3A_241 = arith.constant 0 : i32
      %dma_wait3A_242 = arith.constant 0 : i32
      %dma_wait3A_243 = tpu.memref_slice %arg7[%dma_wait3A_241, %dma_wait3A_242] : memref<4x128xi32, #tpu.memory_space<vmem>> -> memref<1x128xi32, #tpu.memory_space<vmem>>
      %dma_wait3A_244 = tpu.memref_squeeze %dma_wait3A_243 : memref<1x128xi32, #tpu.memory_space<vmem>> -> memref<128xi32, #tpu.memory_space<vmem>>
      %dma_wait3A_245 = arith.constant 0 : i32
      %dma_wait3A_246 = arith.constant 0 : i32
      %dma_wait3A_247 = tpu.memref_slice %arg24[%dma_wait3A_245, %dma_wait3A_246] : memref<10240x64xbf16, #tpu.memory_space<vmem_shared>> -> memref<10240x64xbf16, #tpu.memory_space<vmem_shared>>
      tpu.wait_indirect_dma semaphore(%arg14 : memref<!tpu.dma_semaphore, #tpu.memory_space<semaphore_mem>>) src(%dma_wait3A_247 : memref<10240x64xbf16, #tpu.memory_space<vmem_shared>>) dst(%arg10 : memref<128x64xbf16, #tpu.memory_space<vmem>>)
      %dma_start3A_248 = arith.constant 0 : i32
      %dma_start3A_249 = arith.constant 0 : i32
      %dma_start3A_250 = tpu.memref_slice %arg9[%dma_start3A_248, %dma_start3A_249] : memref<4x128xi32, #tpu.memory_space<vmem>> -> memref<1x128xi32, #tpu.memory_space<vmem>>
      %dma_start3A_251 = tpu.memref_squeeze %dma_start3A_250 : memref<1x128xi32, #tpu.memory_space<vmem>> -> memref<128xi32, #tpu.memory_space<vmem>>
      %dma_start3A_252 = arith.constant 0 : i32
      %dma_start3A_253 = arith.constant 0 : i32
      %dma_start3A_254 = tpu.memref_slice %arg25[%dma_start3A_252, %dma_start3A_253] : memref<10240x64xbf16, #tpu.memory_space<vmem_shared>> -> memref<10240x64xbf16, #tpu.memory_space<vmem_shared>>
      tpu.enqueue_indirect_dma source(%arg10 : memref<128x64xbf16, #tpu.memory_space<vmem>>) target(%dma_start3A_254 : memref<10240x64xbf16, #tpu.memory_space<vmem_shared>>) offsets(%dma_start3A_251 : memref<128xi32, #tpu.memory_space<vmem>>) semaphore(%arg18 : memref<!tpu.dma_semaphore, #tpu.memory_space<semaphore_mem>>) {add = true}
      %dma_wait3A_255 = arith.constant 1 : i32
      %dma_wait3A_256 = arith.constant 0 : i32
      %dma_wait3A_257 = tpu.memref_slice %arg7[%dma_wait3A_255, %dma_wait3A_256] : memref<4x128xi32, #tpu.memory_space<vmem>> -> memref<1x128xi32, #tpu.memory_space<vmem>>
      %dma_wait3A_258 = tpu.memref_squeeze %dma_wait3A_257 : memref<1x128xi32, #tpu.memory_space<vmem>> -> memref<128xi32, #tpu.memory_space<vmem>>
      %dma_wait3A_259 = arith.constant 0 : i32
      %dma_wait3A_260 = arith.constant 0 : i32
      %dma_wait3A_261 = tpu.memref_slice %arg24[%dma_wait3A_259, %dma_wait3A_260] : memref<10240x64xbf16, #tpu.memory_space<vmem_shared>> -> memref<10240x64xbf16, #tpu.memory_space<vmem_shared>>
      tpu.wait_indirect_dma semaphore(%arg15 : memref<!tpu.dma_semaphore, #tpu.memory_space<semaphore_mem>>) src(%dma_wait3A_261 : memref<10240x64xbf16, #tpu.memory_space<vmem_shared>>) dst(%arg11 : memref<128x64xbf16, #tpu.memory_space<vmem>>)
      %dma_start3A_262 = arith.constant 1 : i32
      %dma_start3A_263 = arith.constant 0 : i32
      %dma_start3A_264 = tpu.memref_slice %arg9[%dma_start3A_262, %dma_start3A_263] : memref<4x128xi32, #tpu.memory_space<vmem>> -> memref<1x128xi32, #tpu.memory_space<vmem>>
      %dma_start3A_265 = tpu.memref_squeeze %dma_start3A_264 : memref<1x128xi32, #tpu.memory_space<vmem>> -> memref<128xi32, #tpu.memory_space<vmem>>
      %dma_start3A_266 = arith.constant 0 : i32
      %dma_start3A_267 = arith.constant 0 : i32
      %dma_start3A_268 = tpu.memref_slice %arg25[%dma_start3A_266, %dma_start3A_267] : memref<10240x64xbf16, #tpu.memory_space<vmem_shared>> -> memref<10240x64xbf16, #tpu.memory_space<vmem_shared>>
      tpu.enqueue_indirect_dma source(%arg11 : memref<128x64xbf16, #tpu.memory_space<vmem>>) target(%dma_start3A_268 : memref<10240x64xbf16, #tpu.memory_space<vmem_shared>>) offsets(%dma_start3A_265 : memref<128xi32, #tpu.memory_space<vmem>>) semaphore(%arg19 : memref<!tpu.dma_semaphore, #tpu.memory_space<semaphore_mem>>) {add = true}
      %dma_wait3A_269 = arith.constant 2 : i32
      %dma_wait3A_270 = arith.constant 0 : i32
      %dma_wait3A_271 = tpu.memref_slice %arg7[%dma_wait3A_269, %dma_wait3A_270] : memref<4x128xi32, #tpu.memory_space<vmem>> -> memref<1x128xi32, #tpu.memory_space<vmem>>
      %dma_wait3A_272 = tpu.memref_squeeze %dma_wait3A_271 : memref<1x128xi32, #tpu.memory_space<vmem>> -> memref<128xi32, #tpu.memory_space<vmem>>
      %dma_wait3A_273 = arith.constant 0 : i32
      %dma_wait3A_274 = arith.constant 0 : i32
      %dma_wait3A_275 = tpu.memref_slice %arg24[%dma_wait3A_273, %dma_wait3A_274] : memref<10240x64xbf16, #tpu.memory_space<vmem_shared>> -> memref<10240x64xbf16, #tpu.memory_space<vmem_shared>>
      tpu.wait_indirect_dma semaphore(%arg16 : memref<!tpu.dma_semaphore, #tpu.memory_space<semaphore_mem>>) src(%dma_wait3A_275 : memref<10240x64xbf16, #tpu.memory_space<vmem_shared>>) dst(%arg12 : memref<128x64xbf16, #tpu.memory_space<vmem>>)
      %dma_start3A_276 = arith.constant 2 : i32
      %dma_start3A_277 = arith.constant 0 : i32
      %dma_start3A_278 = tpu.memref_slice %arg9[%dma_start3A_276, %dma_start3A_277] : memref<4x128xi32, #tpu.memory_space<vmem>> -> memref<1x128xi32, #tpu.memory_space<vmem>>
      %dma_start3A_279 = tpu.memref_squeeze %dma_start3A_278 : memref<1x128xi32, #tpu.memory_space<vmem>> -> memref<128xi32, #tpu.memory_space<vmem>>
      %dma_start3A_280 = arith.constant 0 : i32
      %dma_start3A_281 = arith.constant 0 : i32
      %dma_start3A_282 = tpu.memref_slice %arg25[%dma_start3A_280, %dma_start3A_281] : memref<10240x64xbf16, #tpu.memory_space<vmem_shared>> -> memref<10240x64xbf16, #tpu.memory_space<vmem_shared>>
      tpu.enqueue_indirect_dma source(%arg12 : memref<128x64xbf16, #tpu.memory_space<vmem>>) target(%dma_start3A_282 : memref<10240x64xbf16, #tpu.memory_space<vmem_shared>>) offsets(%dma_start3A_279 : memref<128xi32, #tpu.memory_space<vmem>>) semaphore(%arg20 : memref<!tpu.dma_semaphore, #tpu.memory_space<semaphore_mem>>) {add = true}
      %dma_wait3A_283 = arith.constant 3 : i32
      %dma_wait3A_284 = arith.constant 0 : i32
      %dma_wait3A_285 = tpu.memref_slice %arg7[%dma_wait3A_283, %dma_wait3A_284] : memref<4x128xi32, #tpu.memory_space<vmem>> -> memref<1x128xi32, #tpu.memory_space<vmem>>
      %dma_wait3A_286 = tpu.memref_squeeze %dma_wait3A_285 : memref<1x128xi32, #tpu.memory_space<vmem>> -> memref<128xi32, #tpu.memory_space<vmem>>
      %dma_wait3A_287 = arith.constant 0 : i32
      %dma_wait3A_288 = arith.constant 0 : i32
      %dma_wait3A_289 = tpu.memref_slice %arg24[%dma_wait3A_287, %dma_wait3A_288] : memref<10240x64xbf16, #tpu.memory_space<vmem_shared>> -> memref<10240x64xbf16, #tpu.memory_space<vmem_shared>>
      tpu.wait_indirect_dma semaphore(%arg17 : memref<!tpu.dma_semaphore, #tpu.memory_space<semaphore_mem>>) src(%dma_wait3A_289 : memref<10240x64xbf16, #tpu.memory_space<vmem_shared>>) dst(%arg13 : memref<128x64xbf16, #tpu.memory_space<vmem>>)
      %dma_start3A_290 = arith.constant 3 : i32
      %dma_start3A_291 = arith.constant 0 : i32
      %dma_start3A_292 = tpu.memref_slice %arg9[%dma_start3A_290, %dma_start3A_291] : memref<4x128xi32, #tpu.memory_space<vmem>> -> memref<1x128xi32, #tpu.memory_space<vmem>>
      %dma_start3A_293 = tpu.memref_squeeze %dma_start3A_292 : memref<1x128xi32, #tpu.memory_space<vmem>> -> memref<128xi32, #tpu.memory_space<vmem>>
      %dma_start3A_294 = arith.constant 0 : i32
      %dma_start3A_295 = arith.constant 0 : i32
      %dma_start3A_296 = tpu.memref_slice %arg25[%dma_start3A_294, %dma_start3A_295] : memref<10240x64xbf16, #tpu.memory_space<vmem_shared>> -> memref<10240x64xbf16, #tpu.memory_space<vmem_shared>>
      tpu.enqueue_indirect_dma source(%arg13 : memref<128x64xbf16, #tpu.memory_space<vmem>>) target(%dma_start3A_296 : memref<10240x64xbf16, #tpu.memory_space<vmem_shared>>) offsets(%dma_start3A_293 : memref<128xi32, #tpu.memory_space<vmem>>) semaphore(%arg21 : memref<!tpu.dma_semaphore, #tpu.memory_space<semaphore_mem>>) {add = true}
      %lt3A_297 = arith.constant 40 : i32
      %lt3A_298 = arith.cmpi slt, %add3A_240, %lt3A_297 : i32
      %convert_element_type3A_299 = arith.extui %lt3A_298 : i1 to i32
      %cond3A_300 = arith.constant 0 : i32
      %cond3A_301 = arith.cmpi ne, %convert_element_type3A_299, %cond3A_300 : i32
      scf.if %cond3A_301 {
        %dma_wait3A_357 = arith.constant 0 : i32
        %dma_wait3A_358 = arith.constant 0 : i32
        %dma_wait3A_359 = tpu.memref_slice %arg3[%arg1, %dma_wait3A_357, %dma_wait3A_358] : memref<16x160x128xi32, #tpu.memory_space<hbm>> -> memref<1x4x128xi32, #tpu.memory_space<hbm>>
        %dma_wait3A_360 = tpu.memref_squeeze %dma_wait3A_359 : memref<1x4x128xi32, #tpu.memory_space<hbm>> -> memref<4x128xi32, #tpu.memory_space<hbm>>
        %dma_wait3A_361 = arith.constant 0 : i32
        %dma_wait3A_362 = arith.constant 0 : i32
        %dma_wait3A_363 = tpu.memref_slice %arg3[%arg1, %dma_wait3A_361, %dma_wait3A_362] : memref<16x160x128xi32, #tpu.memory_space<hbm>> -> memref<1x4x128xi32, #tpu.memory_space<hbm>>
        %dma_wait3A_364 = tpu.memref_squeeze %dma_wait3A_363 : memref<1x4x128xi32, #tpu.memory_space<hbm>> -> memref<4x128xi32, #tpu.memory_space<hbm>>
        tpu.wait_dma2 semaphore(%arg22 : memref<!tpu.dma_semaphore, #tpu.memory_space<semaphore_mem>>) src(%dma_wait3A_364 : memref<4x128xi32, #tpu.memory_space<hbm>>) dst(%arg6 : memref<4x128xi32, #tpu.memory_space<vmem>>)
        %dma_wait3A_365 = arith.constant 0 : i32
        %dma_wait3A_366 = arith.constant 0 : i32
        %dma_wait3A_367 = tpu.memref_slice %arg4[%arg1, %dma_wait3A_365, %dma_wait3A_366] : memref<16x160x128xi32, #tpu.memory_space<hbm>> -> memref<1x4x128xi32, #tpu.memory_space<hbm>>
        %dma_wait3A_368 = tpu.memref_squeeze %dma_wait3A_367 : memref<1x4x128xi32, #tpu.memory_space<hbm>> -> memref<4x128xi32, #tpu.memory_space<hbm>>
        %dma_wait3A_369 = arith.constant 0 : i32
        %dma_wait3A_370 = arith.constant 0 : i32
        %dma_wait3A_371 = tpu.memref_slice %arg4[%arg1, %dma_wait3A_369, %dma_wait3A_370] : memref<16x160x128xi32, #tpu.memory_space<hbm>> -> memref<1x4x128xi32, #tpu.memory_space<hbm>>
        %dma_wait3A_372 = tpu.memref_squeeze %dma_wait3A_371 : memref<1x4x128xi32, #tpu.memory_space<hbm>> -> memref<4x128xi32, #tpu.memory_space<hbm>>
        tpu.wait_dma2 semaphore(%arg22 : memref<!tpu.dma_semaphore, #tpu.memory_space<semaphore_mem>>) src(%dma_wait3A_372 : memref<4x128xi32, #tpu.memory_space<hbm>>) dst(%arg8 : memref<4x128xi32, #tpu.memory_space<vmem>>)
      } else {
      }
      %dma_wait3A_302 = arith.constant 0 : i32
      %dma_wait3A_303 = arith.constant 0 : i32
      %dma_wait3A_304 = tpu.memref_slice %arg9[%dma_wait3A_302, %dma_wait3A_303] : memref<4x128xi32, #tpu.memory_space<vmem>> -> memref<1x128xi32, #tpu.memory_space<vmem>>
      %dma_wait3A_305 = tpu.memref_squeeze %dma_wait3A_304 : memref<1x128xi32, #tpu.memory_space<vmem>> -> memref<128xi32, #tpu.memory_space<vmem>>
      %dma_wait3A_306 = arith.constant 0 : i32
      %dma_wait3A_307 = arith.constant 0 : i32
      %dma_wait3A_308 = tpu.memref_slice %arg25[%dma_wait3A_306, %dma_wait3A_307] : memref<10240x64xbf16, #tpu.memory_space<vmem_shared>> -> memref<10240x64xbf16, #tpu.memory_space<vmem_shared>>
      tpu.wait_indirect_dma semaphore(%arg18 : memref<!tpu.dma_semaphore, #tpu.memory_space<semaphore_mem>>) src(%arg10 : memref<128x64xbf16, #tpu.memory_space<vmem>>) dst(%dma_wait3A_308 : memref<10240x64xbf16, #tpu.memory_space<vmem_shared>>)
      %lt3A_309 = arith.constant 40 : i32
      %lt3A_310 = arith.cmpi slt, %add3A_240, %lt3A_309 : i32
      %convert_element_type3A_311 = arith.extui %lt3A_310 : i1 to i32
      %cond3A_312 = arith.constant 0 : i32
      %cond3A_313 = arith.cmpi ne, %convert_element_type3A_311, %cond3A_312 : i32
      scf.if %cond3A_313 {
        %dma_start3A_357 = arith.constant 0 : i32
        %dma_start3A_358 = arith.constant 0 : i32
        %dma_start3A_359 = tpu.memref_slice %arg6[%dma_start3A_357, %dma_start3A_358] : memref<4x128xi32, #tpu.memory_space<vmem>> -> memref<1x128xi32, #tpu.memory_space<vmem>>
        %dma_start3A_360 = tpu.memref_squeeze %dma_start3A_359 : memref<1x128xi32, #tpu.memory_space<vmem>> -> memref<128xi32, #tpu.memory_space<vmem>>
        %dma_start3A_361 = arith.constant 0 : i32
        %dma_start3A_362 = arith.constant 0 : i32
        %dma_start3A_363 = tpu.memref_slice %arg24[%dma_start3A_361, %dma_start3A_362] : memref<10240x64xbf16, #tpu.memory_space<vmem_shared>> -> memref<10240x64xbf16, #tpu.memory_space<vmem_shared>>
        tpu.enqueue_indirect_dma source(%dma_start3A_363 : memref<10240x64xbf16, #tpu.memory_space<vmem_shared>>) target(%arg10 : memref<128x64xbf16, #tpu.memory_space<vmem>>) offsets(%dma_start3A_360 : memref<128xi32, #tpu.memory_space<vmem>>) semaphore(%arg14 : memref<!tpu.dma_semaphore, #tpu.memory_space<semaphore_mem>>)
      } else {
      }
      %dma_wait3A_314 = arith.constant 0 : i32
      %dma_wait3A_315 = arith.constant 0 : i32
      %dma_wait3A_316 = tpu.memref_slice %arg9[%dma_wait3A_314, %dma_wait3A_315] : memref<4x128xi32, #tpu.memory_space<vmem>> -> memref<1x128xi32, #tpu.memory_space<vmem>>
      %dma_wait3A_317 = tpu.memref_squeeze %dma_wait3A_316 : memref<1x128xi32, #tpu.memory_space<vmem>> -> memref<128xi32, #tpu.memory_space<vmem>>
      %dma_wait3A_318 = arith.constant 0 : i32
      %dma_wait3A_319 = arith.constant 0 : i32
      %dma_wait3A_320 = tpu.memref_slice %arg25[%dma_wait3A_318, %dma_wait3A_319] : memref<10240x64xbf16, #tpu.memory_space<vmem_shared>> -> memref<10240x64xbf16, #tpu.memory_space<vmem_shared>>
      tpu.wait_indirect_dma semaphore(%arg19 : memref<!tpu.dma_semaphore, #tpu.memory_space<semaphore_mem>>) src(%arg11 : memref<128x64xbf16, #tpu.memory_space<vmem>>) dst(%dma_wait3A_320 : memref<10240x64xbf16, #tpu.memory_space<vmem_shared>>)
      %lt3A_321 = arith.constant 40 : i32
      %lt3A_322 = arith.cmpi slt, %add3A_240, %lt3A_321 : i32
      %convert_element_type3A_323 = arith.extui %lt3A_322 : i1 to i32
      %cond3A_324 = arith.constant 0 : i32
      %cond3A_325 = arith.cmpi ne, %convert_element_type3A_323, %cond3A_324 : i32
      scf.if %cond3A_325 {
        %dma_start3A_357 = arith.constant 1 : i32
        %dma_start3A_358 = arith.constant 0 : i32
        %dma_start3A_359 = tpu.memref_slice %arg6[%dma_start3A_357, %dma_start3A_358] : memref<4x128xi32, #tpu.memory_space<vmem>> -> memref<1x128xi32, #tpu.memory_space<vmem>>
        %dma_start3A_360 = tpu.memref_squeeze %dma_start3A_359 : memref<1x128xi32, #tpu.memory_space<vmem>> -> memref<128xi32, #tpu.memory_space<vmem>>
        %dma_start3A_361 = arith.constant 0 : i32
        %dma_start3A_362 = arith.constant 0 : i32
        %dma_start3A_363 = tpu.memref_slice %arg24[%dma_start3A_361, %dma_start3A_362] : memref<10240x64xbf16, #tpu.memory_space<vmem_shared>> -> memref<10240x64xbf16, #tpu.memory_space<vmem_shared>>
        tpu.enqueue_indirect_dma source(%dma_start3A_363 : memref<10240x64xbf16, #tpu.memory_space<vmem_shared>>) target(%arg11 : memref<128x64xbf16, #tpu.memory_space<vmem>>) offsets(%dma_start3A_360 : memref<128xi32, #tpu.memory_space<vmem>>) semaphore(%arg15 : memref<!tpu.dma_semaphore, #tpu.memory_space<semaphore_mem>>)
      } else {
      }
      %dma_wait3A_326 = arith.constant 0 : i32
      %dma_wait3A_327 = arith.constant 0 : i32
      %dma_wait3A_328 = tpu.memref_slice %arg9[%dma_wait3A_326, %dma_wait3A_327] : memref<4x128xi32, #tpu.memory_space<vmem>> -> memref<1x128xi32, #tpu.memory_space<vmem>>
      %dma_wait3A_329 = tpu.memref_squeeze %dma_wait3A_328 : memref<1x128xi32, #tpu.memory_space<vmem>> -> memref<128xi32, #tpu.memory_space<vmem>>
      %dma_wait3A_330 = arith.constant 0 : i32
      %dma_wait3A_331 = arith.constant 0 : i32
      %dma_wait3A_332 = tpu.memref_slice %arg25[%dma_wait3A_330, %dma_wait3A_331] : memref<10240x64xbf16, #tpu.memory_space<vmem_shared>> -> memref<10240x64xbf16, #tpu.memory_space<vmem_shared>>
      tpu.wait_indirect_dma semaphore(%arg20 : memref<!tpu.dma_semaphore, #tpu.memory_space<semaphore_mem>>) src(%arg12 : memref<128x64xbf16, #tpu.memory_space<vmem>>) dst(%dma_wait3A_332 : memref<10240x64xbf16, #tpu.memory_space<vmem_shared>>)
      %lt3A_333 = arith.constant 40 : i32
      %lt3A_334 = arith.cmpi slt, %add3A_240, %lt3A_333 : i32
      %convert_element_type3A_335 = arith.extui %lt3A_334 : i1 to i32
      %cond3A_336 = arith.constant 0 : i32
      %cond3A_337 = arith.cmpi ne, %convert_element_type3A_335, %cond3A_336 : i32
      scf.if %cond3A_337 {
        %dma_start3A_357 = arith.constant 2 : i32
        %dma_start3A_358 = arith.constant 0 : i32
        %dma_start3A_359 = tpu.memref_slice %arg6[%dma_start3A_357, %dma_start3A_358] : memref<4x128xi32, #tpu.memory_space<vmem>> -> memref<1x128xi32, #tpu.memory_space<vmem>>
        %dma_start3A_360 = tpu.memref_squeeze %dma_start3A_359 : memref<1x128xi32, #tpu.memory_space<vmem>> -> memref<128xi32, #tpu.memory_space<vmem>>
        %dma_start3A_361 = arith.constant 0 : i32
        %dma_start3A_362 = arith.constant 0 : i32
        %dma_start3A_363 = tpu.memref_slice %arg24[%dma_start3A_361, %dma_start3A_362] : memref<10240x64xbf16, #tpu.memory_space<vmem_shared>> -> memref<10240x64xbf16, #tpu.memory_space<vmem_shared>>
        tpu.enqueue_indirect_dma source(%dma_start3A_363 : memref<10240x64xbf16, #tpu.memory_space<vmem_shared>>) target(%arg12 : memref<128x64xbf16, #tpu.memory_space<vmem>>) offsets(%dma_start3A_360 : memref<128xi32, #tpu.memory_space<vmem>>) semaphore(%arg16 : memref<!tpu.dma_semaphore, #tpu.memory_space<semaphore_mem>>)
      } else {
      }
      %dma_wait3A_338 = arith.constant 0 : i32
      %dma_wait3A_339 = arith.constant 0 : i32
      %dma_wait3A_340 = tpu.memref_slice %arg9[%dma_wait3A_338, %dma_wait3A_339] : memref<4x128xi32, #tpu.memory_space<vmem>> -> memref<1x128xi32, #tpu.memory_space<vmem>>
      %dma_wait3A_341 = tpu.memref_squeeze %dma_wait3A_340 : memref<1x128xi32, #tpu.memory_space<vmem>> -> memref<128xi32, #tpu.memory_space<vmem>>
      %dma_wait3A_342 = arith.constant 0 : i32
      %dma_wait3A_343 = arith.constant 0 : i32
      %dma_wait3A_344 = tpu.memref_slice %arg25[%dma_wait3A_342, %dma_wait3A_343] : memref<10240x64xbf16, #tpu.memory_space<vmem_shared>> -> memref<10240x64xbf16, #tpu.memory_space<vmem_shared>>
      tpu.wait_indirect_dma semaphore(%arg21 : memref<!tpu.dma_semaphore, #tpu.memory_space<semaphore_mem>>) src(%arg13 : memref<128x64xbf16, #tpu.memory_space<vmem>>) dst(%dma_wait3A_344 : memref<10240x64xbf16, #tpu.memory_space<vmem_shared>>)
      %lt3A_345 = arith.constant 40 : i32
      %lt3A_346 = arith.cmpi slt, %add3A_240, %lt3A_345 : i32
      %convert_element_type3A_347 = arith.extui %lt3A_346 : i1 to i32
      %cond3A_348 = arith.constant 0 : i32
      %cond3A_349 = arith.cmpi ne, %convert_element_type3A_347, %cond3A_348 : i32
      scf.if %cond3A_349 {
        %dma_start3A_357 = arith.constant 3 : i32
        %dma_start3A_358 = arith.constant 0 : i32
        %dma_start3A_359 = tpu.memref_slice %arg6[%dma_start3A_357, %dma_start3A_358] : memref<4x128xi32, #tpu.memory_space<vmem>> -> memref<1x128xi32, #tpu.memory_space<vmem>>
        %dma_start3A_360 = tpu.memref_squeeze %dma_start3A_359 : memref<1x128xi32, #tpu.memory_space<vmem>> -> memref<128xi32, #tpu.memory_space<vmem>>
        %dma_start3A_361 = arith.constant 0 : i32
        %dma_start3A_362 = arith.constant 0 : i32
        %dma_start3A_363 = tpu.memref_slice %arg24[%dma_start3A_361, %dma_start3A_362] : memref<10240x64xbf16, #tpu.memory_space<vmem_shared>> -> memref<10240x64xbf16, #tpu.memory_space<vmem_shared>>
        tpu.enqueue_indirect_dma source(%dma_start3A_363 : memref<10240x64xbf16, #tpu.memory_space<vmem_shared>>) target(%arg13 : memref<128x64xbf16, #tpu.memory_space<vmem>>) offsets(%dma_start3A_360 : memref<128xi32, #tpu.memory_space<vmem>>) semaphore(%arg17 : memref<!tpu.dma_semaphore, #tpu.memory_space<semaphore_mem>>)
      } else {
      }
      %add3A_350 = arith.constant 2 : i32
      %add3A_351 = arith.addi %add3A_238, %add3A_350 : i32
      %lt3A_352 = arith.constant 40 : i32
      %lt3A_353 = arith.cmpi slt, %add3A_351, %lt3A_352 : i32
      %convert_element_type3A_354 = arith.extui %lt3A_353 : i1 to i32
      %cond3A_355 = arith.constant 0 : i32
      %cond3A_356 = arith.cmpi ne, %convert_element_type3A_354, %cond3A_355 : i32
      scf.if %cond3A_356 {
        %add3A_357 = arith.constant 2 : i32
        %add3A_358 = arith.addi %add3A_238, %add3A_357 : i32
        %mul3A_359 = arith.constant 4 : i32
        %mul3A_360 = arith.muli %add3A_358, %mul3A_359 : i32
        %dma_start3A_361 = arith.constant 0 : i32
        %dma_start3A_362 = tpu.memref_slice %arg3[%arg1, %mul3A_360, %dma_start3A_361] : memref<16x160x128xi32, #tpu.memory_space<hbm>> -> memref<1x4x128xi32, #tpu.memory_space<hbm>>
        %dma_start3A_363 = tpu.memref_squeeze %dma_start3A_362 : memref<1x4x128xi32, #tpu.memory_space<hbm>> -> memref<4x128xi32, #tpu.memory_space<hbm>>
        %dma_start3A_364 = arith.constant 0 : i32
        %dma_start3A_365 = tpu.memref_slice %arg3[%arg1, %mul3A_360, %dma_start3A_364] : memref<16x160x128xi32, #tpu.memory_space<hbm>> -> memref<1x4x128xi32, #tpu.memory_space<hbm>>
        %dma_start3A_366 = tpu.memref_squeeze %dma_start3A_365 : memref<1x4x128xi32, #tpu.memory_space<hbm>> -> memref<4x128xi32, #tpu.memory_space<hbm>>
        tpu.enqueue_dma source(%dma_start3A_366 : memref<4x128xi32, #tpu.memory_space<hbm>>) target(%arg7 : memref<4x128xi32, #tpu.memory_space<vmem>>) target_semaphore(%arg23 : memref<!tpu.dma_semaphore, #tpu.memory_space<semaphore_mem>>)
        %mul3A_367 = arith.constant 4 : i32
        %mul3A_368 = arith.muli %add3A_358, %mul3A_367 : i32
        %dma_start3A_369 = arith.constant 0 : i32
        %dma_start3A_370 = tpu.memref_slice %arg4[%arg1, %mul3A_368, %dma_start3A_369] : memref<16x160x128xi32, #tpu.memory_space<hbm>> -> memref<1x4x128xi32, #tpu.memory_space<hbm>>
        %dma_start3A_371 = tpu.memref_squeeze %dma_start3A_370 : memref<1x4x128xi32, #tpu.memory_space<hbm>> -> memref<4x128xi32, #tpu.memory_space<hbm>>
        %dma_start3A_372 = arith.constant 0 : i32
        %dma_start3A_373 = tpu.memref_slice %arg4[%arg1, %mul3A_368, %dma_start3A_372] : memref<16x160x128xi32, #tpu.memory_space<hbm>> -> memref<1x4x128xi32, #tpu.memory_space<hbm>>
        %dma_start3A_374 = tpu.memref_squeeze %dma_start3A_373 : memref<1x4x128xi32, #tpu.memory_space<hbm>> -> memref<4x128xi32, #tpu.memory_space<hbm>>
        tpu.enqueue_dma source(%dma_start3A_374 : memref<4x128xi32, #tpu.memory_space<hbm>>) target(%arg9 : memref<4x128xi32, #tpu.memory_space<vmem>>) target_semaphore(%arg23 : memref<!tpu.dma_semaphore, #tpu.memory_space<semaphore_mem>>)
      } else {
      }
    }
    %scan3A_93 = arith.constant 20 : i32
    %barrier3A_94 = arith.constant 0 : index
    tpu.barrier barrier_id(%barrier3A_94)
    %add3A_95 = arith.constant 0 : i32
    %add3A_96 = arith.addi %mul3A_0, %add3A_95 : i32
    %add3A_97 = arith.constant 0 : i32
    %add3A_98 = arith.addi %mul3A_0, %add3A_97 : i32
    "tpu.region"() ({
      %run_scoped3A = tpu.sem_alloc : memref<!tpu.dma_semaphore, #tpu.memory_space<semaphore_mem>>
      %dma_start3A_115 = arith.constant 0 : i32
      %dma_start3A_116 = tpu.memref_slice %arg5[%arg0, %add3A_98, %dma_start3A_115] : memref<2x10240x64xbf16, #tpu.memory_space<hbm>> -> memref<1x128x64xbf16, #tpu.memory_space<hbm>>
      %dma_start3A_117 = tpu.memref_squeeze %dma_start3A_116 : memref<1x128x64xbf16, #tpu.memory_space<hbm>> -> memref<128x64xbf16, #tpu.memory_space<hbm>>
      %dma_start3A_118 = arith.constant 0 : i32
      %dma_start3A_119 = tpu.memref_slice %arg25[%add3A_96, %dma_start3A_118] : memref<10240x64xbf16, #tpu.memory_space<vmem_shared>> -> memref<128x64xbf16, #tpu.memory_space<vmem_shared>>
      tpu.enqueue_dma source(%dma_start3A_119 : memref<128x64xbf16, #tpu.memory_space<vmem_shared>>) target(%dma_start3A_117 : memref<128x64xbf16, #tpu.memory_space<hbm>>) target_semaphore(%run_scoped3A : memref<!tpu.dma_semaphore, #tpu.memory_space<semaphore_mem>>)
      %dma_wait3A_120 = arith.constant 0 : i32
      %dma_wait3A_121 = tpu.memref_slice %arg5[%arg0, %add3A_98, %dma_wait3A_120] : memref<2x10240x64xbf16, #tpu.memory_space<hbm>> -> memref<1x128x64xbf16, #tpu.memory_space<hbm>>
      %dma_wait3A_122 = tpu.memref_squeeze %dma_wait3A_121 : memref<1x128x64xbf16, #tpu.memory_space<hbm>> -> memref<128x64xbf16, #tpu.memory_space<hbm>>
      %dma_wait3A_123 = arith.constant 0 : i32
      %dma_wait3A_124 = tpu.memref_slice %arg25[%add3A_96, %dma_wait3A_123] : memref<10240x64xbf16, #tpu.memory_space<vmem_shared>> -> memref<128x64xbf16, #tpu.memory_space<vmem_shared>>
      tpu.wait_dma2 semaphore(%run_scoped3A : memref<!tpu.dma_semaphore, #tpu.memory_space<semaphore_mem>>) src(%dma_wait3A_124 : memref<128x64xbf16, #tpu.memory_space<vmem_shared>>) dst(%dma_wait3A_122 : memref<128x64xbf16, #tpu.memory_space<hbm>>)
      tpu.yield
    }) : () -> ()
    %add3A_99 = arith.constant 128 : i32
    %add3A_100 = arith.addi %mul3A_0, %add3A_99 : i32
    %add3A_101 = arith.constant 128 : i32
    %add3A_102 = arith.addi %mul3A_0, %add3A_101 : i32
    "tpu.region"() ({
      %run_scoped3A = tpu.sem_alloc : memref<!tpu.dma_semaphore, #tpu.memory_space<semaphore_mem>>
      %dma_start3A_115 = arith.constant 0 : i32
      %dma_start3A_116 = tpu.memref_slice %arg5[%arg0, %add3A_102, %dma_start3A_115] : memref<2x10240x64xbf16, #tpu.memory_space<hbm>> -> memref<1x128x64xbf16, #tpu.memory_space<hbm>>
      %dma_start3A_117 = tpu.memref_squeeze %dma_start3A_116 : memref<1x128x64xbf16, #tpu.memory_space<hbm>> -> memref<128x64xbf16, #tpu.memory_space<hbm>>
      %dma_start3A_118 = arith.constant 0 : i32
      %dma_start3A_119 = tpu.memref_slice %arg25[%add3A_100, %dma_start3A_118] : memref<10240x64xbf16, #tpu.memory_space<vmem_shared>> -> memref<128x64xbf16, #tpu.memory_space<vmem_shared>>
      tpu.enqueue_dma source(%dma_start3A_119 : memref<128x64xbf16, #tpu.memory_space<vmem_shared>>) target(%dma_start3A_117 : memref<128x64xbf16, #tpu.memory_space<hbm>>) target_semaphore(%run_scoped3A : memref<!tpu.dma_semaphore, #tpu.memory_space<semaphore_mem>>)
      %dma_wait3A_120 = arith.constant 0 : i32
      %dma_wait3A_121 = tpu.memref_slice %arg5[%arg0, %add3A_102, %dma_wait3A_120] : memref<2x10240x64xbf16, #tpu.memory_space<hbm>> -> memref<1x128x64xbf16, #tpu.memory_space<hbm>>
      %dma_wait3A_122 = tpu.memref_squeeze %dma_wait3A_121 : memref<1x128x64xbf16, #tpu.memory_space<hbm>> -> memref<128x64xbf16, #tpu.memory_space<hbm>>
      %dma_wait3A_123 = arith.constant 0 : i32
      %dma_wait3A_124 = tpu.memref_slice %arg25[%add3A_100, %dma_wait3A_123] : memref<10240x64xbf16, #tpu.memory_space<vmem_shared>> -> memref<128x64xbf16, #tpu.memory_space<vmem_shared>>
      tpu.wait_dma2 semaphore(%run_scoped3A : memref<!tpu.dma_semaphore, #tpu.memory_space<semaphore_mem>>) src(%dma_wait3A_124 : memref<128x64xbf16, #tpu.memory_space<vmem_shared>>) dst(%dma_wait3A_122 : memref<128x64xbf16, #tpu.memory_space<hbm>>)
      tpu.yield
    }) : () -> ()
    %add3A_103 = arith.constant 256 : i32
    %add3A_104 = arith.addi %mul3A_0, %add3A_103 : i32
    %add3A_105 = arith.constant 256 : i32
    %add3A_106 = arith.addi %mul3A_0, %add3A_105 : i32
    "tpu.region"() ({
      %run_scoped3A = tpu.sem_alloc : memref<!tpu.dma_semaphore, #tpu.memory_space<semaphore_mem>>
      %dma_start3A_115 = arith.constant 0 : i32
      %dma_start3A_116 = tpu.memref_slice %arg5[%arg0, %add3A_106, %dma_start3A_115] : memref<2x10240x64xbf16, #tpu.memory_space<hbm>> -> memref<1x128x64xbf16, #tpu.memory_space<hbm>>
      %dma_start3A_117 = tpu.memref_squeeze %dma_start3A_116 : memref<1x128x64xbf16, #tpu.memory_space<hbm>> -> memref<128x64xbf16, #tpu.memory_space<hbm>>
      %dma_start3A_118 = arith.constant 0 : i32
      %dma_start3A_119 = tpu.memref_slice %arg25[%add3A_104, %dma_start3A_118] : memref<10240x64xbf16, #tpu.memory_space<vmem_shared>> -> memref<128x64xbf16, #tpu.memory_space<vmem_shared>>
      tpu.enqueue_dma source(%dma_start3A_119 : memref<128x64xbf16, #tpu.memory_space<vmem_shared>>) target(%dma_start3A_117 : memref<128x64xbf16, #tpu.memory_space<hbm>>) target_semaphore(%run_scoped3A : memref<!tpu.dma_semaphore, #tpu.memory_space<semaphore_mem>>)
      %dma_wait3A_120 = arith.constant 0 : i32
      %dma_wait3A_121 = tpu.memref_slice %arg5[%arg0, %add3A_106, %dma_wait3A_120] : memref<2x10240x64xbf16, #tpu.memory_space<hbm>> -> memref<1x128x64xbf16, #tpu.memory_space<hbm>>
      %dma_wait3A_122 = tpu.memref_squeeze %dma_wait3A_121 : memref<1x128x64xbf16, #tpu.memory_space<hbm>> -> memref<128x64xbf16, #tpu.memory_space<hbm>>
      %dma_wait3A_123 = arith.constant 0 : i32
      %dma_wait3A_124 = tpu.memref_slice %arg25[%add3A_104, %dma_wait3A_123] : memref<10240x64xbf16, #tpu.memory_space<vmem_shared>> -> memref<128x64xbf16, #tpu.memory_space<vmem_shared>>
      tpu.wait_dma2 semaphore(%run_scoped3A : memref<!tpu.dma_semaphore, #tpu.memory_space<semaphore_mem>>) src(%dma_wait3A_124 : memref<128x64xbf16, #tpu.memory_space<vmem_shared>>) dst(%dma_wait3A_122 : memref<128x64xbf16, #tpu.memory_space<hbm>>)
      tpu.yield
    }) : () -> ()
    %add3A_107 = arith.constant 384 : i32
    %add3A_108 = arith.addi %mul3A_0, %add3A_107 : i32
    %add3A_109 = arith.constant 384 : i32
    %add3A_110 = arith.addi %mul3A_0, %add3A_109 : i32
    "tpu.region"() ({
      %run_scoped3A = tpu.sem_alloc : memref<!tpu.dma_semaphore, #tpu.memory_space<semaphore_mem>>
      %dma_start3A_115 = arith.constant 0 : i32
      %dma_start3A_116 = tpu.memref_slice %arg5[%arg0, %add3A_110, %dma_start3A_115] : memref<2x10240x64xbf16, #tpu.memory_space<hbm>> -> memref<1x128x64xbf16, #tpu.memory_space<hbm>>
      %dma_start3A_117 = tpu.memref_squeeze %dma_start3A_116 : memref<1x128x64xbf16, #tpu.memory_space<hbm>> -> memref<128x64xbf16, #tpu.memory_space<hbm>>
      %dma_start3A_118 = arith.constant 0 : i32
      %dma_start3A_119 = tpu.memref_slice %arg25[%add3A_108, %dma_start3A_118] : memref<10240x64xbf16, #tpu.memory_space<vmem_shared>> -> memref<128x64xbf16, #tpu.memory_space<vmem_shared>>
      tpu.enqueue_dma source(%dma_start3A_119 : memref<128x64xbf16, #tpu.memory_space<vmem_shared>>) target(%dma_start3A_117 : memref<128x64xbf16, #tpu.memory_space<hbm>>) target_semaphore(%run_scoped3A : memref<!tpu.dma_semaphore, #tpu.memory_space<semaphore_mem>>)
      %dma_wait3A_120 = arith.constant 0 : i32
      %dma_wait3A_121 = tpu.memref_slice %arg5[%arg0, %add3A_110, %dma_wait3A_120] : memref<2x10240x64xbf16, #tpu.memory_space<hbm>> -> memref<1x128x64xbf16, #tpu.memory_space<hbm>>
      %dma_wait3A_122 = tpu.memref_squeeze %dma_wait3A_121 : memref<1x128x64xbf16, #tpu.memory_space<hbm>> -> memref<128x64xbf16, #tpu.memory_space<hbm>>
      %dma_wait3A_123 = arith.constant 0 : i32
      %dma_wait3A_124 = tpu.memref_slice %arg25[%add3A_108, %dma_wait3A_123] : memref<10240x64xbf16, #tpu.memory_space<vmem_shared>> -> memref<128x64xbf16, #tpu.memory_space<vmem_shared>>
      tpu.wait_dma2 semaphore(%run_scoped3A : memref<!tpu.dma_semaphore, #tpu.memory_space<semaphore_mem>>) src(%dma_wait3A_124 : memref<128x64xbf16, #tpu.memory_space<vmem_shared>>) dst(%dma_wait3A_122 : memref<128x64xbf16, #tpu.memory_space<hbm>>)
      tpu.yield
    }) : () -> ()
    %add3A_111 = arith.constant 512 : i32
    %add3A_112 = arith.addi %mul3A_0, %add3A_111 : i32
    %add3A_113 = arith.constant 512 : i32
    %add3A_114 = arith.addi %mul3A_0, %add3A_113 : i32
    "tpu.region"() ({
      %run_scoped3A = tpu.sem_alloc : memref<!tpu.dma_semaphore, #tpu.memory_space<semaphore_mem>>
      %dma_start3A_115 = arith.constant 0 : i32
      %dma_start3A_116 = tpu.memref_slice %arg5[%arg0, %add3A_114, %dma_start3A_115] : memref<2x10240x64xbf16, #tpu.memory_space<hbm>> -> memref<1x128x64xbf16, #tpu.memory_space<hbm>>
      %dma_start3A_117 = tpu.memref_squeeze %dma_start3A_116 : memref<1x128x64xbf16, #tpu.memory_space<hbm>> -> memref<128x64xbf16, #tpu.memory_space<hbm>>
      %dma_start3A_118 = arith.constant 0 : i32
      %dma_start3A_119 = tpu.memref_slice %arg25[%add3A_112, %dma_start3A_118] : memref<10240x64xbf16, #tpu.memory_space<vmem_shared>> -> memref<128x64xbf16, #tpu.memory_space<vmem_shared>>
      tpu.enqueue_dma source(%dma_start3A_119 : memref<128x64xbf16, #tpu.memory_space<vmem_shared>>) target(%dma_start3A_117 : memref<128x64xbf16, #tpu.memory_space<hbm>>) target_semaphore(%run_scoped3A : memref<!tpu.dma_semaphore, #tpu.memory_space<semaphore_mem>>)
      %dma_wait3A_120 = arith.constant 0 : i32
      %dma_wait3A_121 = tpu.memref_slice %arg5[%arg0, %add3A_114, %dma_wait3A_120] : memref<2x10240x64xbf16, #tpu.memory_space<hbm>> -> memref<1x128x64xbf16, #tpu.memory_space<hbm>>
      %dma_wait3A_122 = tpu.memref_squeeze %dma_wait3A_121 : memref<1x128x64xbf16, #tpu.memory_space<hbm>> -> memref<128x64xbf16, #tpu.memory_space<hbm>>
      %dma_wait3A_123 = arith.constant 0 : i32
      %dma_wait3A_124 = tpu.memref_slice %arg25[%add3A_112, %dma_wait3A_123] : memref<10240x64xbf16, #tpu.memory_space<vmem_shared>> -> memref<128x64xbf16, #tpu.memory_space<vmem_shared>>
      tpu.wait_dma2 semaphore(%run_scoped3A : memref<!tpu.dma_semaphore, #tpu.memory_space<semaphore_mem>>) src(%dma_wait3A_124 : memref<128x64xbf16, #tpu.memory_space<vmem_shared>>) dst(%dma_wait3A_122 : memref<128x64xbf16, #tpu.memory_space<hbm>>)
      tpu.yield
    }) : () -> ()
    return
  }
}

module attributes {stable_mosaic.version = 14 : i64} {
  func.func @_prep_body(%arg0: i32, %arg1: memref<2x256x16xf32, #tpu.memory_space<vmem>>, %arg2: memref<256x128xf32, #tpu.memory_space<vmem>>, %arg3: memref<2x256x64xbf16, #tpu.memory_space<vmem>>, %arg4: memref<256x1xf32, #tpu.memory_space<vmem>>) attributes {dimension_semantics = [#tpu.dimension_semantics<arbitrary>], iteration_bounds = array<i64: 40>, scalar_prefetch = 0 : i64, scratch_operands = 0 : i64, tpu.core_type = #tpu.core_type<tc>, window_params = [{transform_indices = @transform_0, window_bounds = array<i64: 2, 256, 16>}, {transform_indices = @transform_1, window_bounds = array<i64: 256, 128>}, {transform_indices = @transform_2, window_bounds = array<i64: 2, 256, 64>}, {transform_indices = @transform_3, window_bounds = array<i64: 256, 1>}]} {
    %get3A = arith.constant 0 : index
    %get3A_0 = arith.constant 0 : index
    %get3A_1 = arith.constant 0 : index
    %get3A_2 = vector.load %arg1[%get3A, %get3A_0, %get3A_1] : memref<2x256x16xf32, #tpu.memory_space<vmem>>, vector<2x256x16xf32>
    %slice3A = vector.extract_strided_slice %get3A_2 {offsets = [0, 0, 0], sizes = [1, 256, 1], strides = [1, 1, 1]} : vector<2x256x16xf32> to vector<1x256x1xf32>
    %squeeze3A = vector.shape_cast %slice3A : vector<1x256x1xf32> to vector<256x1xf32>
    %add3A = arith.constant 1.000000e+00 : f32
    %add3A_3 = vector.broadcast %add3A : f32 to vector<256x1xf32>
    %add3A_4 = arith.addf %add3A_3, %squeeze3A : vector<256x1xf32>
    %slice3A_5 = vector.extract_strided_slice %get3A_2 {offsets = [1, 0, 0], sizes = [1, 256, 1], strides = [1, 1, 1]} : vector<2x256x16xf32> to vector<1x256x1xf32>
    %squeeze3A_6 = vector.shape_cast %slice3A_5 : vector<1x256x1xf32> to vector<256x1xf32>
    %add3A_7 = arith.addf %add3A_4, %squeeze3A_6 : vector<256x1xf32>
    %rsqrt3A = math.rsqrt %add3A_7 : vector<256x1xf32>
    %swap3A = arith.constant 0 : index
    %swap3A_8 = arith.constant 0 : index
    %swap3A_9 = vector.load %arg4[%swap3A, %swap3A_8] : memref<256x1xf32, #tpu.memory_space<vmem>>, vector<256x1xf32>
    tpu.vector_store %arg4[%swap3A, %swap3A_8], %rsqrt3A {strides = array<i32>} : memref<256x1xf32, #tpu.memory_space<vmem>>, vector<256x1xf32>,
    %get3A_10 = arith.constant 0 : index
    %get3A_11 = arith.constant 0 : index
    %get3A_12 = vector.load %arg2[%get3A_10, %get3A_11] : memref<256x128xf32, #tpu.memory_space<vmem>>, vector<256x128xf32>
    %mul3A = vector.broadcast %rsqrt3A : vector<256x1xf32> to vector<256x128xf32>
    %mul3A_13 = arith.mulf %get3A_12, %mul3A : vector<256x128xf32>
    %convert_element_type3A = arith.truncf %mul3A_13 : vector<256x128xf32> to vector<256x128xbf16>
    %slice3A_14 = vector.extract_strided_slice %convert_element_type3A {offsets = [0, 0], sizes = [256, 64], strides = [1, 1]} : vector<256x128xbf16> to vector<256x64xbf16>
    %swap3A_15 = arith.constant 0 : index
    %swap3A_16 = arith.constant 0 : index
    %swap3A_17 = arith.constant 0 : index
    %swap3A_18 = vector.load %arg3[%swap3A_15, %swap3A_16, %swap3A_17] : memref<2x256x64xbf16, #tpu.memory_space<vmem>>, vector<1x256x64xbf16>
    %swap3A_19 = vector.shape_cast %swap3A_18 : vector<1x256x64xbf16> to vector<256x64xbf16>
    %swap3A_20 = vector.shape_cast %slice3A_14 : vector<256x64xbf16> to vector<1x256x64xbf16>
    tpu.vector_store %arg3[%swap3A_15, %swap3A_16, %swap3A_17], %swap3A_20 {strides = array<i32>} : memref<2x256x64xbf16, #tpu.memory_space<vmem>>, vector<1x256x64xbf16>,
    %slice3A_21 = vector.extract_strided_slice %convert_element_type3A {offsets = [0, 64], sizes = [256, 64], strides = [1, 1]} : vector<256x128xbf16> to vector<256x64xbf16>
    %swap3A_22 = arith.constant 1 : index
    %swap3A_23 = arith.constant 0 : index
    %swap3A_24 = arith.constant 0 : index
    %swap3A_25 = vector.load %arg3[%swap3A_22, %swap3A_23, %swap3A_24] : memref<2x256x64xbf16, #tpu.memory_space<vmem>>, vector<1x256x64xbf16>
    %swap3A_26 = vector.shape_cast %swap3A_25 : vector<1x256x64xbf16> to vector<256x64xbf16>
    %swap3A_27 = vector.shape_cast %slice3A_21 : vector<256x64xbf16> to vector<1x256x64xbf16>
    tpu.vector_store %arg3[%swap3A_22, %swap3A_23, %swap3A_24], %swap3A_27 {strides = array<i32>} : memref<2x256x64xbf16, #tpu.memory_space<vmem>>, vector<1x256x64xbf16>,
    return
  }
  func.func @transform_0(%arg0: i32) -> (i32, i32, i32) {
    %c0_i32 = arith.constant 0 : i32
    %c0_i32_0 = arith.constant 0 : i32
    %c0_i32_1 = arith.constant 0 : i32
    return %c0_i32, %arg0, %c0_i32_0 : i32, i32, i32
  }
  func.func @transform_1(%arg0: i32) -> (i32, i32) {
    %c0_i32 = arith.constant 0 : i32
    %c0_i32_0 = arith.constant 0 : i32
    return %arg0, %c0_i32 : i32, i32
  }
  func.func @transform_2(%arg0: i32) -> (i32, i32, i32) {
    %c0_i32 = arith.constant 0 : i32
    %c0_i32_0 = arith.constant 0 : i32
    %c0_i32_1 = arith.constant 0 : i32
    return %c0_i32, %arg0, %c0_i32_0 : i32, i32, i32
  }
  func.func @transform_3(%arg0: i32) -> (i32, i32) {
    %c0_i32 = arith.constant 0 : i32
    %c0_i32_0 = arith.constant 0 : i32
    return %arg0, %c0_i32 : i32, i32
  }
}

module attributes {stable_mosaic.version = 14 : i64} {
  func.func @_mid_body(%arg0: i32, %arg1: memref<2x256x64xbf16, #tpu.memory_space<vmem>>, %arg2: memref<2x256x64xbf16, #tpu.memory_space<vmem>>, %arg3: memref<256x1xf32, #tpu.memory_space<vmem>>, %arg4: memref<128x256xf32, #tpu.memory_space<vmem>>, %arg5: memref<1x256xf32, #tpu.memory_space<vmem>>, %arg6: memref<256x128xf32, #tpu.memory_space<vmem>>, %arg7: memref<2x256x64xbf16, #tpu.memory_space<vmem>>) attributes {dimension_semantics = [#tpu.dimension_semantics<arbitrary>], iteration_bounds = array<i64: 40>, scalar_prefetch = 0 : i64, scratch_operands = 0 : i64, tpu.core_type = #tpu.core_type<tc>, window_params = [{transform_indices = @transform_0, window_bounds = array<i64: 2, 256, 64>}, {transform_indices = @transform_1, window_bounds = array<i64: 2, 256, 64>}, {transform_indices = @transform_2, window_bounds = array<i64: 256, 1>}, {pipeline_mode = #tpu.pipeline_mode<synchronous>, transform_indices = @transform_3, window_bounds = array<i64: 128, 256>}, {pipeline_mode = #tpu.pipeline_mode<synchronous>, transform_indices = @transform_4, window_bounds = array<i64: 1, 256>}, {pipeline_mode = #tpu.pipeline_mode<synchronous>, transform_indices = @transform_5, window_bounds = array<i64: 256, 128>}, {transform_indices = @transform_6, window_bounds = array<i64: 2, 256, 64>}]} {
    %get3A = arith.constant 0 : index
    %get3A_0 = arith.constant 0 : index
    %get3A_1 = vector.load %arg3[%get3A, %get3A_0] : memref<256x1xf32, #tpu.memory_space<vmem>>, vector<256x1xf32>
    %get3A_2 = arith.constant 0 : index
    %get3A_3 = arith.constant 0 : index
    %get3A_4 = arith.constant 0 : index
    %get3A_5 = vector.load %arg1[%get3A_2, %get3A_3, %get3A_4] : memref<2x256x64xbf16, #tpu.memory_space<vmem>>, vector<1x256x64xbf16>
    %get3A_6 = vector.shape_cast %get3A_5 : vector<1x256x64xbf16> to vector<256x64xbf16>
    %convert_element_type3A = arith.extf %get3A_6 : vector<256x64xbf16> to vector<256x64xf32>
    %get3A_7 = arith.constant 0 : index
    %get3A_8 = arith.constant 0 : index
    %get3A_9 = arith.constant 0 : index
    %get3A_10 = vector.load %arg2[%get3A_7, %get3A_8, %get3A_9] : memref<2x256x64xbf16, #tpu.memory_space<vmem>>, vector<1x256x64xbf16>
    %get3A_11 = vector.shape_cast %get3A_10 : vector<1x256x64xbf16> to vector<256x64xbf16>
    %convert_element_type3A_12 = arith.extf %get3A_11 : vector<256x64xbf16> to vector<256x64xf32>
    %add3A = arith.addf %convert_element_type3A, %convert_element_type3A_12 : vector<256x64xf32>
    %mul3A = vector.broadcast %get3A_1 : vector<256x1xf32> to vector<256x64xf32>
    %mul3A_13 = arith.mulf %add3A, %mul3A : vector<256x64xf32>
    %get3A_14 = arith.constant 1 : index
    %get3A_15 = arith.constant 0 : index
    %get3A_16 = arith.constant 0 : index
    %get3A_17 = vector.load %arg1[%get3A_14, %get3A_15, %get3A_16] : memref<2x256x64xbf16, #tpu.memory_space<vmem>>, vector<1x256x64xbf16>
    %get3A_18 = vector.shape_cast %get3A_17 : vector<1x256x64xbf16> to vector<256x64xbf16>
    %convert_element_type3A_19 = arith.extf %get3A_18 : vector<256x64xbf16> to vector<256x64xf32>
    %get3A_20 = arith.constant 1 : index
    %get3A_21 = arith.constant 0 : index
    %get3A_22 = arith.constant 0 : index
    %get3A_23 = vector.load %arg2[%get3A_20, %get3A_21, %get3A_22] : memref<2x256x64xbf16, #tpu.memory_space<vmem>>, vector<1x256x64xbf16>
    %get3A_24 = vector.shape_cast %get3A_23 : vector<1x256x64xbf16> to vector<256x64xbf16>
    %convert_element_type3A_25 = arith.extf %get3A_24 : vector<256x64xbf16> to vector<256x64xf32>
    %add3A_26 = arith.addf %convert_element_type3A_19, %convert_element_type3A_25 : vector<256x64xf32>
    %mul3A_27 = vector.broadcast %get3A_1 : vector<256x1xf32> to vector<256x64xf32>
    %mul3A_28 = arith.mulf %add3A_26, %mul3A_27 : vector<256x64xf32>
    %concatenate3A = tpu.concatenate %mul3A_13, %mul3A_28 in 1 : vector<256x64xf32>, vector<256x64xf32> -> vector<256x128xf32>
    %get3A_29 = arith.constant 0 : index
    %get3A_30 = arith.constant 0 : index
    %get3A_31 = vector.load %arg4[%get3A_29, %get3A_30] : memref<128x256xf32, #tpu.memory_space<vmem>>, vector<128x256xf32>
    %dot_general3A = arith.constant dense<0.000000e+00> : vector<256x256xf32>
    %dot_general3A_32 = tpu.matmul %concatenate3A, %get3A_31, %dot_general3A {dimension_numbers = #tpu.dot_dimension_numbers<[1], [0], [0], [1], [0, 0, 1, 1], [], []>, precision = #tpu.contract_precision<fp32>, transpose_lhs_hint = false} : vector<256x128xf32>, vector<128x256xf32>, vector<256x256xf32> -> vector<256x256xf32>
    %get3A_33 = arith.constant 0 : index
    %get3A_34 = arith.constant 0 : index
    %get3A_35 = vector.load %arg5[%get3A_33, %get3A_34] : memref<1x256xf32, #tpu.memory_space<vmem>>, vector<1x256xf32>
    %add3A_36 = vector.broadcast %get3A_35 : vector<1x256xf32> to vector<256x256xf32>
    %add3A_37 = arith.addf %dot_general3A_32, %add3A_36 : vector<256x256xf32>
    %max3A = arith.constant 0.000000e+00 : f32
    %max3A_38 = vector.broadcast %max3A : f32 to vector<256x256xf32>
    %max3A_39 = arith.maximumf %add3A_37, %max3A_38 : vector<256x256xf32>
    %get3A_40 = arith.constant 0 : index
    %get3A_41 = arith.constant 0 : index
    %get3A_42 = vector.load %arg6[%get3A_40, %get3A_41] : memref<256x128xf32, #tpu.memory_space<vmem>>, vector<256x128xf32>
    %dot_general3A_43 = arith.constant dense<0.000000e+00> : vector<256x128xf32>
    %dot_general3A_44 = tpu.matmul %max3A_39, %get3A_42, %dot_general3A_43 {dimension_numbers = #tpu.dot_dimension_numbers<[1], [0], [0], [1], [0, 0, 1, 1], [], []>, precision = #tpu.contract_precision<fp32>, transpose_lhs_hint = false} : vector<256x256xf32>, vector<256x128xf32>, vector<256x128xf32> -> vector<256x128xf32>
    %mul3A_45 = vector.broadcast %get3A_1 : vector<256x1xf32> to vector<256x128xf32>
    %mul3A_46 = arith.mulf %dot_general3A_44, %mul3A_45 : vector<256x128xf32>
    %convert_element_type3A_47 = arith.truncf %mul3A_46 : vector<256x128xf32> to vector<256x128xbf16>
    %slice3A = vector.extract_strided_slice %convert_element_type3A_47 {offsets = [0, 0], sizes = [256, 64], strides = [1, 1]} : vector<256x128xbf16> to vector<256x64xbf16>
    %swap3A = arith.constant 0 : index
    %swap3A_48 = arith.constant 0 : index
    %swap3A_49 = arith.constant 0 : index
    %swap3A_50 = vector.load %arg7[%swap3A, %swap3A_48, %swap3A_49] : memref<2x256x64xbf16, #tpu.memory_space<vmem>>, vector<1x256x64xbf16>
    %swap3A_51 = vector.shape_cast %swap3A_50 : vector<1x256x64xbf16> to vector<256x64xbf16>
    %swap3A_52 = vector.shape_cast %slice3A : vector<256x64xbf16> to vector<1x256x64xbf16>
    tpu.vector_store %arg7[%swap3A, %swap3A_48, %swap3A_49], %swap3A_52 {strides = array<i32>} : memref<2x256x64xbf16, #tpu.memory_space<vmem>>, vector<1x256x64xbf16>,
    %slice3A_53 = vector.extract_strided_slice %convert_element_type3A_47 {offsets = [0, 64], sizes = [256, 64], strides = [1, 1]} : vector<256x128xbf16> to vector<256x64xbf16>
    %swap3A_54 = arith.constant 1 : index
    %swap3A_55 = arith.constant 0 : index
    %swap3A_56 = arith.constant 0 : index
    %swap3A_57 = vector.load %arg7[%swap3A_54, %swap3A_55, %swap3A_56] : memref<2x256x64xbf16, #tpu.memory_space<vmem>>, vector<1x256x64xbf16>
    %swap3A_58 = vector.shape_cast %swap3A_57 : vector<1x256x64xbf16> to vector<256x64xbf16>
    %swap3A_59 = vector.shape_cast %slice3A_53 : vector<256x64xbf16> to vector<1x256x64xbf16>
    tpu.vector_store %arg7[%swap3A_54, %swap3A_55, %swap3A_56], %swap3A_59 {strides = array<i32>} : memref<2x256x64xbf16, #tpu.memory_space<vmem>>, vector<1x256x64xbf16>,
    return
  }
  func.func @transform_0(%arg0: i32) -> (i32, i32, i32) {
    %c0_i32 = arith.constant 0 : i32
    %c0_i32_0 = arith.constant 0 : i32
    %c0_i32_1 = arith.constant 0 : i32
    return %c0_i32, %arg0, %c0_i32_0 : i32, i32, i32
  }
  func.func @transform_1(%arg0: i32) -> (i32, i32, i32) {
    %c0_i32 = arith.constant 0 : i32
    %c0_i32_0 = arith.constant 0 : i32
    %c0_i32_1 = arith.constant 0 : i32
    return %c0_i32, %arg0, %c0_i32_0 : i32, i32, i32
  }
  func.func @transform_2(%arg0: i32) -> (i32, i32) {
    %c0_i32 = arith.constant 0 : i32
    %c0_i32_0 = arith.constant 0 : i32
    return %arg0, %c0_i32 : i32, i32
  }
  func.func @transform_3(%arg0: i32) -> (i32, i32) {
    %c0_i32 = arith.constant 0 : i32
    %c0_i32_0 = arith.constant 0 : i32
    %c0_i32_1 = arith.constant 0 : i32
    return %c0_i32, %c0_i32_0 : i32, i32
  }
  func.func @transform_4(%arg0: i32) -> (i32, i32) {
    %c0_i32 = arith.constant 0 : i32
    %c0_i32_0 = arith.constant 0 : i32
    %c0_i32_1 = arith.constant 0 : i32
    return %c0_i32, %c0_i32_0 : i32, i32
  }
  func.func @transform_5(%arg0: i32) -> (i32, i32) {
    %c0_i32 = arith.constant 0 : i32
    %c0_i32_0 = arith.constant 0 : i32
    %c0_i32_1 = arith.constant 0 : i32
    return %c0_i32, %c0_i32_0 : i32, i32
  }
  func.func @transform_6(%arg0: i32) -> (i32, i32, i32) {
    %c0_i32 = arith.constant 0 : i32
    %c0_i32_0 = arith.constant 0 : i32
    %c0_i32_1 = arith.constant 0 : i32
    return %c0_i32, %arg0, %c0_i32_0 : i32, i32, i32
  }
}

module attributes {stable_mosaic.version = 14 : i64} {
  func.func @_final_body(%arg0: i32, %arg1: memref<2x256x64xbf16, #tpu.memory_space<vmem>>, %arg2: memref<2x256x64xbf16, #tpu.memory_space<vmem>>, %arg3: memref<256x1xf32, #tpu.memory_space<vmem>>, %arg4: memref<1x128xf32, #tpu.memory_space<vmem>>, %arg5: memref<256x128xf32, #tpu.memory_space<vmem>>) attributes {dimension_semantics = [#tpu.dimension_semantics<arbitrary>], iteration_bounds = array<i64: 40>, scalar_prefetch = 0 : i64, scratch_operands = 0 : i64, tpu.core_type = #tpu.core_type<tc>, window_params = [{transform_indices = @transform_0, window_bounds = array<i64: 2, 256, 64>}, {transform_indices = @transform_1, window_bounds = array<i64: 2, 256, 64>}, {transform_indices = @transform_2, window_bounds = array<i64: 256, 1>}, {pipeline_mode = #tpu.pipeline_mode<synchronous>, transform_indices = @transform_3, window_bounds = array<i64: 1, 128>}, {transform_indices = @transform_4, window_bounds = array<i64: 256, 128>}]} {
    %get3A = arith.constant 0 : index
    %get3A_0 = arith.constant 0 : index
    %get3A_1 = vector.load %arg3[%get3A, %get3A_0] : memref<256x1xf32, #tpu.memory_space<vmem>>, vector<256x1xf32>
    %get3A_2 = arith.constant 0 : index
    %get3A_3 = arith.constant 0 : index
    %get3A_4 = arith.constant 0 : index
    %get3A_5 = vector.load %arg1[%get3A_2, %get3A_3, %get3A_4] : memref<2x256x64xbf16, #tpu.memory_space<vmem>>, vector<1x256x64xbf16>
    %get3A_6 = vector.shape_cast %get3A_5 : vector<1x256x64xbf16> to vector<256x64xbf16>
    %convert_element_type3A = arith.extf %get3A_6 : vector<256x64xbf16> to vector<256x64xf32>
    %get3A_7 = arith.constant 0 : index
    %get3A_8 = arith.constant 0 : index
    %get3A_9 = arith.constant 0 : index
    %get3A_10 = vector.load %arg2[%get3A_7, %get3A_8, %get3A_9] : memref<2x256x64xbf16, #tpu.memory_space<vmem>>, vector<1x256x64xbf16>
    %get3A_11 = vector.shape_cast %get3A_10 : vector<1x256x64xbf16> to vector<256x64xbf16>
    %convert_element_type3A_12 = arith.extf %get3A_11 : vector<256x64xbf16> to vector<256x64xf32>
    %add3A = arith.addf %convert_element_type3A, %convert_element_type3A_12 : vector<256x64xf32>
    %mul3A = vector.broadcast %get3A_1 : vector<256x1xf32> to vector<256x64xf32>
    %mul3A_13 = arith.mulf %add3A, %mul3A : vector<256x64xf32>
    %get3A_14 = arith.constant 1 : index
    %get3A_15 = arith.constant 0 : index
    %get3A_16 = arith.constant 0 : index
    %get3A_17 = vector.load %arg1[%get3A_14, %get3A_15, %get3A_16] : memref<2x256x64xbf16, #tpu.memory_space<vmem>>, vector<1x256x64xbf16>
    %get3A_18 = vector.shape_cast %get3A_17 : vector<1x256x64xbf16> to vector<256x64xbf16>
    %convert_element_type3A_19 = arith.extf %get3A_18 : vector<256x64xbf16> to vector<256x64xf32>
    %get3A_20 = arith.constant 1 : index
    %get3A_21 = arith.constant 0 : index
    %get3A_22 = arith.constant 0 : index
    %get3A_23 = vector.load %arg2[%get3A_20, %get3A_21, %get3A_22] : memref<2x256x64xbf16, #tpu.memory_space<vmem>>, vector<1x256x64xbf16>
    %get3A_24 = vector.shape_cast %get3A_23 : vector<1x256x64xbf16> to vector<256x64xbf16>
    %convert_element_type3A_25 = arith.extf %get3A_24 : vector<256x64xbf16> to vector<256x64xf32>
    %add3A_26 = arith.addf %convert_element_type3A_19, %convert_element_type3A_25 : vector<256x64xf32>
    %mul3A_27 = vector.broadcast %get3A_1 : vector<256x1xf32> to vector<256x64xf32>
    %mul3A_28 = arith.mulf %add3A_26, %mul3A_27 : vector<256x64xf32>
    %concatenate3A = tpu.concatenate %mul3A_13, %mul3A_28 in 1 : vector<256x64xf32>, vector<256x64xf32> -> vector<256x128xf32>
    %get3A_29 = arith.constant 0 : index
    %get3A_30 = arith.constant 0 : index
    %get3A_31 = vector.load %arg4[%get3A_29, %get3A_30] : memref<1x128xf32, #tpu.memory_space<vmem>>, vector<1x128xf32>
    %add3A_32 = vector.broadcast %get3A_31 : vector<1x128xf32> to vector<256x128xf32>
    %add3A_33 = arith.addf %concatenate3A, %add3A_32 : vector<256x128xf32>
    %max3A = arith.constant 0.000000e+00 : f32
    %max3A_34 = vector.broadcast %max3A : f32 to vector<256x128xf32>
    %max3A_35 = arith.maximumf %add3A_33, %max3A_34 : vector<256x128xf32>
    %swap3A = arith.constant 0 : index
    %swap3A_36 = arith.constant 0 : index
    %swap3A_37 = vector.load %arg5[%swap3A, %swap3A_36] : memref<256x128xf32, #tpu.memory_space<vmem>>, vector<256x128xf32>
    tpu.vector_store %arg5[%swap3A, %swap3A_36], %max3A_35 {strides = array<i32>} : memref<256x128xf32, #tpu.memory_space<vmem>>, vector<256x128xf32>,
    return
  }
  func.func @transform_0(%arg0: i32) -> (i32, i32, i32) {
    %c0_i32 = arith.constant 0 : i32
    %c0_i32_0 = arith.constant 0 : i32
    %c0_i32_1 = arith.constant 0 : i32
    return %c0_i32, %arg0, %c0_i32_0 : i32, i32, i32
  }
  func.func @transform_1(%arg0: i32) -> (i32, i32, i32) {
    %c0_i32 = arith.constant 0 : i32
    %c0_i32_0 = arith.constant 0 : i32
    %c0_i32_1 = arith.constant 0 : i32
    return %c0_i32, %arg0, %c0_i32_0 : i32, i32, i32
  }
  func.func @transform_2(%arg0: i32) -> (i32, i32) {
    %c0_i32 = arith.constant 0 : i32
    %c0_i32_0 = arith.constant 0 : i32
    return %arg0, %c0_i32 : i32, i32
  }
  func.func @transform_3(%arg0: i32) -> (i32, i32) {
    %c0_i32 = arith.constant 0 : i32
    %c0_i32_0 = arith.constant 0 : i32
    %c0_i32_1 = arith.constant 0 : i32
    return %c0_i32, %c0_i32_0 : i32, i32
  }
  func.func @transform_4(%arg0: i32) -> (i32, i32) {
    %c0_i32 = arith.constant 0 : i32
    %c0_i32_0 = arith.constant 0 : i32
    return %arg0, %c0_i32 : i32, i32
  }
}

</mosaic_0001>

<sc_bundles>
// kernel: kernel.11.cloned.1.call-start
scs
__scs_entry_jumppad:
0x0: {  	(pc) =	sbr.rel $0x88, $3  }
0x1: {  	(tag) =	ssettag $0x0;
	lr =	simm.s32 $0x1  }
0x2: {  	[smem:$0x3F9B] =	sst lr;
	_ =	strace $0xD0000000  }
0x3: {  	_ = 	snop  }
0x4: {  	_ = 	snop  }
0x5: {  	_ = 	snop  }
0x6: {  	_ = 	snop  }
0x7: {  	_ = 	snop  }
__scs_overlays_trampoline_lowered:
0x8: {  	[smem:$0x3FAA] =	sst s0  }
0x9: {  	[smem:$0x3FAB] =	sst s1  }
0xa: {  	[smem:$0x3FAC] =	sst s2  }
0xb: {  	[smem:$0x3FAD] =	sst s3  }
0xc: {  	[smem:$0x3FAE] =	sst s4  }
0xd: {  	[smem:$0x3FAF] =	sst s5  }
0xe: {  	[smem:$0x3FB0] =	sst s6  }
0xf: {  	[smem:$0x3FB1] =	sst s7  }
0x10: {  	[smem:$0x3FB2] =	sst s8  }
0x11: {  	[smem:$0x3FB3] =	sst s9;
	s0 =	simm.s32 @!p0 $0x0  }
0x12: {  	s1 =	sld [smem:$0x3F99];
	s0 =	simm.s32 @p0 $0x1  }
0x13: {  	[smem:$0x3FB4] =	sst s0;
	s0 =	simm.s32 @!p1 $0x0  }
0x14: {  	s2 =	sld [smem:$0x3F98];
	s0 =	simm.s32 @p1 $0x1  }
0x15: {  	[smem:$0x3FB5] =	sst s0;
	s0 =	simm.s32 @!p2 $0x0  }
0x16: {  	s3 =	sld [smem:$0x3FDB];
	s0 =	simm.s32 @p2 $0x1  }
0x17: {  	s4 =	simm.s32 $0x1BF5;
	[smem:$0x3FB7] =	sst s0  }
0x18: {  	s0 =	sld [smem:$0x3F9A];
	_ =	swait.ge [sflag:s4], $0x0  }
0x19: {  	s7 =	sld [smem:$0x3F9B]  }
0x1a: {  	s8 =	sadd.s32 $0xFFFFE003, lr  }
0x1b: {  	s9 =	sadd.s32 $0xFFFFFEF7, lr;
	s5 =	simm.s32 $0xFFFFFFFF;
	p2 =	slt.u32 s8, $0xFFFFF086  }
0x1c: {  	p1 =	slt.u32 s9, $0xF7A;
	s5 =	simm.s32 @!p2 $0x0  }
0x1d: {  	s5 =	simm.s32 @p1 $0x1;
	p0 =	seq.s32 s7, s2  }
0x1e: {  	s7 =	smul.u32 @!p0 $0xF7A, s2;
	p2 =	seq.s32 @!p0 s5, $0x0  }
0x1f: {  	s9 =	smul.u32 $0xF7A, s1;
	s8 =	simm.s32 @!p0 $0x1BF5;
	p2 =	por !p2, p0  }
0x20: {  	[sflag:s8] =	ssyncset.s32 @!p0 $0xFFFFF086;
	s6 =	sadd.s32 @!p0 s3, s7;
	s7 =	simm.s32 @!p0 $0x108  }
0x21: {  	s3 =	sadd.s32 s3, s9;
	s6 =	sadd.s32 @!p0 $0x88, s6;
	s7 =	simm.s32 @p2 $0x1082  }
0x22: {  	[simem:s7], [sflag:s8] =	dma.local @!p0 [hbm:s6], $0xF7A  }
0x23: {  	s9 =	sor.u32 $0xD0000000, s2;
	s6 =	simm.s32 $0x108;
	_ =	swait.ge @!p0 [sflag:s8], $0x0  }
0x24: {  	s3 =	sadd.s32 $0x88, s3;
	s6 =	simm.s32 @!p1 $0x1082;
	[sflag:s4] =	ssyncset.s32 $0xFFFFF086  }
0x25: {  	[simem:s6], [sflag:s4] =	dma.local [hbm:s3], $0xF7A  }
0x26: {  	[smem:$0x3F9B] =	sst s1;
	(tag) =	ssettag s2;
	_ =	strace s9  }
0x27: {  	s1 =	sld [smem:$0x3FAB]  }
0x28: {  	s2 =	sld [smem:$0x3FAC]  }
0x29: {  	s4 =	sld [smem:$0x3FAE]  }
0x2a: {  	p0 =	seq.s32 s5, $0x0;
	s5 =	sld [smem:$0x3FAF]  }
0x2b: {  	s6 =	sld [smem:$0x3FB0]  }
0x2c: {  	s7 =	sld [smem:$0x3FB1]  }
0x2d: {  	s3 =	simm.s32 $0x108;
	s8 =	sld [smem:$0x3FB2]  }
0x2e: {  	s3 =	simm.s32 @!p0 $0x1082;
	s9 =	sld [smem:$0x3FB3]  }
0x2f: {  	lr =	sadd.s32 s0, s3;
	s0 =	sld [smem:$0x3FAA]  }
0x30: {  	s3 =	sld [smem:$0x3FAD]  }
0x31: {  	[smem:$0x3FB6] =	sst s10  }
0x32: {  	s10 =	sld [smem:$0x3FB4];
	_ =	sdelay $0x3  }
0x33: {  	p0 =	seq.s32 s10, $0x1;
	s10 =	sld [smem:$0x3FB6];
	_ =	sdelay $0x3  }
0x34: {  	[smem:$0x3FB6] =	sst s10  }
0x35: {  	s10 =	sld [smem:$0x3FB5];
	_ =	sdelay $0x3  }
0x36: {  	p1 =	seq.s32 s10, $0x1;
	s10 =	sld [smem:$0x3FB6];
	_ =	sdelay $0x3  }
0x37: {  	[smem:$0x3FB6] =	sst s10  }
0x38: {  	s10 =	sld [smem:$0x3FB7]  }
0x39: {  	_ = 	snop;
	(pc) =	sbr.ind lr, $3  }
0x3a: {  	_ = 	snop  }
0x3b: {  	_ = 	snop  }
0x3c: {  	p2 =	seq.s32 s10, $0x1;
	s10 =	sld [smem:$0x3FB6]  }
0x3d: {  	_ =	shalt  }
0x3e: {  	_ =	shalt  }
0x3f: {  	_ =	shalt  }
0x40: {  	_ =	shalt  }
0x41: {  	_ =	shalt  }
0x42: {  	_ =	shalt  }
0x43: {  	_ =	shalt  }
0x44: {  	_ =	shalt  }
0x45: {  	_ =	shalt  }
0x46: {  	_ =	shalt  }
0x47: {  	_ =	shalt  }
0x48: {  	_ =	shalt  }
0x49: {  	_ =	shalt  }
0x4a: {  	_ =	shalt  }
0x4b: {  	_ =	shalt  }
0x4c: {  	_ =	shalt  }
0x4d: {  	_ =	shalt  }
0x4e: {  	_ =	shalt  }
0x4f: {  	_ =	shalt  }
0x50: {  	_ =	shalt  }
0x51: {  	_ =	shalt  }
0x52: {  	_ =	shalt  }
0x53: {  	_ =	shalt  }
0x54: {  	_ =	shalt  }
0x55: {  	_ =	shalt  }
0x56: {  	_ =	shalt  }
0x57: {  	_ =	shalt  }
0x58: {  	_ =	shalt  }
0x59: {  	_ =	shalt  }
0x5a: {  	_ =	shalt  }
0x5b: {  	_ =	shalt  }
0x5c: {  	_ =	shalt  }
0x5d: {  	_ =	shalt  }
0x5e: {  	_ =	shalt  }
0x5f: {  	_ =	shalt  }
0x60: {  	_ =	shalt  }
0x61: {  	_ =	shalt  }
0x62: {  	_ =	shalt  }
0x63: {  	_ =	shalt  }
0x64: {  	_ =	shalt  }
0x65: {  	_ =	shalt  }
0x66: {  	_ =	shalt  }
0x67: {  	_ =	shalt  }
0x68: {  	_ =	shalt  }
0x69: {  	_ =	shalt  }
0x6a: {  	_ =	shalt  }
0x6b: {  	_ =	shalt  }
0x6c: {  	_ =	shalt  }
0x6d: {  	_ =	shalt  }
0x6e: {  	_ =	shalt  }
0x6f: {  	_ =	shalt  }
0x70: {  	_ =	shalt  }
0x71: {  	_ =	shalt  }
0x72: {  	_ =	shalt  }
0x73: {  	_ =	shalt  }
0x74: {  	_ =	shalt  }
0x75: {  	_ =	shalt  }
0x76: {  	_ =	shalt  }
0x77: {  	_ =	shalt  }
0x78: {  	_ =	shalt  }
0x79: {  	_ =	shalt  }
0x7a: {  	_ =	shalt  }
0x7b: {  	_ =	shalt  }
0x7c: {  	_ =	shalt  }
0x7d: {  	_ =	shalt  }
0x7e: {  	_ =	shalt  }
0x7f: {  	_ =	shalt  }
0x80: {  	_ =	shalt  }
0x81: {  	_ =	shalt  }
0x82: {  	_ =	shalt  }
0x83: {  	_ =	shalt  }
0x84: {  	_ =	shalt  }
0x85: {  	_ =	shalt  }
0x86: {  	_ =	shalt  }
0x87: {  	_ =	shalt  }
.Lfunc_end0:
.L_simem_size_0:
called_computation.1_lowered:
.L_overlay_start_0:
0x88: {  	s2 =	sld [smem:$0x3FD9]  }
0x89: {  	s3 =	sld [smem:$0x3FFE];
	_ =	sdelay $0x1  }
0x8a: {  	s1 =	srdreg.scid  }
0x8b: {  	s0 =	sand.u32 $0x1, s1  }
0x8c: {  	s17 =	sshll.u32 s0, $0xA;
	s2 =	sadd.s32 s3, s2  }
0x8d: {  	s2 =	sadd.s32 s2, s17  }
0x8e: {  	[smem:$0x3FC2] =	sst s2  }
0x8f: {  	_ = 	snop  }
0x90: {  	s2 =	sld [smem:$0x3FD0];
	(tm) =	ssettm $0x1  }
0x91: {  	s18 =	sld [smem:$0x3FFB];
	_ =	sdelay $0x3  }
0x92: {  	_ =	strace s18  }
0x93: {  	s3 =	sld [smem:$0x3FFC];
	_ =	sdelay $0x3  }
0x94: {  	_ =	strace s3  }
0x95: {  	s3 =	sld [smem:$0x3FFD];
	_ =	sdelay $0x3  }
0x96: {  	_ =	strace s3  }
0x97: {  	_ =	strace $0x8FFFFFFF  }
0x98: {  	s19 =	sld [smem:$0x3FDB];
	_ =	sdelay $0x1  }
0x99: {  	s4 =	simm.s32 $_scs_section_size  }
0x9a: {  	s5 =	simm.s32 $_size__tile_overlayer_lowered;
	s6 =	simm.s32 $_tile_overlayer_lowered  }
0x9b: {  	s22 =	simm.s32 $0x1BFF;
	s21 =	sshll.u32 s6, $0x1;
	s3 =	sadd.s32 s4, s19  }
0x9c: {  	s7 =	simm.s32 $0x0;
	s20 =	sshll.u32 s5, $0x1;
	s5 =	sadd.s32 s21, s3  }
0x9d: {  	[timem:s7], [sflag:s22] =	dma.local [hbm:s5], s20  }
0x9e: {  	_ =	swait.ge [sflag:s22], s20  }
0x9f: {  	s4 =	ssub.s32 $0x0, s20;
	[sflag:s22] =	ssyncset.done $0x0  }
0xa0: {  	[sflag:s22] =	ssyncadd.s32 s4;
	_ =	sdelay $0x1  }
0xa1: {  	s23 =	simm.s32 $0x1B8B  }
0xa2: {  	_ =	swait.ge [sflag:s23], $0x1  }
0xa3: {  	[sflag:s23] =	ssyncset.done $0x0  }
0xa4: {  	s25 =	simm.s32 $0x1B8E;
	s24 =	sld [smem:$0x3FFE];
	[sflag:s23] =	ssyncadd.s32 $0xFFFFFFFF  }
0xa5: {  	s26 =	simm.s32 $execute0_lowered;
	[smem:$0x3FD2] =	sst s25  }
0xa6: {  	s5 =	sshll.u32 s26, $0x1;
	_ =	strace $0x80000049;
	[dreg:$0x1] =	wrdreg $0xFFFFFFFF  }
0xa7: {  	s28 =	simm.s32 $_size_execute0_lowered;
	s3 =	sadd.s32 s3, s5;
	[dreg:$0x0] =	wrdreg $0x0  }
0xa8: {  	s5 =	sshll.u32 s28, $0x1;
	[dreg:$0x2] =	wrdreg s3  }
0xa9: {  	[dreg:$0x3] =	wrdreg s5  }
0xaa: {  	[dreg:$0x4] =	wrdreg $0xC0  }
0xab: {  	_ =	task [dreg:s7], $0x5FFFF  }
0xac: {  	[dreg:$0x1] =	wrdreg $0xFFFFFFFF  }
0xad: {  	[dreg:$0x0] =	wrdreg $0x60  }
0xae: {  	[dreg:$0x2] =	wrdreg s2  }
0xaf: {  	[dreg:$0x3] =	wrdreg s24  }
0xb0: {  	[dreg:$0x4] =	wrdreg $0x48000  }
0xb1: {  	[dreg:$0x5] =	wrdreg $0x98000  }
0xb2: {  	[dreg:$0x6] =	wrdreg $0x9  }
0xb3: {  	_ =	task.clear_ibuf [dreg:s7], $0x7FFFF;
	_ =	strace $0x90000049  }
0xb4: {  	s29 =	simm.s32 $0x9;
	_ =	strace $0x8000004B  }
0xb5: {  	_ =	swait.ge [sflag:s29], $0x1  }
0xb6: {  	[sflag:s29] =	ssyncadd.s32 $0xFFFFFFFF  }
0xb7: {  	_ =	strace $0x9000004B  }
0xb8: {  	_ =	sfence  }
0xb9: {  	s30 =	sld [smem:$0x0];
	_ =	sdelay $0x2  }
0xba: {  	s31 =	sshll.u32 s1, $0xD;
	s1 =	sshrl.u32 s1, $0x2  }
0xbb: {  	s3 =	sand.u32 $0x4000, s31;
	s1 =	sadd.s32 s1, s30  }
0xbc: {  	s0 =	sor.u32 s3, s0;
	s1 =	sshll.u32 s1, $0x11  }
0xbd: {  	s0 =	sor.u32 s1, s0  }
0xbe: {  	s0 =	sadd.s32 $0x8F2B, s0  }
0xbf: {  	[sflag:s0] =	ssyncadd.remote.s32 $0x1  }
0xc0: {  	_ =	sfence.sel $0xFFFF  }
0xc1: {  	[dreg:$0x0] =	wrdreg $0xFFFFFFFF;
	(pc) =	sbr.abs _section_cstart, $3  }
0xc2: {  	[dreg:$0x1] =	wrdreg $0xFFFFFFFF  }
0xc3: {  	_ =	task.clear_ibuf [dreg:s7], $0x2FFFF;
	_ =	strace $0x9FFFFFFF  }
0xc4: {  	(tm) =	ssettm $0x7FFFFFFF  }
0xc5: {  	_ =	shalt  }
tec
execute0_lowered:
.L_overlay_start_1:
0x0: {  	(tag) =	ssettag $0x1  }
0x1: {  	s0 =	rddreg [dreg:$0x0]  }
0x2: {  	s3 =	rddreg [dreg:$0x1]  }
0x3: {  	s1 =	rddreg [dreg:$0x2]  }
0x4: {  	s2 =	rddreg [dreg:$0x3]  }
0x5: {  	s4 =	simm.s32 $0x0;
	s5 =	srdreg.scid;
	s16 =	stileid.u32  }
0x6: {  	s28 =	simm.s32 $0x600;
	s30 =	simm.s32 $0x800;
	s31 =	simm.s32 $0x9  }
0x7: {  	s29 =	simm.s32 $0x780;
	[smem:$0x7FF] =	sst s4;
	s5 =	sand.u32 $0x1, s5  }
0x8: {  	s6 =	sadd.s32 $0xB600, s3;
	s8 =	smul.u32 $0x5000, s16;
	s9 =	sadd.s32 $0x1600, s3  }
0x9: {  	s3 =	sadd.s32 $0x15600, s3;
	s17 =	smul.u32 $0xA000, s16;
	s13 =	sshll.u32 s16, $0x6  }
0xa: {  	_ =	strace $0x8000004A;
	s7 =	ssub.s32 $0x2, s5;
	s5 =	smul.u32 $0xA0000, s5  }
0xb: {  	s18 =	sor.u32 $0x1C0B, s13;
	s13 =	simm.s32 $0x2;
	s10 =	sshrl.u32 s7, $0x1  }
0xc: {  	s8 =	sshrl.u32 s8, $0x3;
	s21 =	sshrl.u32 s17, $0x1;
	s14 =	sadd.s32 $0x2000, s17  }
0xd: {  	s24 =	sadd.s32 $0x4000, s17;
	s26 =	sadd.s32 $0x6000, s17;
	[dreg:$0xa] =	wrdreg s18  }
0xe: {  	s7 =	ssub.s32 s7, s10;
	s11 =	sadd.s32 s6, s8;
	s19 =	sor.u32 $0x40, s8  }
0xf: {  	s8 =	sadd.s32 s9, s8;
	s22 =	sadd.s32 s17, s5;
	s12 =	sadd.s32 s21, s1  }
0x10: {  	s23 =	sshrl.u32 s14, $0x1;
	s25 =	sshrl.u32 s24, $0x1;
	s14 =	sadd.s32 s5, s14  }
0x11: {  	s15 =	sshrl.u32 s26, $0x1;
	s10 =	sadd.s32 $0x8000, s17;
	[dreg:$0x5] =	wrdreg s11  }
0x12: {  	s17 =	sadd.s32 s5, s26;
	[dreg:$0x6] =	wrdreg s8;
	s20 =	sadd.s32 s6, s19  }
0x13: {  	s11 =	sadd.s32 s9, s19;
	s8 =	sadd.s32 s21, s2;
	s14 =	sshrl.u32 s14, $0x4  }
0x14: {  	s19 =	sshrl.u32 s17, $0x4;
	s21 =	smul.u32 $0xA00, s16;
	s26 =	sshrl.u32 s12, $0x3  }
0x15: {  	s17 =	simm.s32 $0x4;
	s12 =	simm.s32 $0x6;
	[dreg:$0x7] =	wrdreg s20  }
0x16: {  	s16 =	simm.s32 $0x0;
	[dreg:$0x8] =	wrdreg s11;
	s11 =	sshrl.u32 s22, $0x4  }
0x17: {  	[dreg:$0xb] =	wrdreg s8;
	s14 =	sadd.s32 s3, s14;
	s22 =	sadd.s32 s25, s2  }
0x18: {  	s25 =	smax.u32 s7, $0x1;
	[dreg:$0x16] =	wrdreg s26;
	s26 =	simm.s32 $0x200  }
0x19: {  	s8 =	simm.s32 $0x3800;
	s7 =	simm.s32 $0x700;
	[dreg:$0xe] =	wrdreg s14  }
0x1a: {  	s0 =	sadd.s32 s0, s11;
	s11 =	sadd.s32 s3, s11;
	[dreg:$0x12] =	wrdreg s22  }
0x1b: {  	[dreg:$0x15] =	wrdreg s25;
	s22 =	sadd.s32 s21, s9;
	s9 =	simm.s32 $0x1  }
0x1c: {  	s25 =	simm.s32 $0xA;
	[dreg:$0x9] =	wrdreg s0;
	s0 =	sadd.s32 s23, s2  }
0x1d: {  	[dreg:$0xd] =	wrdreg s11;
	s23 =	sadd.s32 s15, s2;
	s15 =	simm.s32 $0x3  }
0x1e: {  	s11 =	simm.s32 $0x5;
	[dreg:$0xc] =	wrdreg s0;
	s0 =	sadd.s32 s5, s24  }
0x1f: {  	s5 =	sadd.s32 s5, s10;
	[dreg:$0x13] =	wrdreg s23;
	s24 =	sshrl.u32 s10, $0x1  }
0x20: {  	s23 =	sadd.s32 s21, s6;
	s21 =	simm.s32 $0xB;
	s6 =	simm.s32 $0x2800  }
0x21: {  	s10 =	simm.s32 $0x8;
	s0 =	sshrl.u32 s0, $0x4;
	s5 =	sshrl.u32 s5, $0x4  }
.Ltmp0:
0x22: {  	s0 =	sadd.s32 s3, s0;
	s20 =	sadd.s32 s3, s5;
	(pc) =	sbr.rel .LBB2_1-.Ltmp0, $4  }
0x23: {  	s5 =	simm.s32 $0x680;
	[dreg:$0xf] =	wrdreg s0;
	s0 =	sadd.s32 s3, s19  }
0x24: {  	[dreg:$0x11] =	wrdreg s20;
	s3 =	sadd.s32 s24, s2;
	s19 =	simm.s32 $0x7  }
0x25: {  	s20 =	simm.s32 $0x300;
	s24 =	simm.s32 $0x380;
	[dreg:$0x10] =	wrdreg s0  }
0x26: {  	v0 =	vimm.bf16 $0.0e+00;
	[dreg:$0x14] =	wrdreg s3;
	s0 =	simm.s32 $0x80;
	s3 =	simm.s32 $0x1800  }
.LBB2_6:
0x27: {  	_ =	swait.ge [sflag:s11], $0x1000  }
0x28: {  	[sflag:s11] =	ssyncset.done $0x0  }
0x29: {  	[sflag:s11] =	ssyncadd.s32 $0xFFFFF000  }
0x2a: {  	_ =	swait.ge [sflag:s12], $0x1000  }
0x2b: {  	[sflag:s12] =	ssyncset.done $0x0  }
0x2c: {  	[sflag:s12] =	ssyncadd.s32 $0xFFFFF000  }
0x2d: {  	_ =	swait.ge [sflag:s19], $0x1000  }
0x2e: {  	[sflag:s19] =	ssyncset.done $0x0  }
0x2f: {  	[sflag:s19] =	ssyncadd.s32 $0xFFFFF000  }
0x30: {  	_ =	swait.ge [sflag:s10], $0x1000  }
0x31: {  	[sflag:s10] =	ssyncset.done $0x0  }
0x32: {  	[sflag:s10] =	ssyncadd.s32 $0xFFFFF000  }
0x33: {  	[bflag:$0x0] =	sbarrier.arrive $0xFFFF  }
0x34: {  	s14 =	rddreg [dreg:$0xb]  }
0x35: {  	s18 =	rddreg [dreg:$0xa]  }
0x36: {  	s21 =	simm.s32 $0xB;
	s16 =	rddreg [dreg:$0xd];
	s14 =	sshrl.u32 s14, $0x3  }
0x37: {  	[hbm:s16], [sflag:s18] =	dma.local [spmem:s14], $0x200  }
0x38: {  	_ =	swait.ge [sflag:s21], $0x200  }
0x39: {  	[sflag:s21] =	ssyncset.done $0x0;
	s16 =	rddreg [dreg:$0xc]  }
0x3a: {  	[sflag:s21] =	ssyncadd.s32 $0xFFFFFE00;
	s14 =	sshrl.u32 s16, $0x3;
	s16 =	rddreg [dreg:$0xe]  }
0x3b: {  	[hbm:s16], [sflag:s18] =	dma.local [spmem:s14], $0x200  }
0x3c: {  	_ =	swait.ge [sflag:s21], $0x200  }
0x3d: {  	[sflag:s21] =	ssyncset.done $0x0;
	s16 =	rddreg [dreg:$0x12]  }
0x3e: {  	[sflag:s21] =	ssyncadd.s32 $0xFFFFFE00;
	s14 =	sshrl.u32 s16, $0x3;
	s16 =	rddreg [dreg:$0xf]  }
0x3f: {  	[hbm:s16], [sflag:s18] =	dma.local [spmem:s14], $0x200  }
0x40: {  	_ =	swait.ge [sflag:s21], $0x200  }
0x41: {  	[sflag:s21] =	ssyncset.done $0x0;
	s16 =	rddreg [dreg:$0x13]  }
0x42: {  	[sflag:s21] =	ssyncadd.s32 $0xFFFFFE00;
	s14 =	sshrl.u32 s16, $0x3;
	s16 =	rddreg [dreg:$0x10]  }
0x43: {  	[hbm:s16], [sflag:s18] =	dma.local [spmem:s14], $0x200  }
0x44: {  	_ =	swait.ge [sflag:s21], $0x200  }
0x45: {  	[sflag:s21] =	ssyncset.done $0x0;
	s16 =	rddreg [dreg:$0x14]  }
0x46: {  	[sflag:s21] =	ssyncadd.s32 $0xFFFFFE00;
	s14 =	sshrl.u32 s16, $0x3;
	s16 =	rddreg [dreg:$0x11]  }
0x47: {  	[hbm:s16], [sflag:s18] =	dma.local [spmem:s14], $0x200  }
0x48: {  	_ =	swait.ge [sflag:s21], $0x200  }
0x49: {  	s14 =	rddreg [dreg:$0x17]  }
0x4a: {  	s16 =	sadd.s32 $0x1, s14;
	s14 =	rddreg [dreg:$0x15]  }
0x4b: {  	p0 =	sne.s32 s16, s14  }
.Ltmp1:
0x4c: {  	_ = 	snop;
	(pc) =	sbr.rel @!p0 .LBB2_7-.Ltmp1, $3  }
0x4d: {  	_ =	sdelay $0x1  }
0x4e: {  	[sflag:s21] =	ssyncset.done $0x0  }
0x4f: {  	[sflag:s21] =	ssyncadd.s32 $0xFFFFFE00  }
.LBB2_1:
0x50: {  	[dreg:$0x17] =	wrdreg s16  }
0x51: {  	s14 =	rddreg [dreg:$0x5]  }
0x52: {  	[tilespmem:s4], [sflag:$0x9] =	stream.linear.gather [hbm4b:s14+s4], $0x200, $0x38;
	[tilespmem:$0xE800] =	vst v63  }
0x53: {  	s16 =	simm.s32 $0x400;
	s14 =	rddreg [dreg:$0x6]  }
0x54: {  	[tilespmem:s16], [sflag:$0x9] =	stream.linear.gather [hbm4b:s14+s4], $0x200, $0x38;
	[tilespmem:$0xE800] =	vst v63  }
0x55: {  	s16 =	rddreg [dreg:$0x7]  }
0x56: {  	s14 =	rddreg [dreg:$0x9]  }
0x57: {  	[tilespmem:s26], [sflag:$0xA] =	stream.linear.gather [hbm4b:s16+s4], $0x200, $0x38;
	[tilespmem:$0xE800] =	vst v63  }
0x58: {  	s16 =	rddreg [dreg:$0x8]  }
0x59: {  	[tilespmem:s28], [sflag:$0xA] =	stream.linear.gather [hbm4b:s16+s4], $0x200, $0x38;
	[tilespmem:$0xE800] =	vst v63  }
0x5a: {  	s16 =	rddreg [dreg:$0x16]  }
0x5b: {  	[spmem:s16], [sflag:s18] =	dma.local [hbm:s14], $0xA00  }
0x5c: {  	_ =	swait.ge [sflag:s21], $0xA00  }
0x5d: {  	[sflag:s21] =	ssyncset.done $0x0  }
0x5e: {  	s14 =	simm.s32 $0x80;
	s16 =	simm.s32 $0x0;
	[sflag:s21] =	ssyncadd.s32 $0xFFFFF600  }
.LBB2_2:
0x5f: {  	p0 =	sne.s32 s14, $0x3F80;
	[tilespmem:s16+$0x800] =	vst v0;
	s21 =	smov.u32 s14;
	s14 =	sadd.s32 $0x80, s14  }
.Ltmp2:
0x60: {  	[tilespmem:s16+$0x810] =	vst v0;
	(pc) =	sbr.rel @p0 .LBB2_2-.Ltmp2, $2  }
0x61: {  	_ =	sdelay $0x2  }
0x62: {  	s16 =	sshra.s32 s21, $0x2  }
0x63: {  	[tilespmem:s16+$0x800] =	vst v0  }
0x64: {  	[tilespmem:s16+$0x810] =	vst v0;
	s14 =	rddreg [dreg:$0xb];
	s16 =	simm.s32 $0xB  }
0x65: {  	[spmem:s14] =	stream.linear.scatter [tilespmem:s30], [sflag:$0xB], $0x1000, $0x38;
	[tilespmem:$0xE800] =	vst v63  }
0x66: {  	_ =	swait.ge [sflag:s16], $0x1000  }
0x67: {  	[sflag:s16] =	ssyncset.done $0x0  }
0x68: {  	s18 =	rddreg [dreg:$0xc];
	[sflag:s16] =	ssyncadd.s32 $0xFFFFF000  }
0x69: {  	[spmem:s18] =	stream.linear.scatter [tilespmem:s30], [sflag:$0xB], $0x1000, $0x38;
	[tilespmem:$0xE800] =	vst v63  }
0x6a: {  	_ =	swait.ge [sflag:s16], $0x1000  }
0x6b: {  	[sflag:s16] =	ssyncset.done $0x0  }
0x6c: {  	s21 =	rddreg [dreg:$0x12];
	[sflag:s16] =	ssyncadd.s32 $0xFFFFF000  }
0x6d: {  	[spmem:s21] =	stream.linear.scatter [tilespmem:s30], [sflag:$0xB], $0x1000, $0x38;
	[tilespmem:$0xE800] =	vst v63  }
0x6e: {  	_ =	swait.ge [sflag:s16], $0x1000  }
0x6f: {  	[sflag:s16] =	ssyncset.done $0x0  }
0x70: {  	s18 =	rddreg [dreg:$0x13];
	[sflag:s16] =	ssyncadd.s32 $0xFFFFF000  }
0x71: {  	[spmem:s18] =	stream.linear.scatter [tilespmem:s30], [sflag:$0xB], $0x1000, $0x38;
	[tilespmem:$0xE800] =	vst v63  }
0x72: {  	_ =	swait.ge [sflag:s16], $0x1000  }
0x73: {  	[sflag:s16] =	ssyncset.done $0x0  }
0x74: {  	s21 =	rddreg [dreg:$0x14];
	[sflag:s16] =	ssyncadd.s32 $0xFFFFF000  }
0x75: {  	[spmem:s21] =	stream.linear.scatter [tilespmem:s30], [sflag:$0xB], $0x1000, $0x38;
	[tilespmem:$0xE800] =	vst v63  }
0x76: {  	_ =	swait.ge [sflag:s16], $0x1000  }
0x77: {  	[sflag:s16] =	ssyncset.done $0x0  }
0x78: {  	[sflag:s16] =	ssyncadd.s32 $0xFFFFF000  }
0x79: {  	[bflag:$0x0] =	sbarrier.arrive $0xFFFF  }
0x7a: {  	_ =	swait.ge [sflag:s31], $0x200  }
0x7b: {  	[sflag:s31] =	ssyncset.done $0x0  }
0x7c: {  	[sflag:s31] =	ssyncadd.s32 $0xFFFFFE00  }
0x7d: {  	_ =	swait.ge [sflag:s31], $0x200  }
0x7e: {  	[sflag:s31] =	ssyncset.done $0x0  }
0x7f: {  	[sflag:s31] =	ssyncadd.s32 $0xFFFFFE00  }
0x80: {  	[tilespmem:s30], [sflag:$0x1] =	stream.indirect.gather [spmem:s1], $0x20, s4, s0, $0xb8;
	[tilespmem:$0xE800] =	vst v63  }
0x81: {  	_ = 	snop  }
0x82: {  	[tilespmem:s3], [sflag:$0x2] =	stream.indirect.gather [spmem:s1], $0x20, s0, s0, $0xb8;
	[tilespmem:$0xE800] =	vst v63  }
0x83: {  	s18 =	simm.s32 $0x100  }
0x84: {  	[tilespmem:s6], [sflag:$0x3] =	stream.indirect.gather [spmem:s1], $0x20, s18, s0, $0xb8;
	[tilespmem:$0xE800] =	vst v63  }
0x85: {  	s14 =	simm.s32 $0xFFFFF680;
	s21 =	simm.s32 $0x180  }
0x86: {  	[tilespmem:s8], [sflag:$0x4] =	stream.indirect.gather [spmem:s1], $0x20, s21, s0, $0xb8;
	[tilespmem:$0xE800] =	vst v63  }
.LBB2_4:
0x87: {  	_ =	swait.ge [sflag:s9], $0x1000  }
0x88: {  	[sflag:s9] =	ssyncset.done $0x0  }
0x89: {  	s16 =	simm.s32 $0x400;
	[sflag:s9] =	ssyncadd.s32 $0xFFFFF000  }
0x8a: {  	[spmem:s2] =	stream.indirect.scatter.add.bf16 [tilespmem:s30], [sflag:$0x5], $0x20, s16, s0, $0xb8;
	[tilespmem:$0xE800] =	vst v63  }
0x8b: {  	_ =	swait.ge [sflag:s13], $0x1000  }
0x8c: {  	[sflag:s13] =	ssyncset.done $0x0  }
0x8d: {  	s18 =	simm.s32 $0x480;
	[sflag:s13] =	ssyncadd.s32 $0xFFFFF000  }
0x8e: {  	[spmem:s2] =	stream.indirect.scatter.add.bf16 [tilespmem:s3], [sflag:$0x6], $0x20, s18, s0, $0xb8;
	[tilespmem:$0xE800] =	vst v63  }
0x8f: {  	_ =	swait.ge [sflag:s15], $0x1000  }
0x90: {  	[sflag:s15] =	ssyncset.done $0x0  }
0x91: {  	s21 =	simm.s32 $0x500;
	[sflag:s15] =	ssyncadd.s32 $0xFFFFF000  }
0x92: {  	[spmem:s2] =	stream.indirect.scatter.add.bf16 [tilespmem:s6], [sflag:$0x7], $0x20, s21, s0, $0xb8;
	[tilespmem:$0xE800] =	vst v63  }
0x93: {  	_ =	swait.ge [sflag:s17], $0x1000  }
0x94: {  	[sflag:s17] =	ssyncset.done $0x0  }
0x95: {  	s18 =	simm.s32 $0x580;
	[sflag:s17] =	ssyncadd.s32 $0xFFFFF000  }
0x96: {  	[spmem:s2] =	stream.indirect.scatter.add.bf16 [tilespmem:s8], [sflag:$0x8], $0x20, s18, s0, $0xb8;
	[tilespmem:$0xE800] =	vst v63  }
0x97: {  	_ =	swait.ge [sflag:s25], $0x200  }
0x98: {  	[sflag:s25] =	ssyncset.done $0x0  }
0x99: {  	[sflag:s25] =	ssyncadd.s32 $0xFFFFFE00  }
0x9a: {  	_ =	swait.ge [sflag:s25], $0x200  }
0x9b: {  	[sflag:s25] =	ssyncset.done $0x0  }
0x9c: {  	[sflag:s25] =	ssyncadd.s32 $0xFFFFFE00  }
0x9d: {  	_ =	swait.ge [sflag:s11], $0x1000  }
0x9e: {  	[sflag:s11] =	ssyncset.done $0x0  }
0x9f: {  	[sflag:s11] =	ssyncadd.s32 $0xFFFFF000  }
0xa0: {  	[tilespmem:s30], [sflag:$0x1] =	stream.indirect.gather [spmem:s1], $0x20, s26, s0, $0xb8;
	[tilespmem:$0xE800] =	vst v63  }
0xa1: {  	_ =	swait.ge [sflag:s12], $0x1000  }
0xa2: {  	[sflag:s12] =	ssyncset.done $0x0  }
0xa3: {  	s21 =	simm.s32 $0x280;
	[sflag:s12] =	ssyncadd.s32 $0xFFFFF000  }
0xa4: {  	[tilespmem:s3], [sflag:$0x2] =	stream.indirect.gather [spmem:s1], $0x20, s21, s0, $0xb8;
	[tilespmem:$0xE800] =	vst v63  }
0xa5: {  	_ =	swait.ge [sflag:s19], $0x1000  }
0xa6: {  	[sflag:s19] =	ssyncset.done $0x0  }
0xa7: {  	[sflag:s19] =	ssyncadd.s32 $0xFFFFF000  }
0xa8: {  	[tilespmem:s6], [sflag:$0x3] =	stream.indirect.gather [spmem:s1], $0x20, s20, s0, $0xb8;
	[tilespmem:$0xE800] =	vst v63  }
0xa9: {  	_ =	swait.ge [sflag:s10], $0x1000  }
0xaa: {  	p0 =	seq.s32 s14, $0x0;
	[sflag:s10] =	ssyncset.done $0x0  }
0xab: {  	s16 =	sadd.s32 @!p0 s14, s23;
	[sflag:s10] =	ssyncadd.s32 $0xFFFFF000  }
0xac: {  	[tilespmem:s8], [sflag:$0x4] =	stream.indirect.gather [spmem:s1], $0x20, s24, s0, $0xb8;
	[tilespmem:$0xE800] =	vst v63  }
0xad: {  	s16 =	sadd.s32 @!p0 $0xA00, s16;
	s21 =	simm.s32 @!p0 $0x0  }
0xae: {  	[tilespmem:s21], [sflag:$0x9] =	stream.linear.gather @!p0 [hbm4b:s16+s21], $0x200, $0x38;
	[tilespmem:$0xE800] =	vst v63  }
0xaf: {  	s16 =	sadd.s32 @!p0 s14, s22  }
0xb0: {  	s18 =	simm.s32 @!p0 $0x400;
	s16 =	sadd.s32 @!p0 $0xA00, s16  }
0xb1: {  	[tilespmem:s18], [sflag:$0x9] =	stream.linear.gather @!p0 [hbm4b:s16+s21], $0x200, $0x38;
	[tilespmem:$0xE800] =	vst v63  }
0xb2: {  	_ =	swait.ge [sflag:s9], $0x1000  }
0xb3: {  	[sflag:s9] =	ssyncset.done $0x0  }
0xb4: {  	[sflag:s9] =	ssyncadd.s32 $0xFFFFF000  }
0xb5: {  	[spmem:s2] =	stream.indirect.scatter.add.bf16 [tilespmem:s30], [sflag:$0x5], $0x20, s28, s0, $0xb8;
	[tilespmem:$0xE800] =	vst v63  }
0xb6: {  	_ =	swait.ge [sflag:s13], $0x1000  }
0xb7: {  	[sflag:s13] =	ssyncset.done $0x0  }
0xb8: {  	[sflag:s13] =	ssyncadd.s32 $0xFFFFF000  }
0xb9: {  	[spmem:s2] =	stream.indirect.scatter.add.bf16 [tilespmem:s3], [sflag:$0x6], $0x20, s5, s0, $0xb8;
	[tilespmem:$0xE800] =	vst v63  }
0xba: {  	_ =	swait.ge [sflag:s15], $0x1000  }
0xbb: {  	[sflag:s15] =	ssyncset.done $0x0  }
0xbc: {  	[sflag:s15] =	ssyncadd.s32 $0xFFFFF000  }
0xbd: {  	[spmem:s2] =	stream.indirect.scatter.add.bf16 [tilespmem:s6], [sflag:$0x7], $0x20, s7, s0, $0xb8;
	[tilespmem:$0xE800] =	vst v63  }
.Ltmp3:
0xbe: {  	_ = 	snop;
	(pc) =	sbr.rel @p0 .LBB2_6-.Ltmp3, $4  }
0xbf: {  	_ =	swait.ge [sflag:s17], $0x1000  }
0xc0: {  	[sflag:s17] =	ssyncset.done $0x0  }
0xc1: {  	[sflag:s17] =	ssyncadd.s32 $0xFFFFF000  }
0xc2: {  	[spmem:s2] =	stream.indirect.scatter.add.bf16 [tilespmem:s8], [sflag:$0x8], $0x20, s29, s0, $0xb8;
	[tilespmem:$0xE800] =	vst v63  }
0xc3: {  	_ =	swait.ge [sflag:s31], $0x200  }
0xc4: {  	[sflag:s31] =	ssyncset.done $0x0  }
0xc5: {  	[sflag:s31] =	ssyncadd.s32 $0xFFFFFE00  }
0xc6: {  	_ =	swait.ge [sflag:s31], $0x200  }
0xc7: {  	[sflag:s31] =	ssyncset.done $0x0  }
0xc8: {  	[sflag:s31] =	ssyncadd.s32 $0xFFFFFE00  }
0xc9: {  	_ =	swait.ge [sflag:s11], $0x1000  }
0xca: {  	[sflag:s11] =	ssyncset.done $0x0  }
0xcb: {  	[sflag:s11] =	ssyncadd.s32 $0xFFFFF000  }
0xcc: {  	[tilespmem:s30], [sflag:$0x1] =	stream.indirect.gather [spmem:s1], $0x20, s4, s0, $0xb8;
	[tilespmem:$0xE800] =	vst v63  }
0xcd: {  	_ =	swait.ge [sflag:s12], $0x1000  }
0xce: {  	[sflag:s12] =	ssyncset.done $0x0  }
0xcf: {  	[sflag:s12] =	ssyncadd.s32 $0xFFFFF000  }
0xd0: {  	[tilespmem:s3], [sflag:$0x2] =	stream.indirect.gather [spmem:s1], $0x20, s0, s0, $0xb8;
	[tilespmem:$0xE800] =	vst v63  }
0xd1: {  	_ =	swait.ge [sflag:s19], $0x1000  }
0xd2: {  	[sflag:s19] =	ssyncset.done $0x0  }
0xd3: {  	s16 =	simm.s32 $0x100;
	[sflag:s19] =	ssyncadd.s32 $0xFFFFF000  }
0xd4: {  	[tilespmem:s6], [sflag:$0x3] =	stream.indirect.gather [spmem:s1], $0x20, s16, s0, $0xb8;
	[tilespmem:$0xE800] =	vst v63  }
0xd5: {  	_ =	swait.ge [sflag:s10], $0x1000  }
0xd6: {  	[sflag:s10] =	ssyncset.done $0x0  }
0xd7: {  	s21 =	simm.s32 $0x180;
	[sflag:s10] =	ssyncadd.s32 $0xFFFFF000  }
0xd8: {  	[tilespmem:s8], [sflag:$0x4] =	stream.indirect.gather [spmem:s1], $0x20, s21, s0, $0xb8;
	[tilespmem:$0xE800] =	vst v63  }
.Ltmp4:
0xd9: {  	s18 =	sadd.s32 s14, s23;
	(pc) =	sbr.rel .LBB2_4-.Ltmp4, $4  }
0xda: {  	s16 =	sadd.s32 $0xA40, s18;
	s21 =	sadd.s32 s14, s22  }
0xdb: {  	[tilespmem:s26], [sflag:$0xA] =	stream.linear.gather [hbm4b:s16+s4], $0x200, $0x38;
	[tilespmem:$0xE800] =	vst v63  }
0xdc: {  	s14 =	sadd.s32 $0x80, s14;
	s16 =	sadd.s32 $0xA40, s21  }
0xdd: {  	[tilespmem:s28], [sflag:$0xA] =	stream.linear.gather [hbm4b:s16+s4], $0x200, $0x38;
	[tilespmem:$0xE800] =	vst v63  }
.LBB2_7:
0xde: {  	_ =	sfence.sel $0x180000  }
0xdf: {  	[bflag:$0x0] =	sbarrier.arrive $0xFFFF  }
0xe0: {  	_ =	strace $0x9000004A  }
0xe1: {  	s0 =	stileid.u32;
	[bflag:$0x2] =	sbarrier.arrive $0xFFFF  }
0xe2: {  	p0 =	sne.s32 s0, $0x0;
	s0 =	rddreg [dreg:$0x4]  }
0xe3: {  	s0 =	sadd.s32 @!p0 $0x100000, s0  }
0xe4: {  	[sflag:s0] =	ssyncadd.tile.s32 @!p0 $0x1;
	_ =	shalt  }
.Lfunc_end2:
_tile_overlayer_lowered:
.L_overlay_start_2:
0xe5: {  	(tag) =	ssettag $0x2  }
0xe6: {  	s0 =	rddreg [dreg:$0x0];
	s2 =	stileid.u32  }
0xe7: {  	s1 =	rddreg [dreg:$0x1];
	p0 =	sne.s32 s2, $0x0  }
0xe8: {  	s3 =	rddreg [dreg:$0x2];
	[bflag:$0x3] =	sbarrier.arrive $0xFFFF;
	s2 =	simm.s32 @!p0 $0x1C0B  }
0xe9: {  	[timem:s3], [sflag:s2] =	dma.local @!p0 [hbm:s0], s1  }
0xea: {  	s0 =	simm.s32 @!p0 $0xB  }
0xeb: {  	_ =	swait.ge @!p0 [sflag:s0], s1  }
0xec: {  	s1 =	ssub.s32 @!p0 $0x0, s1;
	[sflag:s0] =	ssyncset.done @!p0 $0x0  }
0xed: {  	[sflag:s0] =	ssyncadd.s32 @!p0 s1  }
0xee: {  	[bflag:$0x3] =	sbarrier.arrive $0xFFFF  }
0xef: {  	_ =	shalt  }

// kernel: kernel.14.cloned.1.call-start
scs
__scs_entry_jumppad:
0x0: {  	(pc) =	sbr.rel $0x88, $3  }
0x1: {  	(tag) =	ssettag $0x0;
	lr =	simm.s32 $0x1  }
0x2: {  	[smem:$0x3F9B] =	sst lr;
	_ =	strace $0xD0000000  }
0x3: {  	_ = 	snop  }
0x4: {  	_ = 	snop  }
0x5: {  	_ = 	snop  }
0x6: {  	_ = 	snop  }
0x7: {  	_ = 	snop  }
__scs_overlays_trampoline_lowered:
0x8: {  	[smem:$0x3FAA] =	sst s0  }
0x9: {  	[smem:$0x3FAB] =	sst s1  }
0xa: {  	[smem:$0x3FAC] =	sst s2  }
0xb: {  	[smem:$0x3FAD] =	sst s3  }
0xc: {  	[smem:$0x3FAE] =	sst s4  }
0xd: {  	[smem:$0x3FAF] =	sst s5  }
0xe: {  	[smem:$0x3FB0] =	sst s6  }
0xf: {  	[smem:$0x3FB1] =	sst s7  }
0x10: {  	[smem:$0x3FB2] =	sst s8  }
0x11: {  	[smem:$0x3FB3] =	sst s9;
	s0 =	simm.s32 @!p0 $0x0  }
0x12: {  	s1 =	sld [smem:$0x3F99];
	s0 =	simm.s32 @p0 $0x1  }
0x13: {  	[smem:$0x3FB4] =	sst s0;
	s0 =	simm.s32 @!p1 $0x0  }
0x14: {  	s2 =	sld [smem:$0x3F98];
	s0 =	simm.s32 @p1 $0x1  }
0x15: {  	[smem:$0x3FB5] =	sst s0;
	s0 =	simm.s32 @!p2 $0x0  }
0x16: {  	s3 =	sld [smem:$0x3FDB];
	s0 =	simm.s32 @p2 $0x1  }
0x17: {  	s4 =	simm.s32 $0x1BF5;
	[smem:$0x3FB7] =	sst s0  }
0x18: {  	s0 =	sld [smem:$0x3F9A];
	_ =	swait.ge [sflag:s4], $0x0  }
0x19: {  	s7 =	sld [smem:$0x3F9B]  }
0x1a: {  	s8 =	sadd.s32 $0xFFFFE003, lr  }
0x1b: {  	s9 =	sadd.s32 $0xFFFFFEF7, lr;
	s5 =	simm.s32 $0xFFFFFFFF;
	p2 =	slt.u32 s8, $0xFFFFF086  }
0x1c: {  	p1 =	slt.u32 s9, $0xF7A;
	s5 =	simm.s32 @!p2 $0x0  }
0x1d: {  	s5 =	simm.s32 @p1 $0x1;
	p0 =	seq.s32 s7, s2  }
0x1e: {  	s7 =	smul.u32 @!p0 $0xF7A, s2;
	p2 =	seq.s32 @!p0 s5, $0x0  }
0x1f: {  	s9 =	smul.u32 $0xF7A, s1;
	s8 =	simm.s32 @!p0 $0x1BF5;
	p2 =	por !p2, p0  }
0x20: {  	[sflag:s8] =	ssyncset.s32 @!p0 $0xFFFFF086;
	s6 =	sadd.s32 @!p0 s3, s7;
	s7 =	simm.s32 @!p0 $0x108  }
0x21: {  	s3 =	sadd.s32 s3, s9;
	s6 =	sadd.s32 @!p0 $0x88, s6;
	s7 =	simm.s32 @p2 $0x1082  }
0x22: {  	[simem:s7], [sflag:s8] =	dma.local @!p0 [hbm:s6], $0xF7A  }
0x23: {  	s9 =	sor.u32 $0xD0000000, s2;
	s6 =	simm.s32 $0x108;
	_ =	swait.ge @!p0 [sflag:s8], $0x0  }
0x24: {  	s3 =	sadd.s32 $0x88, s3;
	s6 =	simm.s32 @!p1 $0x1082;
	[sflag:s4] =	ssyncset.s32 $0xFFFFF086  }
0x25: {  	[simem:s6], [sflag:s4] =	dma.local [hbm:s3], $0xF7A  }
0x26: {  	[smem:$0x3F9B] =	sst s1;
	(tag) =	ssettag s2;
	_ =	strace s9  }
0x27: {  	s1 =	sld [smem:$0x3FAB]  }
0x28: {  	s2 =	sld [smem:$0x3FAC]  }
0x29: {  	s4 =	sld [smem:$0x3FAE]  }
0x2a: {  	p0 =	seq.s32 s5, $0x0;
	s5 =	sld [smem:$0x3FAF]  }
0x2b: {  	s6 =	sld [smem:$0x3FB0]  }
0x2c: {  	s7 =	sld [smem:$0x3FB1]  }
0x2d: {  	s3 =	simm.s32 $0x108;
	s8 =	sld [smem:$0x3FB2]  }
0x2e: {  	s3 =	simm.s32 @!p0 $0x1082;
	s9 =	sld [smem:$0x3FB3]  }
0x2f: {  	lr =	sadd.s32 s0, s3;
	s0 =	sld [smem:$0x3FAA]  }
0x30: {  	s3 =	sld [smem:$0x3FAD]  }
0x31: {  	[smem:$0x3FB6] =	sst s10  }
0x32: {  	s10 =	sld [smem:$0x3FB4];
	_ =	sdelay $0x3  }
0x33: {  	p0 =	seq.s32 s10, $0x1;
	s10 =	sld [smem:$0x3FB6];
	_ =	sdelay $0x3  }
0x34: {  	[smem:$0x3FB6] =	sst s10  }
0x35: {  	s10 =	sld [smem:$0x3FB5];
	_ =	sdelay $0x3  }
0x36: {  	p1 =	seq.s32 s10, $0x1;
	s10 =	sld [smem:$0x3FB6];
	_ =	sdelay $0x3  }
0x37: {  	[smem:$0x3FB6] =	sst s10  }
0x38: {  	s10 =	sld [smem:$0x3FB7]  }
0x39: {  	_ = 	snop;
	(pc) =	sbr.ind lr, $3  }
0x3a: {  	_ = 	snop  }
0x3b: {  	_ = 	snop  }
0x3c: {  	p2 =	seq.s32 s10, $0x1;
	s10 =	sld [smem:$0x3FB6]  }
0x3d: {  	_ =	shalt  }
0x3e: {  	_ =	shalt  }
0x3f: {  	_ =	shalt  }
0x40: {  	_ =	shalt  }
0x41: {  	_ =	shalt  }
0x42: {  	_ =	shalt  }
0x43: {  	_ =	shalt  }
0x44: {  	_ =	shalt  }
0x45: {  	_ =	shalt  }
0x46: {  	_ =	shalt  }
0x47: {  	_ =	shalt  }
0x48: {  	_ =	shalt  }
0x49: {  	_ =	shalt  }
0x4a: {  	_ =	shalt  }
0x4b: {  	_ =	shalt  }
0x4c: {  	_ =	shalt  }
0x4d: {  	_ =	shalt  }
0x4e: {  	_ =	shalt  }
0x4f: {  	_ =	shalt  }
0x50: {  	_ =	shalt  }
0x51: {  	_ =	shalt  }
0x52: {  	_ =	shalt  }
0x53: {  	_ =	shalt  }
0x54: {  	_ =	shalt  }
0x55: {  	_ =	shalt  }
0x56: {  	_ =	shalt  }
0x57: {  	_ =	shalt  }
0x58: {  	_ =	shalt  }
0x59: {  	_ =	shalt  }
0x5a: {  	_ =	shalt  }
0x5b: {  	_ =	shalt  }
0x5c: {  	_ =	shalt  }
0x5d: {  	_ =	shalt  }
0x5e: {  	_ =	shalt  }
0x5f: {  	_ =	shalt  }
0x60: {  	_ =	shalt  }
0x61: {  	_ =	shalt  }
0x62: {  	_ =	shalt  }
0x63: {  	_ =	shalt  }
0x64: {  	_ =	shalt  }
0x65: {  	_ =	shalt  }
0x66: {  	_ =	shalt  }
0x67: {  	_ =	shalt  }
0x68: {  	_ =	shalt  }
0x69: {  	_ =	shalt  }
0x6a: {  	_ =	shalt  }
0x6b: {  	_ =	shalt  }
0x6c: {  	_ =	shalt  }
0x6d: {  	_ =	shalt  }
0x6e: {  	_ =	shalt  }
0x6f: {  	_ =	shalt  }
0x70: {  	_ =	shalt  }
0x71: {  	_ =	shalt  }
0x72: {  	_ =	shalt  }
0x73: {  	_ =	shalt  }
0x74: {  	_ =	shalt  }
0x75: {  	_ =	shalt  }
0x76: {  	_ =	shalt  }
0x77: {  	_ =	shalt  }
0x78: {  	_ =	shalt  }
0x79: {  	_ =	shalt  }
0x7a: {  	_ =	shalt  }
0x7b: {  	_ =	shalt  }
0x7c: {  	_ =	shalt  }
0x7d: {  	_ =	shalt  }
0x7e: {  	_ =	shalt  }
0x7f: {  	_ =	shalt  }
0x80: {  	_ =	shalt  }
0x81: {  	_ =	shalt  }
0x82: {  	_ =	shalt  }
0x83: {  	_ =	shalt  }
0x84: {  	_ =	shalt  }
0x85: {  	_ =	shalt  }
0x86: {  	_ =	shalt  }
0x87: {  	_ =	shalt  }
.Lfunc_end0:
.L_simem_size_0:
called_computation.2_lowered:
.L_overlay_start_0:
0x88: {  	s2 =	sld [smem:$0x3FD9]  }
0x89: {  	s3 =	sld [smem:$0x3FFE];
	_ =	sdelay $0x1  }
0x8a: {  	s1 =	srdreg.scid  }
0x8b: {  	s0 =	sand.u32 $0x1, s1  }
0x8c: {  	s17 =	sshll.u32 s0, $0xA;
	s2 =	sadd.s32 s3, s2  }
0x8d: {  	s2 =	sadd.s32 s2, s17  }
0x8e: {  	[smem:$0x3FC2] =	sst s2  }
0x8f: {  	_ = 	snop  }
0x90: {  	s2 =	sld [smem:$0x3FD0];
	(tm) =	ssettm $0x1  }
0x91: {  	s18 =	sld [smem:$0x3FFB];
	_ =	sdelay $0x3  }
0x92: {  	_ =	strace s18  }
0x93: {  	s3 =	sld [smem:$0x3FFC];
	_ =	sdelay $0x3  }
0x94: {  	_ =	strace s3  }
0x95: {  	s3 =	sld [smem:$0x3FFD];
	_ =	sdelay $0x3  }
0x96: {  	_ =	strace s3  }
0x97: {  	_ =	strace $0x8FFFFFFF  }
0x98: {  	s19 =	sld [smem:$0x3FDB];
	_ =	sdelay $0x1  }
0x99: {  	s4 =	simm.s32 $_scs_section_size  }
0x9a: {  	s5 =	simm.s32 $_size__tile_overlayer_lowered;
	s6 =	simm.s32 $_tile_overlayer_lowered  }
0x9b: {  	s22 =	simm.s32 $0x1BFF;
	s21 =	sshll.u32 s6, $0x1;
	s3 =	sadd.s32 s4, s19  }
0x9c: {  	s7 =	simm.s32 $0x0;
	s20 =	sshll.u32 s5, $0x1;
	s5 =	sadd.s32 s21, s3  }
0x9d: {  	[timem:s7], [sflag:s22] =	dma.local [hbm:s5], s20  }
0x9e: {  	_ =	swait.ge [sflag:s22], s20  }
0x9f: {  	s4 =	ssub.s32 $0x0, s20;
	[sflag:s22] =	ssyncset.done $0x0  }
0xa0: {  	[sflag:s22] =	ssyncadd.s32 s4;
	_ =	sdelay $0x1  }
0xa1: {  	s23 =	simm.s32 $0x1B8B  }
0xa2: {  	_ =	swait.ge [sflag:s23], $0x1  }
0xa3: {  	[sflag:s23] =	ssyncset.done $0x0  }
0xa4: {  	s25 =	simm.s32 $0x1B8E;
	s24 =	sld [smem:$0x3FFE];
	[sflag:s23] =	ssyncadd.s32 $0xFFFFFFFF  }
0xa5: {  	s26 =	simm.s32 $execute0_lowered;
	[smem:$0x3FD2] =	sst s25  }
0xa6: {  	s5 =	sshll.u32 s26, $0x1;
	_ =	strace $0x8000004C;
	[dreg:$0x1] =	wrdreg $0xFFFFFFFF  }
0xa7: {  	s28 =	simm.s32 $_size_execute0_lowered;
	s3 =	sadd.s32 s3, s5;
	[dreg:$0x0] =	wrdreg $0x0  }
0xa8: {  	s5 =	sshll.u32 s28, $0x1;
	[dreg:$0x2] =	wrdreg s3  }
0xa9: {  	[dreg:$0x3] =	wrdreg s5  }
0xaa: {  	[dreg:$0x4] =	wrdreg $0xC0  }
0xab: {  	_ =	task [dreg:s7], $0x5FFFF  }
0xac: {  	[dreg:$0x1] =	wrdreg $0xFFFFFFFF  }
0xad: {  	[dreg:$0x0] =	wrdreg $0x60  }
0xae: {  	[dreg:$0x2] =	wrdreg s2  }
0xaf: {  	[dreg:$0x3] =	wrdreg s24  }
0xb0: {  	[dreg:$0x4] =	wrdreg $0x48000  }
0xb1: {  	[dreg:$0x5] =	wrdreg $0x98000  }
0xb2: {  	[dreg:$0x6] =	wrdreg $0x9  }
0xb3: {  	_ =	task.clear_ibuf [dreg:s7], $0x7FFFF;
	_ =	strace $0x9000004C  }
0xb4: {  	s29 =	simm.s32 $0x9;
	_ =	strace $0x8000004E  }
0xb5: {  	_ =	swait.ge [sflag:s29], $0x1  }
0xb6: {  	[sflag:s29] =	ssyncadd.s32 $0xFFFFFFFF  }
0xb7: {  	_ =	strace $0x9000004E  }
0xb8: {  	_ =	sfence  }
0xb9: {  	s30 =	sld [smem:$0x0];
	_ =	sdelay $0x2  }
0xba: {  	s31 =	sshll.u32 s1, $0xD;
	s1 =	sshrl.u32 s1, $0x2  }
0xbb: {  	s3 =	sand.u32 $0x4000, s31;
	s1 =	sadd.s32 s1, s30  }
0xbc: {  	s0 =	sor.u32 s3, s0;
	s1 =	sshll.u32 s1, $0x11  }
0xbd: {  	s0 =	sor.u32 s1, s0  }
0xbe: {  	s0 =	sadd.s32 $0x8F2B, s0  }
0xbf: {  	[sflag:s0] =	ssyncadd.remote.s32 $0x1  }
0xc0: {  	_ =	sfence.sel $0xFFFF  }
0xc1: {  	[dreg:$0x0] =	wrdreg $0xFFFFFFFF;
	(pc) =	sbr.abs _section_cstart, $3  }
0xc2: {  	[dreg:$0x1] =	wrdreg $0xFFFFFFFF  }
0xc3: {  	_ =	task.clear_ibuf [dreg:s7], $0x2FFFF;
	_ =	strace $0x9FFFFFFF  }
0xc4: {  	(tm) =	ssettm $0x7FFFFFFF  }
0xc5: {  	_ =	shalt  }
tec
execute0_lowered:
.L_overlay_start_1:
0x0: {  	(tag) =	ssettag $0x1  }
0x1: {  	s0 =	rddreg [dreg:$0x0]  }
0x2: {  	s3 =	rddreg [dreg:$0x1]  }
0x3: {  	s1 =	rddreg [dreg:$0x2]  }
0x4: {  	s2 =	rddreg [dreg:$0x3]  }
0x5: {  	s4 =	simm.s32 $0x0;
	s5 =	srdreg.scid;
	s16 =	stileid.u32  }
0x6: {  	s28 =	simm.s32 $0x600;
	s30 =	simm.s32 $0x800;
	s31 =	simm.s32 $0x9  }
0x7: {  	s29 =	simm.s32 $0x780;
	[smem:$0x7FF] =	sst s4;
	s5 =	sand.u32 $0x1, s5  }
0x8: {  	s6 =	sadd.s32 $0xB600, s3;
	s8 =	smul.u32 $0x5000, s16;
	s9 =	sadd.s32 $0x1600, s3  }
0x9: {  	s3 =	sadd.s32 $0x15600, s3;
	s17 =	smul.u32 $0xA000, s16;
	s13 =	sshll.u32 s16, $0x6  }
0xa: {  	_ =	strace $0x8000004D;
	s7 =	ssub.s32 $0x2, s5;
	s5 =	smul.u32 $0xA0000, s5  }
0xb: {  	s18 =	sor.u32 $0x1C0B, s13;
	s13 =	simm.s32 $0x2;
	s10 =	sshrl.u32 s7, $0x1  }
0xc: {  	s8 =	sshrl.u32 s8, $0x3;
	s21 =	sshrl.u32 s17, $0x1;
	s14 =	sadd.s32 $0x2000, s17  }
0xd: {  	s24 =	sadd.s32 $0x4000, s17;
	s26 =	sadd.s32 $0x6000, s17;
	[dreg:$0xa] =	wrdreg s18  }
0xe: {  	s7 =	ssub.s32 s7, s10;
	s11 =	sadd.s32 s6, s8;
	s19 =	sor.u32 $0x40, s8  }
0xf: {  	s8 =	sadd.s32 s9, s8;
	s22 =	sadd.s32 s17, s5;
	s12 =	sadd.s32 s21, s1  }
0x10: {  	s23 =	sshrl.u32 s14, $0x1;
	s25 =	sshrl.u32 s24, $0x1;
	s14 =	sadd.s32 s5, s14  }
0x11: {  	s15 =	sshrl.u32 s26, $0x1;
	s10 =	sadd.s32 $0x8000, s17;
	[dreg:$0x5] =	wrdreg s11  }
0x12: {  	s17 =	sadd.s32 s5, s26;
	[dreg:$0x6] =	wrdreg s8;
	s20 =	sadd.s32 s6, s19  }
0x13: {  	s11 =	sadd.s32 s9, s19;
	s8 =	sadd.s32 s21, s2;
	s14 =	sshrl.u32 s14, $0x4  }
0x14: {  	s19 =	sshrl.u32 s17, $0x4;
	s21 =	smul.u32 $0xA00, s16;
	s26 =	sshrl.u32 s12, $0x3  }
0x15: {  	s17 =	simm.s32 $0x4;
	s12 =	simm.s32 $0x6;
	[dreg:$0x7] =	wrdreg s20  }
0x16: {  	s16 =	simm.s32 $0x0;
	[dreg:$0x8] =	wrdreg s11;
	s11 =	sshrl.u32 s22, $0x4  }
0x17: {  	[dreg:$0xb] =	wrdreg s8;
	s14 =	sadd.s32 s3, s14;
	s22 =	sadd.s32 s25, s2  }
0x18: {  	s25 =	smax.u32 s7, $0x1;
	[dreg:$0x16] =	wrdreg s26;
	s26 =	simm.s32 $0x200  }
0x19: {  	s8 =	simm.s32 $0x3800;
	s7 =	simm.s32 $0x700;
	[dreg:$0xe] =	wrdreg s14  }
0x1a: {  	s0 =	sadd.s32 s0, s11;
	s11 =	sadd.s32 s3, s11;
	[dreg:$0x12] =	wrdreg s22  }
0x1b: {  	[dreg:$0x15] =	wrdreg s25;
	s22 =	sadd.s32 s21, s9;
	s9 =	simm.s32 $0x1  }
0x1c: {  	s25 =	simm.s32 $0xA;
	[dreg:$0x9] =	wrdreg s0;
	s0 =	sadd.s32 s23, s2  }
0x1d: {  	[dreg:$0xd] =	wrdreg s11;
	s23 =	sadd.s32 s15, s2;
	s15 =	simm.s32 $0x3  }
0x1e: {  	s11 =	simm.s32 $0x5;
	[dreg:$0xc] =	wrdreg s0;
	s0 =	sadd.s32 s5, s24  }
0x1f: {  	s5 =	sadd.s32 s5, s10;
	[dreg:$0x13] =	wrdreg s23;
	s24 =	sshrl.u32 s10, $0x1  }
0x20: {  	s23 =	sadd.s32 s21, s6;
	s21 =	simm.s32 $0xB;
	s6 =	simm.s32 $0x2800  }
0x21: {  	s10 =	simm.s32 $0x8;
	s0 =	sshrl.u32 s0, $0x4;
	s5 =	sshrl.u32 s5, $0x4  }
.Ltmp0:
0x22: {  	s0 =	sadd.s32 s3, s0;
	s20 =	sadd.s32 s3, s5;
	(pc) =	sbr.rel .LBB2_1-.Ltmp0, $4  }
0x23: {  	s5 =	simm.s32 $0x680;
	[dreg:$0xf] =	wrdreg s0;
	s0 =	sadd.s32 s3, s19  }
0x24: {  	[dreg:$0x11] =	wrdreg s20;
	s3 =	sadd.s32 s24, s2;
	s19 =	simm.s32 $0x7  }
0x25: {  	s20 =	simm.s32 $0x300;
	s24 =	simm.s32 $0x380;
	[dreg:$0x10] =	wrdreg s0  }
0x26: {  	v0 =	vimm.bf16 $0.0e+00;
	[dreg:$0x14] =	wrdreg s3;
	s0 =	simm.s32 $0x80;
	s3 =	simm.s32 $0x1800  }
.LBB2_6:
0x27: {  	_ =	swait.ge [sflag:s11], $0x1000  }
0x28: {  	[sflag:s11] =	ssyncset.done $0x0  }
0x29: {  	[sflag:s11] =	ssyncadd.s32 $0xFFFFF000  }
0x2a: {  	_ =	swait.ge [sflag:s12], $0x1000  }
0x2b: {  	[sflag:s12] =	ssyncset.done $0x0  }
0x2c: {  	[sflag:s12] =	ssyncadd.s32 $0xFFFFF000  }
0x2d: {  	_ =	swait.ge [sflag:s19], $0x1000  }
0x2e: {  	[sflag:s19] =	ssyncset.done $0x0  }
0x2f: {  	[sflag:s19] =	ssyncadd.s32 $0xFFFFF000  }
0x30: {  	_ =	swait.ge [sflag:s10], $0x1000  }
0x31: {  	[sflag:s10] =	ssyncset.done $0x0  }
0x32: {  	[sflag:s10] =	ssyncadd.s32 $0xFFFFF000  }
0x33: {  	[bflag:$0x0] =	sbarrier.arrive $0xFFFF  }
0x34: {  	s14 =	rddreg [dreg:$0xb]  }
0x35: {  	s18 =	rddreg [dreg:$0xa]  }
0x36: {  	s21 =	simm.s32 $0xB;
	s16 =	rddreg [dreg:$0xd];
	s14 =	sshrl.u32 s14, $0x3  }
0x37: {  	[hbm:s16], [sflag:s18] =	dma.local [spmem:s14], $0x200  }
0x38: {  	_ =	swait.ge [sflag:s21], $0x200  }
0x39: {  	[sflag:s21] =	ssyncset.done $0x0;
	s16 =	rddreg [dreg:$0xc]  }
0x3a: {  	[sflag:s21] =	ssyncadd.s32 $0xFFFFFE00;
	s14 =	sshrl.u32 s16, $0x3;
	s16 =	rddreg [dreg:$0xe]  }
0x3b: {  	[hbm:s16], [sflag:s18] =	dma.local [spmem:s14], $0x200  }
0x3c: {  	_ =	swait.ge [sflag:s21], $0x200  }
0x3d: {  	[sflag:s21] =	ssyncset.done $0x0;
	s16 =	rddreg [dreg:$0x12]  }
0x3e: {  	[sflag:s21] =	ssyncadd.s32 $0xFFFFFE00;
	s14 =	sshrl.u32 s16, $0x3;
	s16 =	rddreg [dreg:$0xf]  }
0x3f: {  	[hbm:s16], [sflag:s18] =	dma.local [spmem:s14], $0x200  }
0x40: {  	_ =	swait.ge [sflag:s21], $0x200  }
0x41: {  	[sflag:s21] =	ssyncset.done $0x0;
	s16 =	rddreg [dreg:$0x13]  }
0x42: {  	[sflag:s21] =	ssyncadd.s32 $0xFFFFFE00;
	s14 =	sshrl.u32 s16, $0x3;
	s16 =	rddreg [dreg:$0x10]  }
0x43: {  	[hbm:s16], [sflag:s18] =	dma.local [spmem:s14], $0x200  }
0x44: {  	_ =	swait.ge [sflag:s21], $0x200  }
0x45: {  	[sflag:s21] =	ssyncset.done $0x0;
	s16 =	rddreg [dreg:$0x14]  }
0x46: {  	[sflag:s21] =	ssyncadd.s32 $0xFFFFFE00;
	s14 =	sshrl.u32 s16, $0x3;
	s16 =	rddreg [dreg:$0x11]  }
0x47: {  	[hbm:s16], [sflag:s18] =	dma.local [spmem:s14], $0x200  }
0x48: {  	_ =	swait.ge [sflag:s21], $0x200  }
0x49: {  	s14 =	rddreg [dreg:$0x17]  }
0x4a: {  	s16 =	sadd.s32 $0x1, s14;
	s14 =	rddreg [dreg:$0x15]  }
0x4b: {  	p0 =	sne.s32 s16, s14  }
.Ltmp1:
0x4c: {  	_ = 	snop;
	(pc) =	sbr.rel @!p0 .LBB2_7-.Ltmp1, $3  }
0x4d: {  	_ =	sdelay $0x1  }
0x4e: {  	[sflag:s21] =	ssyncset.done $0x0  }
0x4f: {  	[sflag:s21] =	ssyncadd.s32 $0xFFFFFE00  }
.LBB2_1:
0x50: {  	[dreg:$0x17] =	wrdreg s16  }
0x51: {  	s14 =	rddreg [dreg:$0x5]  }
0x52: {  	[tilespmem:s4], [sflag:$0x9] =	stream.linear.gather [hbm4b:s14+s4], $0x200, $0x38;
	[tilespmem:$0xE800] =	vst v63  }
0x53: {  	s16 =	simm.s32 $0x400;
	s14 =	rddreg [dreg:$0x6]  }
0x54: {  	[tilespmem:s16], [sflag:$0x9] =	stream.linear.gather [hbm4b:s14+s4], $0x200, $0x38;
	[tilespmem:$0xE800] =	vst v63  }
0x55: {  	s16 =	rddreg [dreg:$0x7]  }
0x56: {  	s14 =	rddreg [dreg:$0x9]  }
0x57: {  	[tilespmem:s26], [sflag:$0xA] =	stream.linear.gather [hbm4b:s16+s4], $0x200, $0x38;
	[tilespmem:$0xE800] =	vst v63  }
0x58: {  	s16 =	rddreg [dreg:$0x8]  }
0x59: {  	[tilespmem:s28], [sflag:$0xA] =	stream.linear.gather [hbm4b:s16+s4], $0x200, $0x38;
	[tilespmem:$0xE800] =	vst v63  }
0x5a: {  	s16 =	rddreg [dreg:$0x16]  }
0x5b: {  	[spmem:s16], [sflag:s18] =	dma.local [hbm:s14], $0xA00  }
0x5c: {  	_ =	swait.ge [sflag:s21], $0xA00  }
0x5d: {  	[sflag:s21] =	ssyncset.done $0x0  }
0x5e: {  	s14 =	simm.s32 $0x80;
	s16 =	simm.s32 $0x0;
	[sflag:s21] =	ssyncadd.s32 $0xFFFFF600  }
.LBB2_2:
0x5f: {  	p0 =	sne.s32 s14, $0x3F80;
	[tilespmem:s16+$0x800] =	vst v0;
	s21 =	smov.u32 s14;
	s14 =	sadd.s32 $0x80, s14  }
.Ltmp2:
0x60: {  	[tilespmem:s16+$0x810] =	vst v0;
	(pc) =	sbr.rel @p0 .LBB2_2-.Ltmp2, $2  }
0x61: {  	_ =	sdelay $0x2  }
0x62: {  	s16 =	sshra.s32 s21, $0x2  }
0x63: {  	[tilespmem:s16+$0x800] =	vst v0  }
0x64: {  	[tilespmem:s16+$0x810] =	vst v0;
	s14 =	rddreg [dreg:$0xb];
	s16 =	simm.s32 $0xB  }
0x65: {  	[spmem:s14] =	stream.linear.scatter [tilespmem:s30], [sflag:$0xB], $0x1000, $0x38;
	[tilespmem:$0xE800] =	vst v63  }
0x66: {  	_ =	swait.ge [sflag:s16], $0x1000  }
0x67: {  	[sflag:s16] =	ssyncset.done $0x0  }
0x68: {  	s18 =	rddreg [dreg:$0xc];
	[sflag:s16] =	ssyncadd.s32 $0xFFFFF000  }
0x69: {  	[spmem:s18] =	stream.linear.scatter [tilespmem:s30], [sflag:$0xB], $0x1000, $0x38;
	[tilespmem:$0xE800] =	vst v63  }
0x6a: {  	_ =	swait.ge [sflag:s16], $0x1000  }
0x6b: {  	[sflag:s16] =	ssyncset.done $0x0  }
0x6c: {  	s21 =	rddreg [dreg:$0x12];
	[sflag:s16] =	ssyncadd.s32 $0xFFFFF000  }
0x6d: {  	[spmem:s21] =	stream.linear.scatter [tilespmem:s30], [sflag:$0xB], $0x1000, $0x38;
	[tilespmem:$0xE800] =	vst v63  }
0x6e: {  	_ =	swait.ge [sflag:s16], $0x1000  }
0x6f: {  	[sflag:s16] =	ssyncset.done $0x0  }
0x70: {  	s18 =	rddreg [dreg:$0x13];
	[sflag:s16] =	ssyncadd.s32 $0xFFFFF000  }
0x71: {  	[spmem:s18] =	stream.linear.scatter [tilespmem:s30], [sflag:$0xB], $0x1000, $0x38;
	[tilespmem:$0xE800] =	vst v63  }
0x72: {  	_ =	swait.ge [sflag:s16], $0x1000  }
0x73: {  	[sflag:s16] =	ssyncset.done $0x0  }
0x74: {  	s21 =	rddreg [dreg:$0x14];
	[sflag:s16] =	ssyncadd.s32 $0xFFFFF000  }
0x75: {  	[spmem:s21] =	stream.linear.scatter [tilespmem:s30], [sflag:$0xB], $0x1000, $0x38;
	[tilespmem:$0xE800] =	vst v63  }
0x76: {  	_ =	swait.ge [sflag:s16], $0x1000  }
0x77: {  	[sflag:s16] =	ssyncset.done $0x0  }
0x78: {  	[sflag:s16] =	ssyncadd.s32 $0xFFFFF000  }
0x79: {  	[bflag:$0x0] =	sbarrier.arrive $0xFFFF  }
0x7a: {  	_ =	swait.ge [sflag:s31], $0x200  }
0x7b: {  	[sflag:s31] =	ssyncset.done $0x0  }
0x7c: {  	[sflag:s31] =	ssyncadd.s32 $0xFFFFFE00  }
0x7d: {  	_ =	swait.ge [sflag:s31], $0x200  }
0x7e: {  	[sflag:s31] =	ssyncset.done $0x0  }
0x7f: {  	[sflag:s31] =	ssyncadd.s32 $0xFFFFFE00  }
0x80: {  	[tilespmem:s30], [sflag:$0x1] =	stream.indirect.gather [spmem:s1], $0x20, s4, s0, $0xb8;
	[tilespmem:$0xE800] =	vst v63  }
0x81: {  	_ = 	snop  }
0x82: {  	[tilespmem:s3], [sflag:$0x2] =	stream.indirect.gather [spmem:s1], $0x20, s0, s0, $0xb8;
	[tilespmem:$0xE800] =	vst v63  }
0x83: {  	s18 =	simm.s32 $0x100  }
0x84: {  	[tilespmem:s6], [sflag:$0x3] =	stream.indirect.gather [spmem:s1], $0x20, s18, s0, $0xb8;
	[tilespmem:$0xE800] =	vst v63  }
0x85: {  	s14 =	simm.s32 $0xFFFFF680;
	s21 =	simm.s32 $0x180  }
0x86: {  	[tilespmem:s8], [sflag:$0x4] =	stream.indirect.gather [spmem:s1], $0x20, s21, s0, $0xb8;
	[tilespmem:$0xE800] =	vst v63  }
.LBB2_4:
0x87: {  	_ =	swait.ge [sflag:s9], $0x1000  }
0x88: {  	[sflag:s9] =	ssyncset.done $0x0  }
0x89: {  	s16 =	simm.s32 $0x400;
	[sflag:s9] =	ssyncadd.s32 $0xFFFFF000  }
0x8a: {  	[spmem:s2] =	stream.indirect.scatter.add.bf16 [tilespmem:s30], [sflag:$0x5], $0x20, s16, s0, $0xb8;
	[tilespmem:$0xE800] =	vst v63  }
0x8b: {  	_ =	swait.ge [sflag:s13], $0x1000  }
0x8c: {  	[sflag:s13] =	ssyncset.done $0x0  }
0x8d: {  	s18 =	simm.s32 $0x480;
	[sflag:s13] =	ssyncadd.s32 $0xFFFFF000  }
0x8e: {  	[spmem:s2] =	stream.indirect.scatter.add.bf16 [tilespmem:s3], [sflag:$0x6], $0x20, s18, s0, $0xb8;
	[tilespmem:$0xE800] =	vst v63  }
0x8f: {  	_ =	swait.ge [sflag:s15], $0x1000  }
0x90: {  	[sflag:s15] =	ssyncset.done $0x0  }
0x91: {  	s21 =	simm.s32 $0x500;
	[sflag:s15] =	ssyncadd.s32 $0xFFFFF000  }
0x92: {  	[spmem:s2] =	stream.indirect.scatter.add.bf16 [tilespmem:s6], [sflag:$0x7], $0x20, s21, s0, $0xb8;
	[tilespmem:$0xE800] =	vst v63  }
0x93: {  	_ =	swait.ge [sflag:s17], $0x1000  }
0x94: {  	[sflag:s17] =	ssyncset.done $0x0  }
0x95: {  	s18 =	simm.s32 $0x580;
	[sflag:s17] =	ssyncadd.s32 $0xFFFFF000  }
0x96: {  	[spmem:s2] =	stream.indirect.scatter.add.bf16 [tilespmem:s8], [sflag:$0x8], $0x20, s18, s0, $0xb8;
	[tilespmem:$0xE800] =	vst v63  }
0x97: {  	_ =	swait.ge [sflag:s25], $0x200  }
0x98: {  	[sflag:s25] =	ssyncset.done $0x0  }
0x99: {  	[sflag:s25] =	ssyncadd.s32 $0xFFFFFE00  }
0x9a: {  	_ =	swait.ge [sflag:s25], $0x200  }
0x9b: {  	[sflag:s25] =	ssyncset.done $0x0  }
0x9c: {  	[sflag:s25] =	ssyncadd.s32 $0xFFFFFE00  }
0x9d: {  	_ =	swait.ge [sflag:s11], $0x1000  }
0x9e: {  	[sflag:s11] =	ssyncset.done $0x0  }
0x9f: {  	[sflag:s11] =	ssyncadd.s32 $0xFFFFF000  }
0xa0: {  	[tilespmem:s30], [sflag:$0x1] =	stream.indirect.gather [spmem:s1], $0x20, s26, s0, $0xb8;
	[tilespmem:$0xE800] =	vst v63  }
0xa1: {  	_ =	swait.ge [sflag:s12], $0x1000  }
0xa2: {  	[sflag:s12] =	ssyncset.done $0x0  }
0xa3: {  	s21 =	simm.s32 $0x280;
	[sflag:s12] =	ssyncadd.s32 $0xFFFFF000  }
0xa4: {  	[tilespmem:s3], [sflag:$0x2] =	stream.indirect.gather [spmem:s1], $0x20, s21, s0, $0xb8;
	[tilespmem:$0xE800] =	vst v63  }
0xa5: {  	_ =	swait.ge [sflag:s19], $0x1000  }
0xa6: {  	[sflag:s19] =	ssyncset.done $0x0  }
0xa7: {  	[sflag:s19] =	ssyncadd.s32 $0xFFFFF000  }
0xa8: {  	[tilespmem:s6], [sflag:$0x3] =	stream.indirect.gather [spmem:s1], $0x20, s20, s0, $0xb8;
	[tilespmem:$0xE800] =	vst v63  }
0xa9: {  	_ =	swait.ge [sflag:s10], $0x1000  }
0xaa: {  	p0 =	seq.s32 s14, $0x0;
	[sflag:s10] =	ssyncset.done $0x0  }
0xab: {  	s16 =	sadd.s32 @!p0 s14, s23;
	[sflag:s10] =	ssyncadd.s32 $0xFFFFF000  }
0xac: {  	[tilespmem:s8], [sflag:$0x4] =	stream.indirect.gather [spmem:s1], $0x20, s24, s0, $0xb8;
	[tilespmem:$0xE800] =	vst v63  }
0xad: {  	s16 =	sadd.s32 @!p0 $0xA00, s16;
	s21 =	simm.s32 @!p0 $0x0  }
0xae: {  	[tilespmem:s21], [sflag:$0x9] =	stream.linear.gather @!p0 [hbm4b:s16+s21], $0x200, $0x38;
	[tilespmem:$0xE800] =	vst v63  }
0xaf: {  	s16 =	sadd.s32 @!p0 s14, s22  }
0xb0: {  	s18 =	simm.s32 @!p0 $0x400;
	s16 =	sadd.s32 @!p0 $0xA00, s16  }
0xb1: {  	[tilespmem:s18], [sflag:$0x9] =	stream.linear.gather @!p0 [hbm4b:s16+s21], $0x200, $0x38;
	[tilespmem:$0xE800] =	vst v63  }
0xb2: {  	_ =	swait.ge [sflag:s9], $0x1000  }
0xb3: {  	[sflag:s9] =	ssyncset.done $0x0  }
0xb4: {  	[sflag:s9] =	ssyncadd.s32 $0xFFFFF000  }
0xb5: {  	[spmem:s2] =	stream.indirect.scatter.add.bf16 [tilespmem:s30], [sflag:$0x5], $0x20, s28, s0, $0xb8;
	[tilespmem:$0xE800] =	vst v63  }
0xb6: {  	_ =	swait.ge [sflag:s13], $0x1000  }
0xb7: {  	[sflag:s13] =	ssyncset.done $0x0  }
0xb8: {  	[sflag:s13] =	ssyncadd.s32 $0xFFFFF000  }
0xb9: {  	[spmem:s2] =	stream.indirect.scatter.add.bf16 [tilespmem:s3], [sflag:$0x6], $0x20, s5, s0, $0xb8;
	[tilespmem:$0xE800] =	vst v63  }
0xba: {  	_ =	swait.ge [sflag:s15], $0x1000  }
0xbb: {  	[sflag:s15] =	ssyncset.done $0x0  }
0xbc: {  	[sflag:s15] =	ssyncadd.s32 $0xFFFFF000  }
0xbd: {  	[spmem:s2] =	stream.indirect.scatter.add.bf16 [tilespmem:s6], [sflag:$0x7], $0x20, s7, s0, $0xb8;
	[tilespmem:$0xE800] =	vst v63  }
.Ltmp3:
0xbe: {  	_ = 	snop;
	(pc) =	sbr.rel @p0 .LBB2_6-.Ltmp3, $4  }
0xbf: {  	_ =	swait.ge [sflag:s17], $0x1000  }
0xc0: {  	[sflag:s17] =	ssyncset.done $0x0  }
0xc1: {  	[sflag:s17] =	ssyncadd.s32 $0xFFFFF000  }
0xc2: {  	[spmem:s2] =	stream.indirect.scatter.add.bf16 [tilespmem:s8], [sflag:$0x8], $0x20, s29, s0, $0xb8;
	[tilespmem:$0xE800] =	vst v63  }
0xc3: {  	_ =	swait.ge [sflag:s31], $0x200  }
0xc4: {  	[sflag:s31] =	ssyncset.done $0x0  }
0xc5: {  	[sflag:s31] =	ssyncadd.s32 $0xFFFFFE00  }
0xc6: {  	_ =	swait.ge [sflag:s31], $0x200  }
0xc7: {  	[sflag:s31] =	ssyncset.done $0x0  }
0xc8: {  	[sflag:s31] =	ssyncadd.s32 $0xFFFFFE00  }
0xc9: {  	_ =	swait.ge [sflag:s11], $0x1000  }
0xca: {  	[sflag:s11] =	ssyncset.done $0x0  }
0xcb: {  	[sflag:s11] =	ssyncadd.s32 $0xFFFFF000  }
0xcc: {  	[tilespmem:s30], [sflag:$0x1] =	stream.indirect.gather [spmem:s1], $0x20, s4, s0, $0xb8;
	[tilespmem:$0xE800] =	vst v63  }
0xcd: {  	_ =	swait.ge [sflag:s12], $0x1000  }
0xce: {  	[sflag:s12] =	ssyncset.done $0x0  }
0xcf: {  	[sflag:s12] =	ssyncadd.s32 $0xFFFFF000  }
0xd0: {  	[tilespmem:s3], [sflag:$0x2] =	stream.indirect.gather [spmem:s1], $0x20, s0, s0, $0xb8;
	[tilespmem:$0xE800] =	vst v63  }
0xd1: {  	_ =	swait.ge [sflag:s19], $0x1000  }
0xd2: {  	[sflag:s19] =	ssyncset.done $0x0  }
0xd3: {  	s16 =	simm.s32 $0x100;
	[sflag:s19] =	ssyncadd.s32 $0xFFFFF000  }
0xd4: {  	[tilespmem:s6], [sflag:$0x3] =	stream.indirect.gather [spmem:s1], $0x20, s16, s0, $0xb8;
	[tilespmem:$0xE800] =	vst v63  }
0xd5: {  	_ =	swait.ge [sflag:s10], $0x1000  }
0xd6: {  	[sflag:s10] =	ssyncset.done $0x0  }
0xd7: {  	s21 =	simm.s32 $0x180;
	[sflag:s10] =	ssyncadd.s32 $0xFFFFF000  }
0xd8: {  	[tilespmem:s8], [sflag:$0x4] =	stream.indirect.gather [spmem:s1], $0x20, s21, s0, $0xb8;
	[tilespmem:$0xE800] =	vst v63  }
.Ltmp4:
0xd9: {  	s18 =	sadd.s32 s14, s23;
	(pc) =	sbr.rel .LBB2_4-.Ltmp4, $4  }
0xda: {  	s16 =	sadd.s32 $0xA40, s18;
	s21 =	sadd.s32 s14, s22  }
0xdb: {  	[tilespmem:s26], [sflag:$0xA] =	stream.linear.gather [hbm4b:s16+s4], $0x200, $0x38;
	[tilespmem:$0xE800] =	vst v63  }
0xdc: {  	s14 =	sadd.s32 $0x80, s14;
	s16 =	sadd.s32 $0xA40, s21  }
0xdd: {  	[tilespmem:s28], [sflag:$0xA] =	stream.linear.gather [hbm4b:s16+s4], $0x200, $0x38;
	[tilespmem:$0xE800] =	vst v63  }
.LBB2_7:
0xde: {  	_ =	sfence.sel $0x180000  }
0xdf: {  	[bflag:$0x0] =	sbarrier.arrive $0xFFFF  }
0xe0: {  	_ =	strace $0x9000004D  }
0xe1: {  	s0 =	stileid.u32;
	[bflag:$0x2] =	sbarrier.arrive $0xFFFF  }
0xe2: {  	p0 =	sne.s32 s0, $0x0;
	s0 =	rddreg [dreg:$0x4]  }
0xe3: {  	s0 =	sadd.s32 @!p0 $0x100000, s0  }
0xe4: {  	[sflag:s0] =	ssyncadd.tile.s32 @!p0 $0x1;
	_ =	shalt  }
.Lfunc_end2:
_tile_overlayer_lowered:
.L_overlay_start_2:
0xe5: {  	(tag) =	ssettag $0x2  }
0xe6: {  	s0 =	rddreg [dreg:$0x0];
	s2 =	stileid.u32  }
0xe7: {  	s1 =	rddreg [dreg:$0x1];
	p0 =	sne.s32 s2, $0x0  }
0xe8: {  	s3 =	rddreg [dreg:$0x2];
	[bflag:$0x3] =	sbarrier.arrive $0xFFFF;
	s2 =	simm.s32 @!p0 $0x1C0B  }
0xe9: {  	[timem:s3], [sflag:s2] =	dma.local @!p0 [hbm:s0], s1  }
0xea: {  	s0 =	simm.s32 @!p0 $0xB  }
0xeb: {  	_ =	swait.ge @!p0 [sflag:s0], s1  }
0xec: {  	s1 =	ssub.s32 @!p0 $0x0, s1;
	[sflag:s0] =	ssyncset.done @!p0 $0x0  }
0xed: {  	[sflag:s0] =	ssyncadd.s32 @!p0 s1  }
0xee: {  	[bflag:$0x3] =	sbarrier.arrive $0xFFFF  }
0xef: {  	_ =	shalt  }

// kernel: kernel.8.cloned.1.call-start
scs
__scs_entry_jumppad:
0x0: {  	(pc) =	sbr.rel $0x88, $3  }
0x1: {  	(tag) =	ssettag $0x0;
	lr =	simm.s32 $0x1  }
0x2: {  	[smem:$0x3F9B] =	sst lr;
	_ =	strace $0xD0000000  }
0x3: {  	_ = 	snop  }
0x4: {  	_ = 	snop  }
0x5: {  	_ = 	snop  }
0x6: {  	_ = 	snop  }
0x7: {  	_ = 	snop  }
__scs_overlays_trampoline_lowered:
0x8: {  	[smem:$0x3FAA] =	sst s0  }
0x9: {  	[smem:$0x3FAB] =	sst s1  }
0xa: {  	[smem:$0x3FAC] =	sst s2  }
0xb: {  	[smem:$0x3FAD] =	sst s3  }
0xc: {  	[smem:$0x3FAE] =	sst s4  }
0xd: {  	[smem:$0x3FAF] =	sst s5  }
0xe: {  	[smem:$0x3FB0] =	sst s6  }
0xf: {  	[smem:$0x3FB1] =	sst s7  }
0x10: {  	[smem:$0x3FB2] =	sst s8  }
0x11: {  	[smem:$0x3FB3] =	sst s9;
	s0 =	simm.s32 @!p0 $0x0  }
0x12: {  	s1 =	sld [smem:$0x3F99];
	s0 =	simm.s32 @p0 $0x1  }
0x13: {  	[smem:$0x3FB4] =	sst s0;
	s0 =	simm.s32 @!p1 $0x0  }
0x14: {  	s2 =	sld [smem:$0x3F98];
	s0 =	simm.s32 @p1 $0x1  }
0x15: {  	[smem:$0x3FB5] =	sst s0;
	s0 =	simm.s32 @!p2 $0x0  }
0x16: {  	s3 =	sld [smem:$0x3FDB];
	s0 =	simm.s32 @p2 $0x1  }
0x17: {  	s4 =	simm.s32 $0x1BF5;
	[smem:$0x3FB7] =	sst s0  }
0x18: {  	s0 =	sld [smem:$0x3F9A];
	_ =	swait.ge [sflag:s4], $0x0  }
0x19: {  	s7 =	sld [smem:$0x3F9B]  }
0x1a: {  	s8 =	sadd.s32 $0xFFFFE003, lr  }
0x1b: {  	s9 =	sadd.s32 $0xFFFFFEF7, lr;
	s5 =	simm.s32 $0xFFFFFFFF;
	p2 =	slt.u32 s8, $0xFFFFF086  }
0x1c: {  	p1 =	slt.u32 s9, $0xF7A;
	s5 =	simm.s32 @!p2 $0x0  }
0x1d: {  	s5 =	simm.s32 @p1 $0x1;
	p0 =	seq.s32 s7, s2  }
0x1e: {  	s7 =	smul.u32 @!p0 $0xF7A, s2;
	p2 =	seq.s32 @!p0 s5, $0x0  }
0x1f: {  	s9 =	smul.u32 $0xF7A, s1;
	s8 =	simm.s32 @!p0 $0x1BF5;
	p2 =	por !p2, p0  }
0x20: {  	[sflag:s8] =	ssyncset.s32 @!p0 $0xFFFFF086;
	s6 =	sadd.s32 @!p0 s3, s7;
	s7 =	simm.s32 @!p0 $0x108  }
0x21: {  	s3 =	sadd.s32 s3, s9;
	s6 =	sadd.s32 @!p0 $0x88, s6;
	s7 =	simm.s32 @p2 $0x1082  }
0x22: {  	[simem:s7], [sflag:s8] =	dma.local @!p0 [hbm:s6], $0xF7A  }
0x23: {  	s9 =	sor.u32 $0xD0000000, s2;
	s6 =	simm.s32 $0x108;
	_ =	swait.ge @!p0 [sflag:s8], $0x0  }
0x24: {  	s3 =	sadd.s32 $0x88, s3;
	s6 =	simm.s32 @!p1 $0x1082;
	[sflag:s4] =	ssyncset.s32 $0xFFFFF086  }
0x25: {  	[simem:s6], [sflag:s4] =	dma.local [hbm:s3], $0xF7A  }
0x26: {  	[smem:$0x3F9B] =	sst s1;
	(tag) =	ssettag s2;
	_ =	strace s9  }
0x27: {  	s1 =	sld [smem:$0x3FAB]  }
0x28: {  	s2 =	sld [smem:$0x3FAC]  }
0x29: {  	s4 =	sld [smem:$0x3FAE]  }
0x2a: {  	p0 =	seq.s32 s5, $0x0;
	s5 =	sld [smem:$0x3FAF]  }
0x2b: {  	s6 =	sld [smem:$0x3FB0]  }
0x2c: {  	s7 =	sld [smem:$0x3FB1]  }
0x2d: {  	s3 =	simm.s32 $0x108;
	s8 =	sld [smem:$0x3FB2]  }
0x2e: {  	s3 =	simm.s32 @!p0 $0x1082;
	s9 =	sld [smem:$0x3FB3]  }
0x2f: {  	lr =	sadd.s32 s0, s3;
	s0 =	sld [smem:$0x3FAA]  }
0x30: {  	s3 =	sld [smem:$0x3FAD]  }
0x31: {  	[smem:$0x3FB6] =	sst s10  }
0x32: {  	s10 =	sld [smem:$0x3FB4];
	_ =	sdelay $0x3  }
0x33: {  	p0 =	seq.s32 s10, $0x1;
	s10 =	sld [smem:$0x3FB6];
	_ =	sdelay $0x3  }
0x34: {  	[smem:$0x3FB6] =	sst s10  }
0x35: {  	s10 =	sld [smem:$0x3FB5];
	_ =	sdelay $0x3  }
0x36: {  	p1 =	seq.s32 s10, $0x1;
	s10 =	sld [smem:$0x3FB6];
	_ =	sdelay $0x3  }
0x37: {  	[smem:$0x3FB6] =	sst s10  }
0x38: {  	s10 =	sld [smem:$0x3FB7]  }
0x39: {  	_ = 	snop;
	(pc) =	sbr.ind lr, $3  }
0x3a: {  	_ = 	snop  }
0x3b: {  	_ = 	snop  }
0x3c: {  	p2 =	seq.s32 s10, $0x1;
	s10 =	sld [smem:$0x3FB6]  }
0x3d: {  	_ =	shalt  }
0x3e: {  	_ =	shalt  }
0x3f: {  	_ =	shalt  }
0x40: {  	_ =	shalt  }
0x41: {  	_ =	shalt  }
0x42: {  	_ =	shalt  }
0x43: {  	_ =	shalt  }
0x44: {  	_ =	shalt  }
0x45: {  	_ =	shalt  }
0x46: {  	_ =	shalt  }
0x47: {  	_ =	shalt  }
0x48: {  	_ =	shalt  }
0x49: {  	_ =	shalt  }
0x4a: {  	_ =	shalt  }
0x4b: {  	_ =	shalt  }
0x4c: {  	_ =	shalt  }
0x4d: {  	_ =	shalt  }
0x4e: {  	_ =	shalt  }
0x4f: {  	_ =	shalt  }
0x50: {  	_ =	shalt  }
0x51: {  	_ =	shalt  }
0x52: {  	_ =	shalt  }
0x53: {  	_ =	shalt  }
0x54: {  	_ =	shalt  }
0x55: {  	_ =	shalt  }
0x56: {  	_ =	shalt  }
0x57: {  	_ =	shalt  }
0x58: {  	_ =	shalt  }
0x59: {  	_ =	shalt  }
0x5a: {  	_ =	shalt  }
0x5b: {  	_ =	shalt  }
0x5c: {  	_ =	shalt  }
0x5d: {  	_ =	shalt  }
0x5e: {  	_ =	shalt  }
0x5f: {  	_ =	shalt  }
0x60: {  	_ =	shalt  }
0x61: {  	_ =	shalt  }
0x62: {  	_ =	shalt  }
0x63: {  	_ =	shalt  }
0x64: {  	_ =	shalt  }
0x65: {  	_ =	shalt  }
0x66: {  	_ =	shalt  }
0x67: {  	_ =	shalt  }
0x68: {  	_ =	shalt  }
0x69: {  	_ =	shalt  }
0x6a: {  	_ =	shalt  }
0x6b: {  	_ =	shalt  }
0x6c: {  	_ =	shalt  }
0x6d: {  	_ =	shalt  }
0x6e: {  	_ =	shalt  }
0x6f: {  	_ =	shalt  }
0x70: {  	_ =	shalt  }
0x71: {  	_ =	shalt  }
0x72: {  	_ =	shalt  }
0x73: {  	_ =	shalt  }
0x74: {  	_ =	shalt  }
0x75: {  	_ =	shalt  }
0x76: {  	_ =	shalt  }
0x77: {  	_ =	shalt  }
0x78: {  	_ =	shalt  }
0x79: {  	_ =	shalt  }
0x7a: {  	_ =	shalt  }
0x7b: {  	_ =	shalt  }
0x7c: {  	_ =	shalt  }
0x7d: {  	_ =	shalt  }
0x7e: {  	_ =	shalt  }
0x7f: {  	_ =	shalt  }
0x80: {  	_ =	shalt  }
0x81: {  	_ =	shalt  }
0x82: {  	_ =	shalt  }
0x83: {  	_ =	shalt  }
0x84: {  	_ =	shalt  }
0x85: {  	_ =	shalt  }
0x86: {  	_ =	shalt  }
0x87: {  	_ =	shalt  }
.Lfunc_end0:
.L_simem_size_0:
called_computation_lowered:
.L_overlay_start_0:
0x88: {  	s2 =	sld [smem:$0x3FD9]  }
0x89: {  	s3 =	sld [smem:$0x3FFE];
	_ =	sdelay $0x1  }
0x8a: {  	s1 =	srdreg.scid  }
0x8b: {  	s0 =	sand.u32 $0x1, s1  }
0x8c: {  	s17 =	sshll.u32 s0, $0xA;
	s2 =	sadd.s32 s3, s2  }
0x8d: {  	s2 =	sadd.s32 s2, s17  }
0x8e: {  	[smem:$0x3FC2] =	sst s2  }
0x8f: {  	_ = 	snop  }
0x90: {  	s2 =	sld [smem:$0x3FD0];
	(tm) =	ssettm $0x1  }
0x91: {  	s18 =	sld [smem:$0x3FFB];
	_ =	sdelay $0x3  }
0x92: {  	_ =	strace s18  }
0x93: {  	s3 =	sld [smem:$0x3FFC];
	_ =	sdelay $0x3  }
0x94: {  	_ =	strace s3  }
0x95: {  	s3 =	sld [smem:$0x3FFD];
	_ =	sdelay $0x3  }
0x96: {  	_ =	strace s3  }
0x97: {  	_ =	strace $0x8FFFFFFF  }
0x98: {  	s19 =	sld [smem:$0x3FDB];
	_ =	sdelay $0x1  }
0x99: {  	s4 =	simm.s32 $_scs_section_size  }
0x9a: {  	s5 =	simm.s32 $_size__tile_overlayer_lowered;
	s6 =	simm.s32 $_tile_overlayer_lowered  }
0x9b: {  	s22 =	simm.s32 $0x1BFF;
	s21 =	sshll.u32 s6, $0x1;
	s3 =	sadd.s32 s4, s19  }
0x9c: {  	s7 =	simm.s32 $0x0;
	s20 =	sshll.u32 s5, $0x1;
	s5 =	sadd.s32 s21, s3  }
0x9d: {  	[timem:s7], [sflag:s22] =	dma.local [hbm:s5], s20  }
0x9e: {  	_ =	swait.ge [sflag:s22], s20  }
0x9f: {  	s4 =	ssub.s32 $0x0, s20;
	[sflag:s22] =	ssyncset.done $0x0  }
0xa0: {  	[sflag:s22] =	ssyncadd.s32 s4;
	_ =	sdelay $0x1  }
0xa1: {  	s23 =	simm.s32 $0x1B8B  }
0xa2: {  	_ =	swait.ge [sflag:s23], $0x1  }
0xa3: {  	[sflag:s23] =	ssyncset.done $0x0  }
0xa4: {  	s25 =	simm.s32 $0x1B8E;
	s24 =	sld [smem:$0x3FFE];
	[sflag:s23] =	ssyncadd.s32 $0xFFFFFFFF  }
0xa5: {  	s26 =	simm.s32 $execute0_lowered;
	[smem:$0x3FD2] =	sst s25  }
0xa6: {  	s5 =	sshll.u32 s26, $0x1;
	_ =	strace $0x80000046;
	[dreg:$0x1] =	wrdreg $0xFFFFFFFF  }
0xa7: {  	s28 =	simm.s32 $_size_execute0_lowered;
	s3 =	sadd.s32 s3, s5;
	[dreg:$0x0] =	wrdreg $0x0  }
0xa8: {  	s5 =	sshll.u32 s28, $0x1;
	[dreg:$0x2] =	wrdreg s3  }
0xa9: {  	[dreg:$0x3] =	wrdreg s5  }
0xaa: {  	[dreg:$0x4] =	wrdreg $0xC0  }
0xab: {  	_ =	task [dreg:s7], $0x5FFFF  }
0xac: {  	[dreg:$0x1] =	wrdreg $0xFFFFFFFF  }
0xad: {  	[dreg:$0x0] =	wrdreg $0x60  }
0xae: {  	[dreg:$0x2] =	wrdreg s24  }
0xaf: {  	[dreg:$0x3] =	wrdreg s2  }
0xb0: {  	[dreg:$0x4] =	wrdreg $0x38000  }
0xb1: {  	[dreg:$0x5] =	wrdreg $0x9  }
0xb2: {  	_ =	task.clear_ibuf [dreg:s7], $0x6FFFF;
	_ =	strace $0x90000046  }
0xb3: {  	s29 =	simm.s32 $0x9;
	_ =	strace $0x80000048  }
0xb4: {  	_ =	swait.ge [sflag:s29], $0x1  }
0xb5: {  	[sflag:s29] =	ssyncadd.s32 $0xFFFFFFFF  }
0xb6: {  	_ =	strace $0x90000048  }
0xb7: {  	_ =	sfence  }
0xb8: {  	s30 =	sld [smem:$0x0];
	_ =	sdelay $0x2  }
0xb9: {  	s31 =	sshll.u32 s1, $0xD;
	s1 =	sshrl.u32 s1, $0x2  }
0xba: {  	s3 =	sand.u32 $0x4000, s31;
	s1 =	sadd.s32 s1, s30  }
0xbb: {  	s0 =	sor.u32 s3, s0;
	s1 =	sshll.u32 s1, $0x11  }
0xbc: {  	s0 =	sor.u32 s1, s0  }
0xbd: {  	s0 =	sadd.s32 $0x8F2B, s0  }
0xbe: {  	[sflag:s0] =	ssyncadd.remote.s32 $0x1  }
0xbf: {  	_ =	sfence.sel $0xFFFF  }
0xc0: {  	[dreg:$0x0] =	wrdreg $0xFFFFFFFF;
	(pc) =	sbr.abs _section_cstart, $3  }
0xc1: {  	[dreg:$0x1] =	wrdreg $0xFFFFFFFF  }
0xc2: {  	_ =	task.clear_ibuf [dreg:s7], $0x2FFFF;
	_ =	strace $0x9FFFFFFF  }
0xc3: {  	(tm) =	ssettm $0x7FFFFFFF  }
tec
execute0_lowered:
.L_overlay_start_1:
0x0: {  	(tag) =	ssettag $0x1  }
0x1: {  	s1 =	srdreg.scid;
	s4 =	rddreg [dreg:$0x0]  }
0x2: {  	s0 =	stileid.u32;
	s10 =	rddreg [dreg:$0x1]  }
0x3: {  	s2 =	rddreg [dreg:$0x2];
	s3 =	simm.s32 $0x0;
	s6 =	smul.u32 $0x5000, s0  }
0x4: {  	s14 =	simm.s32 $0x80;
	s15 =	simm.s32 $0x2800;
	s26 =	smul.u32 $0xA000, s0  }
0x5: {  	s5 =	sand.u32 $0x1, s1;
	s1 =	rddreg [dreg:$0x3];
	s8 =	smul.u32 $0x2800, s0  }
0x6: {  	[smem:$0x7FF] =	sst s3;
	s16 =	sshll.u32 s0, $0x6;
	s7 =	smul.u32 $0x2800, s5  }
0x7: {  	_ =	strace $0x80000047;
	s28 =	ssub.s32 $0x2, s5;
	s12 =	smul.u32 $0x28000, s5  }
0x8: {  	s16 =	sor.u32 $0x1C01, s16;
	s29 =	sshrl.u32 s26, $0x2;
	s30 =	sshrl.u32 s28, $0x1  }
0x9: {  	s6 =	sadd.s32 s7, s6;
	s11 =	sadd.s32 s29, s2;
	s13 =	ssub.s32 s28, s30  }
0xa: {  	s12 =	sadd.s32 s8, s12;
	s6 =	sshrl.u32 s6, $0x3;
	s5 =	sadd.s32 $0x800, s11  }
0xb: {  	s7 =	sadd.s32 $0x1800, s11;
	s31 =	sshrl.u32 s12, $0x3;
	s12 =	simm.s32 $0x3000  }
0xc: {  	s9 =	sadd.s32 s6, s4;
	s4 =	sadd.s32 s8, s2;
	s6 =	sadd.s32 $0x1000, s11  }
0xd: {  	s8 =	sadd.s32 $0x2000, s11;
	s10 =	sadd.s32 s10, s31;
	s11 =	smax.u32 s13, $0x1  }
0xe: {  	v0 =	vimm.f32 $1.000000000e+00;
	v1 =	vimm.f32 $0.0e+00;
	s13 =	simm.s32 $0x1;
	s9 =	sadd.s32 $0x1600, s9;
	s17 =	sshrl.u32 s4, $0x3  }
.LBB2_1:
0xf: {  	s18 =	simm.s32 $0x40;
	s19 =	simm.s32 $0x0  }
.LBB2_2:
0x10: {  	p0 =	sne.s32 s18, $0x1FC0;
	[tilespmem:s19+$0x2800] =	vst v0;
	s20 =	smov.u32 s18;
	s18 =	sadd.s32 $0x40, s18  }
.Ltmp0:
0x11: {  	[tilespmem:s19+$0x3000] =	vst v1;
	(pc) =	sbr.rel @p0 .LBB2_2-.Ltmp0, $2  }
0x12: {  	_ =	sdelay $0x2  }
0x13: {  	s19 =	sshra.s32 s20, $0x2  }
0x14: {  	[tilespmem:s19+$0x2800] =	vst v0  }
0x15: {  	[tilespmem:s19+$0x3000] =	vst v1  }
0x16: {  	[spmem:s4] =	stream.linear.scatter [tilespmem:s12], [sflag:$0x1], $0x800, $0x38;
	[tilespmem:$0x6000] =	vst v63  }
0x17: {  	_ =	swait.ge [sflag:s13], $0x800  }
0x18: {  	[sflag:s13] =	ssyncset.done $0x0  }
0x19: {  	[sflag:s13] =	ssyncadd.s32 $0xFFFFF800  }
0x1a: {  	[spmem:s5] =	stream.linear.scatter [tilespmem:s12], [sflag:$0x1], $0x800, $0x38;
	[tilespmem:$0x6000] =	vst v63  }
0x1b: {  	_ =	swait.ge [sflag:s13], $0x800  }
0x1c: {  	[sflag:s13] =	ssyncset.done $0x0  }
0x1d: {  	[sflag:s13] =	ssyncadd.s32 $0xFFFFF800  }
0x1e: {  	[spmem:s6] =	stream.linear.scatter [tilespmem:s12], [sflag:$0x1], $0x800, $0x38;
	[tilespmem:$0x6000] =	vst v63  }
0x1f: {  	_ =	swait.ge [sflag:s13], $0x800  }
0x20: {  	[sflag:s13] =	ssyncset.done $0x0  }
0x21: {  	[sflag:s13] =	ssyncadd.s32 $0xFFFFF800  }
0x22: {  	[spmem:s7] =	stream.linear.scatter [tilespmem:s12], [sflag:$0x1], $0x800, $0x38;
	[tilespmem:$0x6000] =	vst v63  }
0x23: {  	_ =	swait.ge [sflag:s13], $0x800  }
0x24: {  	[sflag:s13] =	ssyncset.done $0x0  }
0x25: {  	[sflag:s13] =	ssyncadd.s32 $0xFFFFF800  }
0x26: {  	[spmem:s8] =	stream.linear.scatter [tilespmem:s12], [sflag:$0x1], $0x800, $0x38;
	[tilespmem:$0x6000] =	vst v63  }
0x27: {  	_ =	swait.ge [sflag:s13], $0x800  }
0x28: {  	[sflag:s13] =	ssyncset.done $0x0  }
0x29: {  	s18 =	simm.s32 $0x0;
	[sflag:s13] =	ssyncadd.s32 $0xFFFFF800  }
0x2a: {  	[tilespmem:s18], [sflag:$0x1] =	stream.linear.gather [hbm4b:s9+s18], $0x2800, $0x38;
	[tilespmem:$0x6000] =	vst v63  }
0x2b: {  	_ =	swait.ge [sflag:s13], $0x2800  }
0x2c: {  	[sflag:s13] =	ssyncset.done $0x0  }
0x2d: {  	[sflag:s13] =	ssyncadd.s32 $0xFFFFD800  }
0x2e: {  	s31 =	simm.s32 $0x0;
	[bflag:$0x0] =	sbarrier.arrive $0xFFFF  }
0x2f: {  	[spmem:s2] =	stream.indirect.scatter.add.f32 [tilespmem:s15], [sflag:$0x1], $0x10, s31, s14, $0xb8;
	[tilespmem:$0x6000] =	vst v63  }
0x30: {  	_ =	swait.ge [sflag:s13], $0x800  }
0x31: {  	s18 =	simm.s32 $0x200;
	[sflag:s13] =	ssyncset.done $0x0  }
.LBB2_4:
0x32: {  	s19 =	sshra.s32 s18, $0x2;
	[sflag:s13] =	ssyncadd.s32 $0xFFFFF800;
	p0 =	sne.s32 s18, $0x9E00  }
0x33: {  	[spmem:s2] =	stream.indirect.scatter.add.f32 [tilespmem:s15], [sflag:$0x1], $0x10, s19, s14, $0xb8;
	[tilespmem:$0x6000] =	vst v63  }
.Ltmp1:
0x34: {  	_ = 	snop;
	(pc) =	sbr.rel @p0 .LBB2_4-.Ltmp1, $4  }
0x35: {  	_ = 	snop  }
0x36: {  	s18 =	sadd.s32 $0x200, s18  }
0x37: {  	_ =	swait.ge [sflag:s13], $0x800  }
0x38: {  	[sflag:s13] =	ssyncset.done $0x0  }
0x39: {  	s3 =	sadd.s32 $0x1, s3  }
0x3a: {  	[sflag:s13] =	ssyncadd.s32 $0xFFFFF800;
	p0 =	sne.s32 s3, s11  }
.Ltmp2:
0x3b: {  	[bflag:$0x0] =	sbarrier.arrive $0xFFFF;
	(pc) =	sbr.rel @p0 .LBB2_1-.Ltmp2, $4  }
0x3c: {  	[hbm:s10], [sflag:s16] =	dma.local [spmem:s17], $0x500  }
0x3d: {  	_ =	swait.ge [sflag:s13], $0x500  }
0x3e: {  	[sflag:s13] =	ssyncset.done $0x0  }
0x3f: {  	[sflag:s13] =	ssyncadd.s32 $0xFFFFFB00  }
0x40: {  	_ =	sfence.sel $0x180000  }
0x41: {  	[bflag:$0x0] =	sbarrier.arrive $0xFFFF  }
0x42: {  	p0 =	sne.s32 s0, $0x0;
	_ =	strace $0x90000047  }
0x43: {  	s0 =	sadd.s32 @!p0 $0x100000, s1;
	[bflag:$0x2] =	sbarrier.arrive $0xFFFF  }
0x44: {  	[sflag:s0] =	ssyncadd.tile.s32 @!p0 $0x1;
	_ =	shalt  }
.Lfunc_end2:
_tile_overlayer_lowered:
.L_overlay_start_2:
0x45: {  	(tag) =	ssettag $0x2  }
0x46: {  	s0 =	rddreg [dreg:$0x0];
	s2 =	stileid.u32  }
0x47: {  	s1 =	rddreg [dreg:$0x1];
	p0 =	sne.s32 s2, $0x0  }
0x48: {  	s3 =	rddreg [dreg:$0x2];
	[bflag:$0x3] =	sbarrier.arrive $0xFFFF;
	s2 =	simm.s32 @!p0 $0x1C01  }
0x49: {  	[timem:s3], [sflag:s2] =	dma.local @!p0 [hbm:s0], s1  }
0x4a: {  	s0 =	simm.s32 @!p0 $0x1  }
0x4b: {  	_ =	swait.ge @!p0 [sflag:s0], s1  }
0x4c: {  	s1 =	ssub.s32 @!p0 $0x0, s1;
	[sflag:s0] =	ssyncset.done @!p0 $0x0  }
0x4d: {  	[sflag:s0] =	ssyncadd.s32 @!p0 s1  }
0x4e: {  	[bflag:$0x3] =	sbarrier.arrive $0xFFFF  }
0x4f: {  	_ =	shalt  }

</sc_bundles>
